<compile_context>
chip_gen: v7x
topology: tpu7x:2x2x1
jax: 0.10.2.dev20260603
libtpu: 0.0.44.dev20260713+nightly
codegen_flags: <defaults>
</compile_context>

<pallas_src>
import jax
import jax.numpy as jnp
from jax import lax
from jax.experimental import pallas as pl
from jax.experimental.pallas import tpu as pltpu
from jax.experimental.pallas import tpu_sc as plsc

_W = 256
_NW = 32
_PITCH = 257


def kernel(x, table):
    B, L = x.shape
    V, D = table.shape
    N = B * L
    nbb = B // _W
    bb_per_w = nbb // _NW

    idx = x.T.reshape(N).astype(jnp.int32)

    mesh = plsc.VectorSubcoreMesh(core_axis_name="core",
                                  subcore_axis_name="subcore")

    @pl.kernel(
        out_type=jax.ShapeDtypeStruct((L, D // 8, B // 128, 8, 128),
                                      table.dtype),
        mesh=mesh,
        compiler_params=pltpu.CompilerParams(use_tc_tiling_on_sc=False,
                                             needs_layout_passes=False),
        scratch_types=[
            pltpu.VMEM((_W,), jnp.int32),
            pltpu.VMEM((_W,), jnp.int32),
            pltpu.VMEM((_W, D), jnp.float32),
            pltpu.VMEM((_W, D), jnp.float32),
            pltpu.VMEM((D // 8, 8, _PITCH), jnp.float32),
            pltpu.SemaphoreType.DMA,
            pltpu.SemaphoreType.DMA,
        ],
    )
    def gather_kernel(table_hbm, idx_hbm, out_hbm, ib0, ib1, g0, g1, tb,
                      sem0, sem1):
        wid = lax.axis_index("subcore") * 2 + lax.axis_index("core")
        bb0 = wid * bb_per_w

        lane = jnp.arange(16, dtype=jnp.int32)
        dt_ids = [(16 * c + lane) >> 3 for c in range(4)]
        dr_ids = [(16 * c + lane) & 7 for c in range(4)]

        def stage_and_fire(l, j, ib, g, sem):
            n0 = l * B + (bb0 + j) * _W
            pltpu.sync_copy(idx_hbm.at[pl.ds(n0, _W)], ib)
            pltpu.make_async_copy(table_hbm.at[ib], g, sem).start()

        def transpose_and_store(l, j, g):
            @plsc.parallel_loop(0, _W, step=1, unroll=8)
            def _(b):
                colv = jnp.full((16,), 0, jnp.int32) + b
                for c in range(4):
                    vals = g[b, pl.ds(16 * c, 16)]
                    plsc.store_scatter(tb, [dt_ids[c], dr_ids[c], colv], vals)
            for k in range(2):
                for dt in range(D // 8):
                    pltpu.sync_copy(
                        tb.at[dt, :, pl.ds(128 * k, 128)],
                        out_hbm.at[l, dt, (bb0 + j) * 2 + k],
                    )

        stage_and_fire(0, 0, ib0, g0, sem0)

        @pl.loop(0, L)
        def _(l):
            stage_and_fire(l, 1, ib1, g1, sem1)
            pltpu.make_async_copy(table_hbm.at[ib0], g0, sem0).wait()
            transpose_and_store(l, 0, g0)
            @pl.when(l < L - 1)
            def _():
                stage_and_fire(l + 1, 0, ib0, g0, sem0)
            pltpu.make_async_copy(table_hbm.at[ib1], g1, sem1).wait()
            transpose_and_store(l, 1, g1)

    out = gather_kernel(table, idx)
    return out.transpose(2, 4, 0, 1, 3).reshape(B, L, D)

# --- scband reference (transcript-rebuilt; emitter-appended) ---
"""Pipeline reference for scband-embedding-layer-28063316312831 (READ-ONLY COPY).

The authoritative reference and input builder live on the scoring server;
editing this copy changes nothing except your own understanding.
"""

import jax, jax.numpy as jnp
import numpy as np

VOCAB = 1000000
DIM = 64
B = 16384
L = 50

def setup_inputs(seed: int = 0) -> dict:
    key = jax.random.key(seed)
    k_idx, k_tab = jax.random.split(key)
    x = jax.random.randint(k_idx, (B, L), 0, VOCAB, dtype=jnp.int64) if jax.config.jax_enable_x64 else jax.random.randint(k_idx, (B, L), 0, VOCAB, dtype=jnp.int32)
    table = jax.random.normal(k_tab, (VOCAB, DIM), dtype=jnp.float32) * (1.0)
    return {"x": x, "table": table}

def reference(x, table):
    # nn.Embedding forward: gather rows of the embedding table
    return jnp.take(table, x, axis=0)

if __name__ == "__main__":
    import jax
    _d = setup_inputs()
    print(jax.jit(kernel)(*tuple(_d.values())))

</pallas_src>

<mosaic_0001>
#map = affine_map<(d0, d1) -> (0, 0)>
#map1 = affine_map<(d0, d1) -> (0)>
#map2 = affine_map<(d0, d1) -> (0, 0, 0, 0, 0)>
module attributes {stable_mosaic.version = 14 : i64} {
  func.func @gather_kernel(%arg0: i32, %arg1: i32, %arg2: memref<1000000x64xf32, #tpu.memory_space<hbm>>, %arg3: memref<819200xi32, #tpu.memory_space<hbm>>, %arg4: memref<50x8x128x8x128xf32, #tpu.memory_space<hbm>>, %arg5: memref<256xi32, #tpu.memory_space<vmem>>, %arg6: memref<256xi32, #tpu.memory_space<vmem>>, %arg7: memref<256x64xf32, #tpu.memory_space<vmem>>, %arg8: memref<256x64xf32, #tpu.memory_space<vmem>>, %arg9: memref<8x8x257xf32, #tpu.memory_space<vmem>>, %arg10: memref<!tpu.dma_semaphore, #tpu.memory_space<semaphore_mem>>, %arg11: memref<!tpu.dma_semaphore, #tpu.memory_space<semaphore_mem>>) attributes {dimension_semantics = [#tpu.dimension_semantics<core_parallel>, #tpu.dimension_semantics<subcore_parallel>], iteration_bounds = array<i64: 2, 16>, scalar_prefetch = 0 : i64, scratch_operands = 7 : i64, tpu.core_type = #tpu.core_type<sc_vector_subcore>, window_params = [{transform_indices = #map}, {transform_indices = #map1}, {transform_indices = #map2}]} {
    %mul3A = arith.constant 2 : i32
    %mul3A_0 = arith.muli %arg1, %mul3A : i32
    %add3A = arith.addi %mul3A_0, %arg0 : i32
    %mul3A_1 = arith.constant 2 : i32
    %mul3A_2 = arith.muli %add3A, %mul3A_1 : i32
    %iota3A = tpu.iota {dimensions = array<i32: 0>} : vector<16xi32>
    %add3A_3 = arith.constant 0 : i32
    %add3A_4 = vector.broadcast %add3A_3 : i32 to vector<16xi32>
    %add3A_5 = arith.addi %add3A_4, %iota3A : vector<16xi32>
    %shift_right_arithmetic3A = arith.constant 3 : i32
    %shift_right_arithmetic3A_6 = vector.broadcast %shift_right_arithmetic3A : i32 to vector<16xi32>
    %shift_right_arithmetic3A_7 = arith.shrsi %add3A_5, %shift_right_arithmetic3A_6 : vector<16xi32>
    %add3A_8 = arith.constant 16 : i32
    %add3A_9 = vector.broadcast %add3A_8 : i32 to vector<16xi32>
    %add3A_10 = arith.addi %add3A_9, %iota3A : vector<16xi32>
    %shift_right_arithmetic3A_11 = arith.constant 3 : i32
    %shift_right_arithmetic3A_12 = vector.broadcast %shift_right_arithmetic3A_11 : i32 to vector<16xi32>
    %shift_right_arithmetic3A_13 = arith.shrsi %add3A_10, %shift_right_arithmetic3A_12 : vector<16xi32>
    %add3A_14 = arith.constant 32 : i32
    %add3A_15 = vector.broadcast %add3A_14 : i32 to vector<16xi32>
    %add3A_16 = arith.addi %add3A_15, %iota3A : vector<16xi32>
    %shift_right_arithmetic3A_17 = arith.constant 3 : i32
    %shift_right_arithmetic3A_18 = vector.broadcast %shift_right_arithmetic3A_17 : i32 to vector<16xi32>
    %shift_right_arithmetic3A_19 = arith.shrsi %add3A_16, %shift_right_arithmetic3A_18 : vector<16xi32>
    %add3A_20 = arith.constant 48 : i32
    %add3A_21 = vector.broadcast %add3A_20 : i32 to vector<16xi32>
    %add3A_22 = arith.addi %add3A_21, %iota3A : vector<16xi32>
    %shift_right_arithmetic3A_23 = arith.constant 3 : i32
    %shift_right_arithmetic3A_24 = vector.broadcast %shift_right_arithmetic3A_23 : i32 to vector<16xi32>
    %shift_right_arithmetic3A_25 = arith.shrsi %add3A_22, %shift_right_arithmetic3A_24 : vector<16xi32>
    %add3A_26 = arith.constant 0 : i32
    %add3A_27 = vector.broadcast %add3A_26 : i32 to vector<16xi32>
    %add3A_28 = arith.addi %add3A_27, %iota3A : vector<16xi32>
    %and3A = arith.constant 7 : i32
    %and3A_29 = vector.broadcast %and3A : i32 to vector<16xi32>
    %and3A_30 = arith.andi %add3A_28, %and3A_29 : vector<16xi32>
    %add3A_31 = arith.constant 16 : i32
    %add3A_32 = vector.broadcast %add3A_31 : i32 to vector<16xi32>
    %add3A_33 = arith.addi %add3A_32, %iota3A : vector<16xi32>
    %and3A_34 = arith.constant 7 : i32
    %and3A_35 = vector.broadcast %and3A_34 : i32 to vector<16xi32>
    %and3A_36 = arith.andi %add3A_33, %and3A_35 : vector<16xi32>
    %add3A_37 = arith.constant 32 : i32
    %add3A_38 = vector.broadcast %add3A_37 : i32 to vector<16xi32>
    %add3A_39 = arith.addi %add3A_38, %iota3A : vector<16xi32>
    %and3A_40 = arith.constant 7 : i32
    %and3A_41 = vector.broadcast %and3A_40 : i32 to vector<16xi32>
    %and3A_42 = arith.andi %add3A_39, %and3A_41 : vector<16xi32>
    %add3A_43 = arith.constant 48 : i32
    %add3A_44 = vector.broadcast %add3A_43 : i32 to vector<16xi32>
    %add3A_45 = arith.addi %add3A_44, %iota3A : vector<16xi32>
    %and3A_46 = arith.constant 7 : i32
    %and3A_47 = vector.broadcast %and3A_46 : i32 to vector<16xi32>
    %and3A_48 = arith.andi %add3A_45, %and3A_47 : vector<16xi32>
    %add3A_49 = arith.constant 0 : i32
    %add3A_50 = arith.addi %mul3A_2, %add3A_49 : i32
    %mul3A_51 = arith.constant 256 : i32
    %mul3A_52 = arith.muli %add3A_50, %mul3A_51 : i32
    %add3A_53 = arith.constant 0 : i32
    %add3A_54 = arith.addi %add3A_53, %mul3A_52 : i32
    "tpu.region"() ({
      %run_scoped3A = tpu.sem_alloc : memref<!tpu.dma_semaphore, #tpu.memory_space<semaphore_mem>>
      %dma_start3A_61 = tpu.memref_slice %arg3[%add3A_54] : memref<819200xi32, #tpu.memory_space<hbm>> -> memref<256xi32, #tpu.memory_space<hbm>>
      %dma_start3A_62 = tpu.memref_slice %arg3[%add3A_54] : memref<819200xi32, #tpu.memory_space<hbm>> -> memref<256xi32, #tpu.memory_space<hbm>>
      tpu.enqueue_dma source(%dma_start3A_62 : memref<256xi32, #tpu.memory_space<hbm>>) target(%arg5 : memref<256xi32, #tpu.memory_space<vmem>>) target_semaphore(%run_scoped3A : memref<!tpu.dma_semaphore, #tpu.memory_space<semaphore_mem>>)
      %dma_wait3A = tpu.memref_slice %arg3[%add3A_54] : memref<819200xi32, #tpu.memory_space<hbm>> -> memref<256xi32, #tpu.memory_space<hbm>>
      %dma_wait3A_63 = tpu.memref_slice %arg3[%add3A_54] : memref<819200xi32, #tpu.memory_space<hbm>> -> memref<256xi32, #tpu.memory_space<hbm>>
      tpu.wait_dma2 semaphore(%run_scoped3A : memref<!tpu.dma_semaphore, #tpu.memory_space<semaphore_mem>>) src(%dma_wait3A_63 : memref<256xi32, #tpu.memory_space<hbm>>) dst(%arg5 : memref<256xi32, #tpu.memory_space<vmem>>)
      tpu.yield
    }) : () -> ()
    %dma_start3A = arith.constant 0 : i32
    %dma_start3A_55 = arith.constant 0 : i32
    %dma_start3A_56 = tpu.memref_slice %arg2[%dma_start3A, %dma_start3A_55] : memref<1000000x64xf32, #tpu.memory_space<hbm>> -> memref<1000000x64xf32, #tpu.memory_space<hbm>>
    tpu.enqueue_indirect_dma source(%dma_start3A_56 : memref<1000000x64xf32, #tpu.memory_space<hbm>>) target(%arg7 : memref<256x64xf32, #tpu.memory_space<vmem>>) offsets(%arg5 : memref<256xi32, #tpu.memory_space<vmem>>) semaphore(%arg10 : memref<!tpu.dma_semaphore, #tpu.memory_space<semaphore_mem>>)
    %scan3A = arith.constant 0 : i32
    %scan3A_57 = arith.constant 50 : i32
    %scan3A_58 = arith.addi %scan3A, %scan3A_57 : i32
    %scan3A_59 = arith.constant 1 : i32
    scf.for %scan3A_61 = %scan3A to %scan3A_58 step %scan3A_59  : i32 {
      %mul3A_62 = arith.constant 1 : i32
      %mul3A_63 = arith.muli %scan3A_61, %mul3A_62 : i32
      %add3A_64 = arith.constant 0 : i32
      %add3A_65 = arith.addi %add3A_64, %mul3A_63 : i32
      %mul3A_66 = arith.constant 16384 : i32
      %mul3A_67 = arith.muli %add3A_65, %mul3A_66 : i32
      %add3A_68 = arith.constant 1 : i32
      %add3A_69 = arith.addi %mul3A_2, %add3A_68 : i32
      %mul3A_70 = arith.constant 256 : i32
      %mul3A_71 = arith.muli %add3A_69, %mul3A_70 : i32
      %add3A_72 = arith.addi %mul3A_67, %mul3A_71 : i32
      "tpu.region"() ({
        %run_scoped3A_343 = tpu.sem_alloc : memref<!tpu.dma_semaphore, #tpu.memory_space<semaphore_mem>>
        %dma_start3A_344 = tpu.memref_slice %arg3[%add3A_72] : memref<819200xi32, #tpu.memory_space<hbm>> -> memref<256xi32, #tpu.memory_space<hbm>>
        %dma_start3A_345 = tpu.memref_slice %arg3[%add3A_72] : memref<819200xi32, #tpu.memory_space<hbm>> -> memref<256xi32, #tpu.memory_space<hbm>>
        tpu.enqueue_dma source(%dma_start3A_345 : memref<256xi32, #tpu.memory_space<hbm>>) target(%arg6 : memref<256xi32, #tpu.memory_space<vmem>>) target_semaphore(%run_scoped3A_343 : memref<!tpu.dma_semaphore, #tpu.memory_space<semaphore_mem>>)
        %dma_wait3A_346 = tpu.memref_slice %arg3[%add3A_72] : memref<819200xi32, #tpu.memory_space<hbm>> -> memref<256xi32, #tpu.memory_space<hbm>>
        %dma_wait3A_347 = tpu.memref_slice %arg3[%add3A_72] : memref<819200xi32, #tpu.memory_space<hbm>> -> memref<256xi32, #tpu.memory_space<hbm>>
        tpu.wait_dma2 semaphore(%run_scoped3A_343 : memref<!tpu.dma_semaphore, #tpu.memory_space<semaphore_mem>>) src(%dma_wait3A_347 : memref<256xi32, #tpu.memory_space<hbm>>) dst(%arg6 : memref<256xi32, #tpu.memory_space<vmem>>)
        tpu.yield
      }) : () -> ()
      %dma_start3A_73 = arith.constant 0 : i32
      %dma_start3A_74 = arith.constant 0 : i32
      %dma_start3A_75 = tpu.memref_slice %arg2[%dma_start3A_73, %dma_start3A_74] : memref<1000000x64xf32, #tpu.memory_space<hbm>> -> memref<1000000x64xf32, #tpu.memory_space<hbm>>
      tpu.enqueue_indirect_dma source(%dma_start3A_75 : memref<1000000x64xf32, #tpu.memory_space<hbm>>) target(%arg8 : memref<256x64xf32, #tpu.memory_space<vmem>>) offsets(%arg6 : memref<256xi32, #tpu.memory_space<vmem>>) semaphore(%arg11 : memref<!tpu.dma_semaphore, #tpu.memory_space<semaphore_mem>>)
      %dma_wait3A = arith.constant 0 : i32
      %dma_wait3A_76 = arith.constant 0 : i32
      %dma_wait3A_77 = tpu.memref_slice %arg2[%dma_wait3A, %dma_wait3A_76] : memref<1000000x64xf32, #tpu.memory_space<hbm>> -> memref<1000000x64xf32, #tpu.memory_space<hbm>>
      tpu.wait_indirect_dma semaphore(%arg10 : memref<!tpu.dma_semaphore, #tpu.memory_space<semaphore_mem>>) src(%dma_wait3A_77 : memref<1000000x64xf32, #tpu.memory_space<hbm>>) dst(%arg7 : memref<256x64xf32, #tpu.memory_space<vmem>>)
      %parallel_loop3A = arith.constant 0 : i32
      %parallel_loop3A_78 = arith.constant 256 : i32
      %parallel_loop3A_79 = arith.constant 1 : i32
      scf.for %parallel_loop3A_343 = %parallel_loop3A to %parallel_loop3A_78 step %parallel_loop3A_79  : i32 {
        %parallel_loop3A_344 = arith.constant 0 : i32
        %parallel_loop3A_345 = vector.broadcast %parallel_loop3A_344 : i32 to vector<16xi32>
        %parallel_loop3A_346 = vector.broadcast %parallel_loop3A_343 : i32 to vector<16xi32>
        %parallel_loop3A_347 = arith.addi %parallel_loop3A_345, %parallel_loop3A_346 : vector<16xi32>
        %parallel_loop3A_348 = arith.index_cast %parallel_loop3A_343 : i32 to index
        %parallel_loop3A_349 = arith.constant 0 : index
        %parallel_loop3A_350 = tpu.vector_load %arg7[%parallel_loop3A_348, %parallel_loop3A_349] {strides = array<i32>} : memref<256x64xf32, #tpu.memory_space<vmem>>, vector<16xf32>,
        tpu.vector_store_idx %arg9[%shift_right_arithmetic3A_7, %and3A_30, %parallel_loop3A_347], %parallel_loop3A_350 : memref<8x8x257xf32, #tpu.memory_space<vmem>>[vector<16xi32>, vector<16xi32>, vector<16xi32>], vector<16xf32>,
        %parallel_loop3A_351 = arith.index_cast %parallel_loop3A_343 : i32 to index
        %parallel_loop3A_352 = arith.constant 16 : index
        %parallel_loop3A_353 = tpu.vector_load %arg7[%parallel_loop3A_351, %parallel_loop3A_352] {strides = array<i32>} : memref<256x64xf32, #tpu.memory_space<vmem>>, vector<16xf32>,
        tpu.vector_store_idx %arg9[%shift_right_arithmetic3A_13, %and3A_36, %parallel_loop3A_347], %parallel_loop3A_353 : memref<8x8x257xf32, #tpu.memory_space<vmem>>[vector<16xi32>, vector<16xi32>, vector<16xi32>], vector<16xf32>,
        %parallel_loop3A_354 = arith.index_cast %parallel_loop3A_343 : i32 to index
        %parallel_loop3A_355 = arith.constant 32 : index
        %parallel_loop3A_356 = tpu.vector_load %arg7[%parallel_loop3A_354, %parallel_loop3A_355] {strides = array<i32>} : memref<256x64xf32, #tpu.memory_space<vmem>>, vector<16xf32>,
        tpu.vector_store_idx %arg9[%shift_right_arithmetic3A_19, %and3A_42, %parallel_loop3A_347], %parallel_loop3A_356 : memref<8x8x257xf32, #tpu.memory_space<vmem>>[vector<16xi32>, vector<16xi32>, vector<16xi32>], vector<16xf32>,
        %parallel_loop3A_357 = arith.index_cast %parallel_loop3A_343 : i32 to index
        %parallel_loop3A_358 = arith.constant 48 : index
        %parallel_loop3A_359 = tpu.vector_load %arg7[%parallel_loop3A_357, %parallel_loop3A_358] {strides = array<i32>} : memref<256x64xf32, #tpu.memory_space<vmem>>, vector<16xf32>,
        tpu.vector_store_idx %arg9[%shift_right_arithmetic3A_25, %and3A_48, %parallel_loop3A_347], %parallel_loop3A_359 : memref<8x8x257xf32, #tpu.memory_space<vmem>>[vector<16xi32>, vector<16xi32>, vector<16xi32>], vector<16xf32>,
      } {sc.loop_unroll_factor = 8 : i64, sc.parallel_access}
      %add3A_80 = arith.constant 0 : i32
      %add3A_81 = arith.addi %mul3A_2, %add3A_80 : i32
      %mul3A_82 = arith.constant 2 : i32
      %mul3A_83 = arith.muli %add3A_81, %mul3A_82 : i32
      %add3A_84 = arith.constant 0 : i32
      %add3A_85 = arith.addi %mul3A_83, %add3A_84 : i32
      %run_scoped3A = arith.constant 0 : i32
      %run_scoped3A_86 = arith.constant 0 : i32
      "tpu.region"() ({
        %run_scoped3A_343 = tpu.sem_alloc : memref<!tpu.dma_semaphore, #tpu.memory_space<semaphore_mem>>
        %dma_start3A_344 = arith.constant 0 : i32
        %dma_start3A_345 = arith.constant 0 : i32
        %dma_start3A_346 = tpu.memref_slice %arg9[%run_scoped3A, %dma_start3A_344, %dma_start3A_345] : memref<8x8x257xf32, #tpu.memory_space<vmem>> -> memref<1x8x128xf32, #tpu.memory_space<vmem>>
        %dma_start3A_347 = tpu.memref_squeeze %dma_start3A_346 : memref<1x8x128xf32, #tpu.memory_space<vmem>> -> memref<8x128xf32, #tpu.memory_space<vmem>>
        %dma_start3A_348 = arith.constant 0 : i32
        %dma_start3A_349 = arith.constant 0 : i32
        %dma_start3A_350 = tpu.memref_slice %arg4[%add3A_65, %run_scoped3A_86, %add3A_85, %dma_start3A_348, %dma_start3A_349] : memref<50x8x128x8x128xf32, #tpu.memory_space<hbm>> -> memref<1x1x1x8x128xf32, #tpu.memory_space<hbm>>
        %dma_start3A_351 = tpu.memref_squeeze %dma_start3A_350 : memref<1x1x1x8x128xf32, #tpu.memory_space<hbm>> -> memref<8x128xf32, #tpu.memory_space<hbm>>
        %dma_start3A_352 = arith.constant 0 : i32
        %dma_start3A_353 = arith.constant 0 : i32
        %dma_start3A_354 = tpu.memref_slice %arg4[%add3A_65, %run_scoped3A_86, %add3A_85, %dma_start3A_352, %dma_start3A_353] : memref<50x8x128x8x128xf32, #tpu.memory_space<hbm>> -> memref<1x1x1x8x128xf32, #tpu.memory_space<hbm>>
        %dma_start3A_355 = tpu.memref_squeeze %dma_start3A_354 : memref<1x1x1x8x128xf32, #tpu.memory_space<hbm>> -> memref<8x128xf32, #tpu.memory_space<hbm>>
        %dma_start3A_356 = arith.constant 0 : i32
        %dma_start3A_357 = arith.constant 0 : i32
        %dma_start3A_358 = tpu.memref_slice %arg9[%run_scoped3A, %dma_start3A_356, %dma_start3A_357] : memref<8x8x257xf32, #tpu.memory_space<vmem>> -> memref<1x8x128xf32, #tpu.memory_space<vmem>>
        %dma_start3A_359 = tpu.memref_squeeze %dma_start3A_358 : memref<1x8x128xf32, #tpu.memory_space<vmem>> -> memref<8x128xf32, #tpu.memory_space<vmem>>
        tpu.enqueue_dma source(%dma_start3A_359 : memref<8x128xf32, #tpu.memory_space<vmem>>) target(%dma_start3A_355 : memref<8x128xf32, #tpu.memory_space<hbm>>) target_semaphore(%run_scoped3A_343 : memref<!tpu.dma_semaphore, #tpu.memory_space<semaphore_mem>>)
        %dma_wait3A_360 = arith.constant 0 : i32
        %dma_wait3A_361 = arith.constant 0 : i32
        %dma_wait3A_362 = tpu.memref_slice %arg9[%run_scoped3A, %dma_wait3A_360, %dma_wait3A_361] : memref<8x8x257xf32, #tpu.memory_space<vmem>> -> memref<1x8x128xf32, #tpu.memory_space<vmem>>
        %dma_wait3A_363 = tpu.memref_squeeze %dma_wait3A_362 : memref<1x8x128xf32, #tpu.memory_space<vmem>> -> memref<8x128xf32, #tpu.memory_space<vmem>>
        %dma_wait3A_364 = arith.constant 0 : i32
        %dma_wait3A_365 = arith.constant 0 : i32
        %dma_wait3A_366 = tpu.memref_slice %arg4[%add3A_65, %run_scoped3A_86, %add3A_85, %dma_wait3A_364, %dma_wait3A_365] : memref<50x8x128x8x128xf32, #tpu.memory_space<hbm>> -> memref<1x1x1x8x128xf32, #tpu.memory_space<hbm>>
        %dma_wait3A_367 = tpu.memref_squeeze %dma_wait3A_366 : memref<1x1x1x8x128xf32, #tpu.memory_space<hbm>> -> memref<8x128xf32, #tpu.memory_space<hbm>>
        %dma_wait3A_368 = arith.constant 0 : i32
        %dma_wait3A_369 = arith.constant 0 : i32
        %dma_wait3A_370 = tpu.memref_slice %arg4[%add3A_65, %run_scoped3A_86, %add3A_85, %dma_wait3A_368, %dma_wait3A_369] : memref<50x8x128x8x128xf32, #tpu.memory_space<hbm>> -> memref<1x1x1x8x128xf32, #tpu.memory_space<hbm>>
        %dma_wait3A_371 = tpu.memref_squeeze %dma_wait3A_370 : memref<1x1x1x8x128xf32, #tpu.memory_space<hbm>> -> memref<8x128xf32, #tpu.memory_space<hbm>>
        %dma_wait3A_372 = arith.constant 0 : i32
        %dma_wait3A_373 = arith.constant 0 : i32
        %dma_wait3A_374 = tpu.memref_slice %arg9[%run_scoped3A, %dma_wait3A_372, %dma_wait3A_373] : memref<8x8x257xf32, #tpu.memory_space<vmem>> -> memref<1x8x128xf32, #tpu.memory_space<vmem>>
        %dma_wait3A_375 = tpu.memref_squeeze %dma_wait3A_374 : memref<1x8x128xf32, #tpu.memory_space<vmem>> -> memref<8x128xf32, #tpu.memory_space<vmem>>
        tpu.wait_dma2 semaphore(%run_scoped3A_343 : memref<!tpu.dma_semaphore, #tpu.memory_space<semaphore_mem>>) src(%dma_wait3A_375 : memref<8x128xf32, #tpu.memory_space<vmem>>) dst(%dma_wait3A_371 : memref<8x128xf32, #tpu.memory_space<hbm>>)
        tpu.yield
      }) : () -> ()
      %add3A_87 = arith.constant 0 : i32
      %add3A_88 = arith.addi %mul3A_2, %add3A_87 : i32
      %mul3A_89 = arith.constant 2 : i32
      %mul3A_90 = arith.muli %add3A_88, %mul3A_89 : i32
      %add3A_91 = arith.constant 0 : i32
      %add3A_92 = arith.addi %mul3A_90, %add3A_91 : i32
      %run_scoped3A_93 = arith.constant 1 : i32
      %run_scoped3A_94 = arith.constant 1 : i32
      "tpu.region"() ({
        %run_scoped3A_343 = tpu.sem_alloc : memref<!tpu.dma_semaphore, #tpu.memory_space<semaphore_mem>>
        %dma_start3A_344 = arith.constant 0 : i32
        %dma_start3A_345 = arith.constant 0 : i32
        %dma_start3A_346 = tpu.memref_slice %arg9[%run_scoped3A_93, %dma_start3A_344, %dma_start3A_345] : memref<8x8x257xf32, #tpu.memory_space<vmem>> -> memref<1x8x128xf32, #tpu.memory_space<vmem>>
        %dma_start3A_347 = tpu.memref_squeeze %dma_start3A_346 : memref<1x8x128xf32, #tpu.memory_space<vmem>> -> memref<8x128xf32, #tpu.memory_space<vmem>>
        %dma_start3A_348 = arith.constant 0 : i32
        %dma_start3A_349 = arith.constant 0 : i32
        %dma_start3A_350 = tpu.memref_slice %arg4[%add3A_65, %run_scoped3A_94, %add3A_92, %dma_start3A_348, %dma_start3A_349] : memref<50x8x128x8x128xf32, #tpu.memory_space<hbm>> -> memref<1x1x1x8x128xf32, #tpu.memory_space<hbm>>
        %dma_start3A_351 = tpu.memref_squeeze %dma_start3A_350 : memref<1x1x1x8x128xf32, #tpu.memory_space<hbm>> -> memref<8x128xf32, #tpu.memory_space<hbm>>
        %dma_start3A_352 = arith.constant 0 : i32
        %dma_start3A_353 = arith.constant 0 : i32
        %dma_start3A_354 = tpu.memref_slice %arg4[%add3A_65, %run_scoped3A_94, %add3A_92, %dma_start3A_352, %dma_start3A_353] : memref<50x8x128x8x128xf32, #tpu.memory_space<hbm>> -> memref<1x1x1x8x128xf32, #tpu.memory_space<hbm>>
        %dma_start3A_355 = tpu.memref_squeeze %dma_start3A_354 : memref<1x1x1x8x128xf32, #tpu.memory_space<hbm>> -> memref<8x128xf32, #tpu.memory_space<hbm>>
        %dma_start3A_356 = arith.constant 0 : i32
        %dma_start3A_357 = arith.constant 0 : i32
        %dma_start3A_358 = tpu.memref_slice %arg9[%run_scoped3A_93, %dma_start3A_356, %dma_start3A_357] : memref<8x8x257xf32, #tpu.memory_space<vmem>> -> memref<1x8x128xf32, #tpu.memory_space<vmem>>
        %dma_start3A_359 = tpu.memref_squeeze %dma_start3A_358 : memref<1x8x128xf32, #tpu.memory_space<vmem>> -> memref<8x128xf32, #tpu.memory_space<vmem>>
        tpu.enqueue_dma source(%dma_start3A_359 : memref<8x128xf32, #tpu.memory_space<vmem>>) target(%dma_start3A_355 : memref<8x128xf32, #tpu.memory_space<hbm>>) target_semaphore(%run_scoped3A_343 : memref<!tpu.dma_semaphore, #tpu.memory_space<semaphore_mem>>)
        %dma_wait3A_360 = arith.constant 0 : i32
        %dma_wait3A_361 = arith.constant 0 : i32
        %dma_wait3A_362 = tpu.memref_slice %arg9[%run_scoped3A_93, %dma_wait3A_360, %dma_wait3A_361] : memref<8x8x257xf32, #tpu.memory_space<vmem>> -> memref<1x8x128xf32, #tpu.memory_space<vmem>>
        %dma_wait3A_363 = tpu.memref_squeeze %dma_wait3A_362 : memref<1x8x128xf32, #tpu.memory_space<vmem>> -> memref<8x128xf32, #tpu.memory_space<vmem>>
        %dma_wait3A_364 = arith.constant 0 : i32
        %dma_wait3A_365 = arith.constant 0 : i32
        %dma_wait3A_366 = tpu.memref_slice %arg4[%add3A_65, %run_scoped3A_94, %add3A_92, %dma_wait3A_364, %dma_wait3A_365] : memref<50x8x128x8x128xf32, #tpu.memory_space<hbm>> -> memref<1x1x1x8x128xf32, #tpu.memory_space<hbm>>
        %dma_wait3A_367 = tpu.memref_squeeze %dma_wait3A_366 : memref<1x1x1x8x128xf32, #tpu.memory_space<hbm>> -> memref<8x128xf32, #tpu.memory_space<hbm>>
        %dma_wait3A_368 = arith.constant 0 : i32
        %dma_wait3A_369 = arith.constant 0 : i32
        %dma_wait3A_370 = tpu.memref_slice %arg4[%add3A_65, %run_scoped3A_94, %add3A_92, %dma_wait3A_368, %dma_wait3A_369] : memref<50x8x128x8x128xf32, #tpu.memory_space<hbm>> -> memref<1x1x1x8x128xf32, #tpu.memory_space<hbm>>
        %dma_wait3A_371 = tpu.memref_squeeze %dma_wait3A_370 : memref<1x1x1x8x128xf32, #tpu.memory_space<hbm>> -> memref<8x128xf32, #tpu.memory_space<hbm>>
        %dma_wait3A_372 = arith.constant 0 : i32
        %dma_wait3A_373 = arith.constant 0 : i32
        %dma_wait3A_374 = tpu.memref_slice %arg9[%run_scoped3A_93, %dma_wait3A_372, %dma_wait3A_373] : memref<8x8x257xf32, #tpu.memory_space<vmem>> -> memref<1x8x128xf32, #tpu.memory_space<vmem>>
        %dma_wait3A_375 = tpu.memref_squeeze %dma_wait3A_374 : memref<1x8x128xf32, #tpu.memory_space<vmem>> -> memref<8x128xf32, #tpu.memory_space<vmem>>
        tpu.wait_dma2 semaphore(%run_scoped3A_343 : memref<!tpu.dma_semaphore, #tpu.memory_space<semaphore_mem>>) src(%dma_wait3A_375 : memref<8x128xf32, #tpu.memory_space<vmem>>) dst(%dma_wait3A_371 : memref<8x128xf32, #tpu.memory_space<hbm>>)
        tpu.yield
      }) : () -> ()
      %add3A_95 = arith.constant 0 : i32
      %add3A_96 = arith.addi %mul3A_2, %add3A_95 : i32
      %mul3A_97 = arith.constant 2 : i32
      %mul3A_98 = arith.muli %add3A_96, %mul3A_97 : i32
      %add3A_99 = arith.constant 0 : i32
      %add3A_100 = arith.addi %mul3A_98, %add3A_99 : i32
      %run_scoped3A_101 = arith.constant 2 : i32
      %run_scoped3A_102 = arith.constant 2 : i32
      "tpu.region"() ({
        %run_scoped3A_343 = tpu.sem_alloc : memref<!tpu.dma_semaphore, #tpu.memory_space<semaphore_mem>>
        %dma_start3A_344 = arith.constant 0 : i32
        %dma_start3A_345 = arith.constant 0 : i32
        %dma_start3A_346 = tpu.memref_slice %arg9[%run_scoped3A_101, %dma_start3A_344, %dma_start3A_345] : memref<8x8x257xf32, #tpu.memory_space<vmem>> -> memref<1x8x128xf32, #tpu.memory_space<vmem>>
        %dma_start3A_347 = tpu.memref_squeeze %dma_start3A_346 : memref<1x8x128xf32, #tpu.memory_space<vmem>> -> memref<8x128xf32, #tpu.memory_space<vmem>>
        %dma_start3A_348 = arith.constant 0 : i32
        %dma_start3A_349 = arith.constant 0 : i32
        %dma_start3A_350 = tpu.memref_slice %arg4[%add3A_65, %run_scoped3A_102, %add3A_100, %dma_start3A_348, %dma_start3A_349] : memref<50x8x128x8x128xf32, #tpu.memory_space<hbm>> -> memref<1x1x1x8x128xf32, #tpu.memory_space<hbm>>
        %dma_start3A_351 = tpu.memref_squeeze %dma_start3A_350 : memref<1x1x1x8x128xf32, #tpu.memory_space<hbm>> -> memref<8x128xf32, #tpu.memory_space<hbm>>
        %dma_start3A_352 = arith.constant 0 : i32
        %dma_start3A_353 = arith.constant 0 : i32
        %dma_start3A_354 = tpu.memref_slice %arg4[%add3A_65, %run_scoped3A_102, %add3A_100, %dma_start3A_352, %dma_start3A_353] : memref<50x8x128x8x128xf32, #tpu.memory_space<hbm>> -> memref<1x1x1x8x128xf32, #tpu.memory_space<hbm>>
        %dma_start3A_355 = tpu.memref_squeeze %dma_start3A_354 : memref<1x1x1x8x128xf32, #tpu.memory_space<hbm>> -> memref<8x128xf32, #tpu.memory_space<hbm>>
        %dma_start3A_356 = arith.constant 0 : i32
        %dma_start3A_357 = arith.constant 0 : i32
        %dma_start3A_358 = tpu.memref_slice %arg9[%run_scoped3A_101, %dma_start3A_356, %dma_start3A_357] : memref<8x8x257xf32, #tpu.memory_space<vmem>> -> memref<1x8x128xf32, #tpu.memory_space<vmem>>
        %dma_start3A_359 = tpu.memref_squeeze %dma_start3A_358 : memref<1x8x128xf32, #tpu.memory_space<vmem>> -> memref<8x128xf32, #tpu.memory_space<vmem>>
        tpu.enqueue_dma source(%dma_start3A_359 : memref<8x128xf32, #tpu.memory_space<vmem>>) target(%dma_start3A_355 : memref<8x128xf32, #tpu.memory_space<hbm>>) target_semaphore(%run_scoped3A_343 : memref<!tpu.dma_semaphore, #tpu.memory_space<semaphore_mem>>)
        %dma_wait3A_360 = arith.constant 0 : i32
        %dma_wait3A_361 = arith.constant 0 : i32
        %dma_wait3A_362 = tpu.memref_slice %arg9[%run_scoped3A_101, %dma_wait3A_360, %dma_wait3A_361] : memref<8x8x257xf32, #tpu.memory_space<vmem>> -> memref<1x8x128xf32, #tpu.memory_space<vmem>>
        %dma_wait3A_363 = tpu.memref_squeeze %dma_wait3A_362 : memref<1x8x128xf32, #tpu.memory_space<vmem>> -> memref<8x128xf32, #tpu.memory_space<vmem>>
        %dma_wait3A_364 = arith.constant 0 : i32
        %dma_wait3A_365 = arith.constant 0 : i32
        %dma_wait3A_366 = tpu.memref_slice %arg4[%add3A_65, %run_scoped3A_102, %add3A_100, %dma_wait3A_364, %dma_wait3A_365] : memref<50x8x128x8x128xf32, #tpu.memory_space<hbm>> -> memref<1x1x1x8x128xf32, #tpu.memory_space<hbm>>
        %dma_wait3A_367 = tpu.memref_squeeze %dma_wait3A_366 : memref<1x1x1x8x128xf32, #tpu.memory_space<hbm>> -> memref<8x128xf32, #tpu.memory_space<hbm>>
        %dma_wait3A_368 = arith.constant 0 : i32
        %dma_wait3A_369 = arith.constant 0 : i32
        %dma_wait3A_370 = tpu.memref_slice %arg4[%add3A_65, %run_scoped3A_102, %add3A_100, %dma_wait3A_368, %dma_wait3A_369] : memref<50x8x128x8x128xf32, #tpu.memory_space<hbm>> -> memref<1x1x1x8x128xf32, #tpu.memory_space<hbm>>
        %dma_wait3A_371 = tpu.memref_squeeze %dma_wait3A_370 : memref<1x1x1x8x128xf32, #tpu.memory_space<hbm>> -> memref<8x128xf32, #tpu.memory_space<hbm>>
        %dma_wait3A_372 = arith.constant 0 : i32
        %dma_wait3A_373 = arith.constant 0 : i32
        %dma_wait3A_374 = tpu.memref_slice %arg9[%run_scoped3A_101, %dma_wait3A_372, %dma_wait3A_373] : memref<8x8x257xf32, #tpu.memory_space<vmem>> -> memref<1x8x128xf32, #tpu.memory_space<vmem>>
        %dma_wait3A_375 = tpu.memref_squeeze %dma_wait3A_374 : memref<1x8x128xf32, #tpu.memory_space<vmem>> -> memref<8x128xf32, #tpu.memory_space<vmem>>
        tpu.wait_dma2 semaphore(%run_scoped3A_343 : memref<!tpu.dma_semaphore, #tpu.memory_space<semaphore_mem>>) src(%dma_wait3A_375 : memref<8x128xf32, #tpu.memory_space<vmem>>) dst(%dma_wait3A_371 : memref<8x128xf32, #tpu.memory_space<hbm>>)
        tpu.yield
      }) : () -> ()
      %add3A_103 = arith.constant 0 : i32
      %add3A_104 = arith.addi %mul3A_2, %add3A_103 : i32
      %mul3A_105 = arith.constant 2 : i32
      %mul3A_106 = arith.muli %add3A_104, %mul3A_105 : i32
      %add3A_107 = arith.constant 0 : i32
      %add3A_108 = arith.addi %mul3A_106, %add3A_107 : i32
      %run_scoped3A_109 = arith.constant 3 : i32
      %run_scoped3A_110 = arith.constant 3 : i32
      "tpu.region"() ({
        %run_scoped3A_343 = tpu.sem_alloc : memref<!tpu.dma_semaphore, #tpu.memory_space<semaphore_mem>>
        %dma_start3A_344 = arith.constant 0 : i32
        %dma_start3A_345 = arith.constant 0 : i32
        %dma_start3A_346 = tpu.memref_slice %arg9[%run_scoped3A_109, %dma_start3A_344, %dma_start3A_345] : memref<8x8x257xf32, #tpu.memory_space<vmem>> -> memref<1x8x128xf32, #tpu.memory_space<vmem>>
        %dma_start3A_347 = tpu.memref_squeeze %dma_start3A_346 : memref<1x8x128xf32, #tpu.memory_space<vmem>> -> memref<8x128xf32, #tpu.memory_space<vmem>>
        %dma_start3A_348 = arith.constant 0 : i32
        %dma_start3A_349 = arith.constant 0 : i32
        %dma_start3A_350 = tpu.memref_slice %arg4[%add3A_65, %run_scoped3A_110, %add3A_108, %dma_start3A_348, %dma_start3A_349] : memref<50x8x128x8x128xf32, #tpu.memory_space<hbm>> -> memref<1x1x1x8x128xf32, #tpu.memory_space<hbm>>
        %dma_start3A_351 = tpu.memref_squeeze %dma_start3A_350 : memref<1x1x1x8x128xf32, #tpu.memory_space<hbm>> -> memref<8x128xf32, #tpu.memory_space<hbm>>
        %dma_start3A_352 = arith.constant 0 : i32
        %dma_start3A_353 = arith.constant 0 : i32
        %dma_start3A_354 = tpu.memref_slice %arg4[%add3A_65, %run_scoped3A_110, %add3A_108, %dma_start3A_352, %dma_start3A_353] : memref<50x8x128x8x128xf32, #tpu.memory_space<hbm>> -> memref<1x1x1x8x128xf32, #tpu.memory_space<hbm>>
        %dma_start3A_355 = tpu.memref_squeeze %dma_start3A_354 : memref<1x1x1x8x128xf32, #tpu.memory_space<hbm>> -> memref<8x128xf32, #tpu.memory_space<hbm>>
        %dma_start3A_356 = arith.constant 0 : i32
        %dma_start3A_357 = arith.constant 0 : i32
        %dma_start3A_358 = tpu.memref_slice %arg9[%run_scoped3A_109, %dma_start3A_356, %dma_start3A_357] : memref<8x8x257xf32, #tpu.memory_space<vmem>> -> memref<1x8x128xf32, #tpu.memory_space<vmem>>
        %dma_start3A_359 = tpu.memref_squeeze %dma_start3A_358 : memref<1x8x128xf32, #tpu.memory_space<vmem>> -> memref<8x128xf32, #tpu.memory_space<vmem>>
        tpu.enqueue_dma source(%dma_start3A_359 : memref<8x128xf32, #tpu.memory_space<vmem>>) target(%dma_start3A_355 : memref<8x128xf32, #tpu.memory_space<hbm>>) target_semaphore(%run_scoped3A_343 : memref<!tpu.dma_semaphore, #tpu.memory_space<semaphore_mem>>)
        %dma_wait3A_360 = arith.constant 0 : i32
        %dma_wait3A_361 = arith.constant 0 : i32
        %dma_wait3A_362 = tpu.memref_slice %arg9[%run_scoped3A_109, %dma_wait3A_360, %dma_wait3A_361] : memref<8x8x257xf32, #tpu.memory_space<vmem>> -> memref<1x8x128xf32, #tpu.memory_space<vmem>>
        %dma_wait3A_363 = tpu.memref_squeeze %dma_wait3A_362 : memref<1x8x128xf32, #tpu.memory_space<vmem>> -> memref<8x128xf32, #tpu.memory_space<vmem>>
        %dma_wait3A_364 = arith.constant 0 : i32
        %dma_wait3A_365 = arith.constant 0 : i32
        %dma_wait3A_366 = tpu.memref_slice %arg4[%add3A_65, %run_scoped3A_110, %add3A_108, %dma_wait3A_364, %dma_wait3A_365] : memref<50x8x128x8x128xf32, #tpu.memory_space<hbm>> -> memref<1x1x1x8x128xf32, #tpu.memory_space<hbm>>
        %dma_wait3A_367 = tpu.memref_squeeze %dma_wait3A_366 : memref<1x1x1x8x128xf32, #tpu.memory_space<hbm>> -> memref<8x128xf32, #tpu.memory_space<hbm>>
        %dma_wait3A_368 = arith.constant 0 : i32
        %dma_wait3A_369 = arith.constant 0 : i32
        %dma_wait3A_370 = tpu.memref_slice %arg4[%add3A_65, %run_scoped3A_110, %add3A_108, %dma_wait3A_368, %dma_wait3A_369] : memref<50x8x128x8x128xf32, #tpu.memory_space<hbm>> -> memref<1x1x1x8x128xf32, #tpu.memory_space<hbm>>
        %dma_wait3A_371 = tpu.memref_squeeze %dma_wait3A_370 : memref<1x1x1x8x128xf32, #tpu.memory_space<hbm>> -> memref<8x128xf32, #tpu.memory_space<hbm>>
        %dma_wait3A_372 = arith.constant 0 : i32
        %dma_wait3A_373 = arith.constant 0 : i32
        %dma_wait3A_374 = tpu.memref_slice %arg9[%run_scoped3A_109, %dma_wait3A_372, %dma_wait3A_373] : memref<8x8x257xf32, #tpu.memory_space<vmem>> -> memref<1x8x128xf32, #tpu.memory_space<vmem>>
        %dma_wait3A_375 = tpu.memref_squeeze %dma_wait3A_374 : memref<1x8x128xf32, #tpu.memory_space<vmem>> -> memref<8x128xf32, #tpu.memory_space<vmem>>
        tpu.wait_dma2 semaphore(%run_scoped3A_343 : memref<!tpu.dma_semaphore, #tpu.memory_space<semaphore_mem>>) src(%dma_wait3A_375 : memref<8x128xf32, #tpu.memory_space<vmem>>) dst(%dma_wait3A_371 : memref<8x128xf32, #tpu.memory_space<hbm>>)
        tpu.yield
      }) : () -> ()
      %add3A_111 = arith.constant 0 : i32
      %add3A_112 = arith.addi %mul3A_2, %add3A_111 : i32
      %mul3A_113 = arith.constant 2 : i32
      %mul3A_114 = arith.muli %add3A_112, %mul3A_113 : i32
      %add3A_115 = arith.constant 0 : i32
      %add3A_116 = arith.addi %mul3A_114, %add3A_115 : i32
      %run_scoped3A_117 = arith.constant 4 : i32
      %run_scoped3A_118 = arith.constant 4 : i32
      "tpu.region"() ({
        %run_scoped3A_343 = tpu.sem_alloc : memref<!tpu.dma_semaphore, #tpu.memory_space<semaphore_mem>>
        %dma_start3A_344 = arith.constant 0 : i32
        %dma_start3A_345 = arith.constant 0 : i32
        %dma_start3A_346 = tpu.memref_slice %arg9[%run_scoped3A_117, %dma_start3A_344, %dma_start3A_345] : memref<8x8x257xf32, #tpu.memory_space<vmem>> -> memref<1x8x128xf32, #tpu.memory_space<vmem>>
        %dma_start3A_347 = tpu.memref_squeeze %dma_start3A_346 : memref<1x8x128xf32, #tpu.memory_space<vmem>> -> memref<8x128xf32, #tpu.memory_space<vmem>>
        %dma_start3A_348 = arith.constant 0 : i32
        %dma_start3A_349 = arith.constant 0 : i32
        %dma_start3A_350 = tpu.memref_slice %arg4[%add3A_65, %run_scoped3A_118, %add3A_116, %dma_start3A_348, %dma_start3A_349] : memref<50x8x128x8x128xf32, #tpu.memory_space<hbm>> -> memref<1x1x1x8x128xf32, #tpu.memory_space<hbm>>
        %dma_start3A_351 = tpu.memref_squeeze %dma_start3A_350 : memref<1x1x1x8x128xf32, #tpu.memory_space<hbm>> -> memref<8x128xf32, #tpu.memory_space<hbm>>
        %dma_start3A_352 = arith.constant 0 : i32
        %dma_start3A_353 = arith.constant 0 : i32
        %dma_start3A_354 = tpu.memref_slice %arg4[%add3A_65, %run_scoped3A_118, %add3A_116, %dma_start3A_352, %dma_start3A_353] : memref<50x8x128x8x128xf32, #tpu.memory_space<hbm>> -> memref<1x1x1x8x128xf32, #tpu.memory_space<hbm>>
        %dma_start3A_355 = tpu.memref_squeeze %dma_start3A_354 : memref<1x1x1x8x128xf32, #tpu.memory_space<hbm>> -> memref<8x128xf32, #tpu.memory_space<hbm>>
        %dma_start3A_356 = arith.constant 0 : i32
        %dma_start3A_357 = arith.constant 0 : i32
        %dma_start3A_358 = tpu.memref_slice %arg9[%run_scoped3A_117, %dma_start3A_356, %dma_start3A_357] : memref<8x8x257xf32, #tpu.memory_space<vmem>> -> memref<1x8x128xf32, #tpu.memory_space<vmem>>
        %dma_start3A_359 = tpu.memref_squeeze %dma_start3A_358 : memref<1x8x128xf32, #tpu.memory_space<vmem>> -> memref<8x128xf32, #tpu.memory_space<vmem>>
        tpu.enqueue_dma source(%dma_start3A_359 : memref<8x128xf32, #tpu.memory_space<vmem>>) target(%dma_start3A_355 : memref<8x128xf32, #tpu.memory_space<hbm>>) target_semaphore(%run_scoped3A_343 : memref<!tpu.dma_semaphore, #tpu.memory_space<semaphore_mem>>)
        %dma_wait3A_360 = arith.constant 0 : i32
        %dma_wait3A_361 = arith.constant 0 : i32
        %dma_wait3A_362 = tpu.memref_slice %arg9[%run_scoped3A_117, %dma_wait3A_360, %dma_wait3A_361] : memref<8x8x257xf32, #tpu.memory_space<vmem>> -> memref<1x8x128xf32, #tpu.memory_space<vmem>>
        %dma_wait3A_363 = tpu.memref_squeeze %dma_wait3A_362 : memref<1x8x128xf32, #tpu.memory_space<vmem>> -> memref<8x128xf32, #tpu.memory_space<vmem>>
        %dma_wait3A_364 = arith.constant 0 : i32
        %dma_wait3A_365 = arith.constant 0 : i32
        %dma_wait3A_366 = tpu.memref_slice %arg4[%add3A_65, %run_scoped3A_118, %add3A_116, %dma_wait3A_364, %dma_wait3A_365] : memref<50x8x128x8x128xf32, #tpu.memory_space<hbm>> -> memref<1x1x1x8x128xf32, #tpu.memory_space<hbm>>
        %dma_wait3A_367 = tpu.memref_squeeze %dma_wait3A_366 : memref<1x1x1x8x128xf32, #tpu.memory_space<hbm>> -> memref<8x128xf32, #tpu.memory_space<hbm>>
        %dma_wait3A_368 = arith.constant 0 : i32
        %dma_wait3A_369 = arith.constant 0 : i32
        %dma_wait3A_370 = tpu.memref_slice %arg4[%add3A_65, %run_scoped3A_118, %add3A_116, %dma_wait3A_368, %dma_wait3A_369] : memref<50x8x128x8x128xf32, #tpu.memory_space<hbm>> -> memref<1x1x1x8x128xf32, #tpu.memory_space<hbm>>
        %dma_wait3A_371 = tpu.memref_squeeze %dma_wait3A_370 : memref<1x1x1x8x128xf32, #tpu.memory_space<hbm>> -> memref<8x128xf32, #tpu.memory_space<hbm>>
        %dma_wait3A_372 = arith.constant 0 : i32
        %dma_wait3A_373 = arith.constant 0 : i32
        %dma_wait3A_374 = tpu.memref_slice %arg9[%run_scoped3A_117, %dma_wait3A_372, %dma_wait3A_373] : memref<8x8x257xf32, #tpu.memory_space<vmem>> -> memref<1x8x128xf32, #tpu.memory_space<vmem>>
        %dma_wait3A_375 = tpu.memref_squeeze %dma_wait3A_374 : memref<1x8x128xf32, #tpu.memory_space<vmem>> -> memref<8x128xf32, #tpu.memory_space<vmem>>
        tpu.wait_dma2 semaphore(%run_scoped3A_343 : memref<!tpu.dma_semaphore, #tpu.memory_space<semaphore_mem>>) src(%dma_wait3A_375 : memref<8x128xf32, #tpu.memory_space<vmem>>) dst(%dma_wait3A_371 : memref<8x128xf32, #tpu.memory_space<hbm>>)
        tpu.yield
      }) : () -> ()
      %add3A_119 = arith.constant 0 : i32
      %add3A_120 = arith.addi %mul3A_2, %add3A_119 : i32
      %mul3A_121 = arith.constant 2 : i32
      %mul3A_122 = arith.muli %add3A_120, %mul3A_121 : i32
      %add3A_123 = arith.constant 0 : i32
      %add3A_124 = arith.addi %mul3A_122, %add3A_123 : i32
      %run_scoped3A_125 = arith.constant 5 : i32
      %run_scoped3A_126 = arith.constant 5 : i32
      "tpu.region"() ({
        %run_scoped3A_343 = tpu.sem_alloc : memref<!tpu.dma_semaphore, #tpu.memory_space<semaphore_mem>>
        %dma_start3A_344 = arith.constant 0 : i32
        %dma_start3A_345 = arith.constant 0 : i32
        %dma_start3A_346 = tpu.memref_slice %arg9[%run_scoped3A_125, %dma_start3A_344, %dma_start3A_345] : memref<8x8x257xf32, #tpu.memory_space<vmem>> -> memref<1x8x128xf32, #tpu.memory_space<vmem>>
        %dma_start3A_347 = tpu.memref_squeeze %dma_start3A_346 : memref<1x8x128xf32, #tpu.memory_space<vmem>> -> memref<8x128xf32, #tpu.memory_space<vmem>>
        %dma_start3A_348 = arith.constant 0 : i32
        %dma_start3A_349 = arith.constant 0 : i32
        %dma_start3A_350 = tpu.memref_slice %arg4[%add3A_65, %run_scoped3A_126, %add3A_124, %dma_start3A_348, %dma_start3A_349] : memref<50x8x128x8x128xf32, #tpu.memory_space<hbm>> -> memref<1x1x1x8x128xf32, #tpu.memory_space<hbm>>
        %dma_start3A_351 = tpu.memref_squeeze %dma_start3A_350 : memref<1x1x1x8x128xf32, #tpu.memory_space<hbm>> -> memref<8x128xf32, #tpu.memory_space<hbm>>
        %dma_start3A_352 = arith.constant 0 : i32
        %dma_start3A_353 = arith.constant 0 : i32
        %dma_start3A_354 = tpu.memref_slice %arg4[%add3A_65, %run_scoped3A_126, %add3A_124, %dma_start3A_352, %dma_start3A_353] : memref<50x8x128x8x128xf32, #tpu.memory_space<hbm>> -> memref<1x1x1x8x128xf32, #tpu.memory_space<hbm>>
        %dma_start3A_355 = tpu.memref_squeeze %dma_start3A_354 : memref<1x1x1x8x128xf32, #tpu.memory_space<hbm>> -> memref<8x128xf32, #tpu.memory_space<hbm>>
        %dma_start3A_356 = arith.constant 0 : i32
        %dma_start3A_357 = arith.constant 0 : i32
        %dma_start3A_358 = tpu.memref_slice %arg9[%run_scoped3A_125, %dma_start3A_356, %dma_start3A_357] : memref<8x8x257xf32, #tpu.memory_space<vmem>> -> memref<1x8x128xf32, #tpu.memory_space<vmem>>
        %dma_start3A_359 = tpu.memref_squeeze %dma_start3A_358 : memref<1x8x128xf32, #tpu.memory_space<vmem>> -> memref<8x128xf32, #tpu.memory_space<vmem>>
        tpu.enqueue_dma source(%dma_start3A_359 : memref<8x128xf32, #tpu.memory_space<vmem>>) target(%dma_start3A_355 : memref<8x128xf32, #tpu.memory_space<hbm>>) target_semaphore(%run_scoped3A_343 : memref<!tpu.dma_semaphore, #tpu.memory_space<semaphore_mem>>)
        %dma_wait3A_360 = arith.constant 0 : i32
        %dma_wait3A_361 = arith.constant 0 : i32
        %dma_wait3A_362 = tpu.memref_slice %arg9[%run_scoped3A_125, %dma_wait3A_360, %dma_wait3A_361] : memref<8x8x257xf32, #tpu.memory_space<vmem>> -> memref<1x8x128xf32, #tpu.memory_space<vmem>>
        %dma_wait3A_363 = tpu.memref_squeeze %dma_wait3A_362 : memref<1x8x128xf32, #tpu.memory_space<vmem>> -> memref<8x128xf32, #tpu.memory_space<vmem>>
        %dma_wait3A_364 = arith.constant 0 : i32
        %dma_wait3A_365 = arith.constant 0 : i32
        %dma_wait3A_366 = tpu.memref_slice %arg4[%add3A_65, %run_scoped3A_126, %add3A_124, %dma_wait3A_364, %dma_wait3A_365] : memref<50x8x128x8x128xf32, #tpu.memory_space<hbm>> -> memref<1x1x1x8x128xf32, #tpu.memory_space<hbm>>
        %dma_wait3A_367 = tpu.memref_squeeze %dma_wait3A_366 : memref<1x1x1x8x128xf32, #tpu.memory_space<hbm>> -> memref<8x128xf32, #tpu.memory_space<hbm>>
        %dma_wait3A_368 = arith.constant 0 : i32
        %dma_wait3A_369 = arith.constant 0 : i32
        %dma_wait3A_370 = tpu.memref_slice %arg4[%add3A_65, %run_scoped3A_126, %add3A_124, %dma_wait3A_368, %dma_wait3A_369] : memref<50x8x128x8x128xf32, #tpu.memory_space<hbm>> -> memref<1x1x1x8x128xf32, #tpu.memory_space<hbm>>
        %dma_wait3A_371 = tpu.memref_squeeze %dma_wait3A_370 : memref<1x1x1x8x128xf32, #tpu.memory_space<hbm>> -> memref<8x128xf32, #tpu.memory_space<hbm>>
        %dma_wait3A_372 = arith.constant 0 : i32
        %dma_wait3A_373 = arith.constant 0 : i32
        %dma_wait3A_374 = tpu.memref_slice %arg9[%run_scoped3A_125, %dma_wait3A_372, %dma_wait3A_373] : memref<8x8x257xf32, #tpu.memory_space<vmem>> -> memref<1x8x128xf32, #tpu.memory_space<vmem>>
        %dma_wait3A_375 = tpu.memref_squeeze %dma_wait3A_374 : memref<1x8x128xf32, #tpu.memory_space<vmem>> -> memref<8x128xf32, #tpu.memory_space<vmem>>
        tpu.wait_dma2 semaphore(%run_scoped3A_343 : memref<!tpu.dma_semaphore, #tpu.memory_space<semaphore_mem>>) src(%dma_wait3A_375 : memref<8x128xf32, #tpu.memory_space<vmem>>) dst(%dma_wait3A_371 : memref<8x128xf32, #tpu.memory_space<hbm>>)
        tpu.yield
      }) : () -> ()
      %add3A_127 = arith.constant 0 : i32
      %add3A_128 = arith.addi %mul3A_2, %add3A_127 : i32
      %mul3A_129 = arith.constant 2 : i32
      %mul3A_130 = arith.muli %add3A_128, %mul3A_129 : i32
      %add3A_131 = arith.constant 0 : i32
      %add3A_132 = arith.addi %mul3A_130, %add3A_131 : i32
      %run_scoped3A_133 = arith.constant 6 : i32
      %run_scoped3A_134 = arith.constant 6 : i32
      "tpu.region"() ({
        %run_scoped3A_343 = tpu.sem_alloc : memref<!tpu.dma_semaphore, #tpu.memory_space<semaphore_mem>>
        %dma_start3A_344 = arith.constant 0 : i32
        %dma_start3A_345 = arith.constant 0 : i32
        %dma_start3A_346 = tpu.memref_slice %arg9[%run_scoped3A_133, %dma_start3A_344, %dma_start3A_345] : memref<8x8x257xf32, #tpu.memory_space<vmem>> -> memref<1x8x128xf32, #tpu.memory_space<vmem>>
        %dma_start3A_347 = tpu.memref_squeeze %dma_start3A_346 : memref<1x8x128xf32, #tpu.memory_space<vmem>> -> memref<8x128xf32, #tpu.memory_space<vmem>>
        %dma_start3A_348 = arith.constant 0 : i32
        %dma_start3A_349 = arith.constant 0 : i32
        %dma_start3A_350 = tpu.memref_slice %arg4[%add3A_65, %run_scoped3A_134, %add3A_132, %dma_start3A_348, %dma_start3A_349] : memref<50x8x128x8x128xf32, #tpu.memory_space<hbm>> -> memref<1x1x1x8x128xf32, #tpu.memory_space<hbm>>
        %dma_start3A_351 = tpu.memref_squeeze %dma_start3A_350 : memref<1x1x1x8x128xf32, #tpu.memory_space<hbm>> -> memref<8x128xf32, #tpu.memory_space<hbm>>
        %dma_start3A_352 = arith.constant 0 : i32
        %dma_start3A_353 = arith.constant 0 : i32
        %dma_start3A_354 = tpu.memref_slice %arg4[%add3A_65, %run_scoped3A_134, %add3A_132, %dma_start3A_352, %dma_start3A_353] : memref<50x8x128x8x128xf32, #tpu.memory_space<hbm>> -> memref<1x1x1x8x128xf32, #tpu.memory_space<hbm>>
        %dma_start3A_355 = tpu.memref_squeeze %dma_start3A_354 : memref<1x1x1x8x128xf32, #tpu.memory_space<hbm>> -> memref<8x128xf32, #tpu.memory_space<hbm>>
        %dma_start3A_356 = arith.constant 0 : i32
        %dma_start3A_357 = arith.constant 0 : i32
        %dma_start3A_358 = tpu.memref_slice %arg9[%run_scoped3A_133, %dma_start3A_356, %dma_start3A_357] : memref<8x8x257xf32, #tpu.memory_space<vmem>> -> memref<1x8x128xf32, #tpu.memory_space<vmem>>
        %dma_start3A_359 = tpu.memref_squeeze %dma_start3A_358 : memref<1x8x128xf32, #tpu.memory_space<vmem>> -> memref<8x128xf32, #tpu.memory_space<vmem>>
        tpu.enqueue_dma source(%dma_start3A_359 : memref<8x128xf32, #tpu.memory_space<vmem>>) target(%dma_start3A_355 : memref<8x128xf32, #tpu.memory_space<hbm>>) target_semaphore(%run_scoped3A_343 : memref<!tpu.dma_semaphore, #tpu.memory_space<semaphore_mem>>)
        %dma_wait3A_360 = arith.constant 0 : i32
        %dma_wait3A_361 = arith.constant 0 : i32
        %dma_wait3A_362 = tpu.memref_slice %arg9[%run_scoped3A_133, %dma_wait3A_360, %dma_wait3A_361] : memref<8x8x257xf32, #tpu.memory_space<vmem>> -> memref<1x8x128xf32, #tpu.memory_space<vmem>>
        %dma_wait3A_363 = tpu.memref_squeeze %dma_wait3A_362 : memref<1x8x128xf32, #tpu.memory_space<vmem>> -> memref<8x128xf32, #tpu.memory_space<vmem>>
        %dma_wait3A_364 = arith.constant 0 : i32
        %dma_wait3A_365 = arith.constant 0 : i32
        %dma_wait3A_366 = tpu.memref_slice %arg4[%add3A_65, %run_scoped3A_134, %add3A_132, %dma_wait3A_364, %dma_wait3A_365] : memref<50x8x128x8x128xf32, #tpu.memory_space<hbm>> -> memref<1x1x1x8x128xf32, #tpu.memory_space<hbm>>
        %dma_wait3A_367 = tpu.memref_squeeze %dma_wait3A_366 : memref<1x1x1x8x128xf32, #tpu.memory_space<hbm>> -> memref<8x128xf32, #tpu.memory_space<hbm>>
        %dma_wait3A_368 = arith.constant 0 : i32
        %dma_wait3A_369 = arith.constant 0 : i32
        %dma_wait3A_370 = tpu.memref_slice %arg4[%add3A_65, %run_scoped3A_134, %add3A_132, %dma_wait3A_368, %dma_wait3A_369] : memref<50x8x128x8x128xf32, #tpu.memory_space<hbm>> -> memref<1x1x1x8x128xf32, #tpu.memory_space<hbm>>
        %dma_wait3A_371 = tpu.memref_squeeze %dma_wait3A_370 : memref<1x1x1x8x128xf32, #tpu.memory_space<hbm>> -> memref<8x128xf32, #tpu.memory_space<hbm>>
        %dma_wait3A_372 = arith.constant 0 : i32
        %dma_wait3A_373 = arith.constant 0 : i32
        %dma_wait3A_374 = tpu.memref_slice %arg9[%run_scoped3A_133, %dma_wait3A_372, %dma_wait3A_373] : memref<8x8x257xf32, #tpu.memory_space<vmem>> -> memref<1x8x128xf32, #tpu.memory_space<vmem>>
        %dma_wait3A_375 = tpu.memref_squeeze %dma_wait3A_374 : memref<1x8x128xf32, #tpu.memory_space<vmem>> -> memref<8x128xf32, #tpu.memory_space<vmem>>
        tpu.wait_dma2 semaphore(%run_scoped3A_343 : memref<!tpu.dma_semaphore, #tpu.memory_space<semaphore_mem>>) src(%dma_wait3A_375 : memref<8x128xf32, #tpu.memory_space<vmem>>) dst(%dma_wait3A_371 : memref<8x128xf32, #tpu.memory_space<hbm>>)
        tpu.yield
      }) : () -> ()
      %add3A_135 = arith.constant 0 : i32
      %add3A_136 = arith.addi %mul3A_2, %add3A_135 : i32
      %mul3A_137 = arith.constant 2 : i32
      %mul3A_138 = arith.muli %add3A_136, %mul3A_137 : i32
      %add3A_139 = arith.constant 0 : i32
      %add3A_140 = arith.addi %mul3A_138, %add3A_139 : i32
      %run_scoped3A_141 = arith.constant 7 : i32
      %run_scoped3A_142 = arith.constant 7 : i32
      "tpu.region"() ({
        %run_scoped3A_343 = tpu.sem_alloc : memref<!tpu.dma_semaphore, #tpu.memory_space<semaphore_mem>>
        %dma_start3A_344 = arith.constant 0 : i32
        %dma_start3A_345 = arith.constant 0 : i32
        %dma_start3A_346 = tpu.memref_slice %arg9[%run_scoped3A_141, %dma_start3A_344, %dma_start3A_345] : memref<8x8x257xf32, #tpu.memory_space<vmem>> -> memref<1x8x128xf32, #tpu.memory_space<vmem>>
        %dma_start3A_347 = tpu.memref_squeeze %dma_start3A_346 : memref<1x8x128xf32, #tpu.memory_space<vmem>> -> memref<8x128xf32, #tpu.memory_space<vmem>>
        %dma_start3A_348 = arith.constant 0 : i32
        %dma_start3A_349 = arith.constant 0 : i32
        %dma_start3A_350 = tpu.memref_slice %arg4[%add3A_65, %run_scoped3A_142, %add3A_140, %dma_start3A_348, %dma_start3A_349] : memref<50x8x128x8x128xf32, #tpu.memory_space<hbm>> -> memref<1x1x1x8x128xf32, #tpu.memory_space<hbm>>
        %dma_start3A_351 = tpu.memref_squeeze %dma_start3A_350 : memref<1x1x1x8x128xf32, #tpu.memory_space<hbm>> -> memref<8x128xf32, #tpu.memory_space<hbm>>
        %dma_start3A_352 = arith.constant 0 : i32
        %dma_start3A_353 = arith.constant 0 : i32
        %dma_start3A_354 = tpu.memref_slice %arg4[%add3A_65, %run_scoped3A_142, %add3A_140, %dma_start3A_352, %dma_start3A_353] : memref<50x8x128x8x128xf32, #tpu.memory_space<hbm>> -> memref<1x1x1x8x128xf32, #tpu.memory_space<hbm>>
        %dma_start3A_355 = tpu.memref_squeeze %dma_start3A_354 : memref<1x1x1x8x128xf32, #tpu.memory_space<hbm>> -> memref<8x128xf32, #tpu.memory_space<hbm>>
        %dma_start3A_356 = arith.constant 0 : i32
        %dma_start3A_357 = arith.constant 0 : i32
        %dma_start3A_358 = tpu.memref_slice %arg9[%run_scoped3A_141, %dma_start3A_356, %dma_start3A_357] : memref<8x8x257xf32, #tpu.memory_space<vmem>> -> memref<1x8x128xf32, #tpu.memory_space<vmem>>
        %dma_start3A_359 = tpu.memref_squeeze %dma_start3A_358 : memref<1x8x128xf32, #tpu.memory_space<vmem>> -> memref<8x128xf32, #tpu.memory_space<vmem>>
        tpu.enqueue_dma source(%dma_start3A_359 : memref<8x128xf32, #tpu.memory_space<vmem>>) target(%dma_start3A_355 : memref<8x128xf32, #tpu.memory_space<hbm>>) target_semaphore(%run_scoped3A_343 : memref<!tpu.dma_semaphore, #tpu.memory_space<semaphore_mem>>)
        %dma_wait3A_360 = arith.constant 0 : i32
        %dma_wait3A_361 = arith.constant 0 : i32
        %dma_wait3A_362 = tpu.memref_slice %arg9[%run_scoped3A_141, %dma_wait3A_360, %dma_wait3A_361] : memref<8x8x257xf32, #tpu.memory_space<vmem>> -> memref<1x8x128xf32, #tpu.memory_space<vmem>>
        %dma_wait3A_363 = tpu.memref_squeeze %dma_wait3A_362 : memref<1x8x128xf32, #tpu.memory_space<vmem>> -> memref<8x128xf32, #tpu.memory_space<vmem>>
        %dma_wait3A_364 = arith.constant 0 : i32
        %dma_wait3A_365 = arith.constant 0 : i32
        %dma_wait3A_366 = tpu.memref_slice %arg4[%add3A_65, %run_scoped3A_142, %add3A_140, %dma_wait3A_364, %dma_wait3A_365] : memref<50x8x128x8x128xf32, #tpu.memory_space<hbm>> -> memref<1x1x1x8x128xf32, #tpu.memory_space<hbm>>
        %dma_wait3A_367 = tpu.memref_squeeze %dma_wait3A_366 : memref<1x1x1x8x128xf32, #tpu.memory_space<hbm>> -> memref<8x128xf32, #tpu.memory_space<hbm>>
        %dma_wait3A_368 = arith.constant 0 : i32
        %dma_wait3A_369 = arith.constant 0 : i32
        %dma_wait3A_370 = tpu.memref_slice %arg4[%add3A_65, %run_scoped3A_142, %add3A_140, %dma_wait3A_368, %dma_wait3A_369] : memref<50x8x128x8x128xf32, #tpu.memory_space<hbm>> -> memref<1x1x1x8x128xf32, #tpu.memory_space<hbm>>
        %dma_wait3A_371 = tpu.memref_squeeze %dma_wait3A_370 : memref<1x1x1x8x128xf32, #tpu.memory_space<hbm>> -> memref<8x128xf32, #tpu.memory_space<hbm>>
        %dma_wait3A_372 = arith.constant 0 : i32
        %dma_wait3A_373 = arith.constant 0 : i32
        %dma_wait3A_374 = tpu.memref_slice %arg9[%run_scoped3A_141, %dma_wait3A_372, %dma_wait3A_373] : memref<8x8x257xf32, #tpu.memory_space<vmem>> -> memref<1x8x128xf32, #tpu.memory_space<vmem>>
        %dma_wait3A_375 = tpu.memref_squeeze %dma_wait3A_374 : memref<1x8x128xf32, #tpu.memory_space<vmem>> -> memref<8x128xf32, #tpu.memory_space<vmem>>
        tpu.wait_dma2 semaphore(%run_scoped3A_343 : memref<!tpu.dma_semaphore, #tpu.memory_space<semaphore_mem>>) src(%dma_wait3A_375 : memref<8x128xf32, #tpu.memory_space<vmem>>) dst(%dma_wait3A_371 : memref<8x128xf32, #tpu.memory_space<hbm>>)
        tpu.yield
      }) : () -> ()
      %add3A_143 = arith.constant 0 : i32
      %add3A_144 = arith.addi %mul3A_2, %add3A_143 : i32
      %mul3A_145 = arith.constant 2 : i32
      %mul3A_146 = arith.muli %add3A_144, %mul3A_145 : i32
      %add3A_147 = arith.constant 1 : i32
      %add3A_148 = arith.addi %mul3A_146, %add3A_147 : i32
      %run_scoped3A_149 = arith.constant 0 : i32
      %run_scoped3A_150 = arith.constant 0 : i32
      "tpu.region"() ({
        %run_scoped3A_343 = tpu.sem_alloc : memref<!tpu.dma_semaphore, #tpu.memory_space<semaphore_mem>>
        %dma_start3A_344 = arith.constant 0 : i32
        %dma_start3A_345 = arith.constant 128 : i32
        %dma_start3A_346 = tpu.memref_slice %arg9[%run_scoped3A_149, %dma_start3A_344, %dma_start3A_345] : memref<8x8x257xf32, #tpu.memory_space<vmem>> -> memref<1x8x128xf32, #tpu.memory_space<vmem>>
        %dma_start3A_347 = tpu.memref_squeeze %dma_start3A_346 : memref<1x8x128xf32, #tpu.memory_space<vmem>> -> memref<8x128xf32, #tpu.memory_space<vmem>>
        %dma_start3A_348 = arith.constant 0 : i32
        %dma_start3A_349 = arith.constant 0 : i32
        %dma_start3A_350 = tpu.memref_slice %arg4[%add3A_65, %run_scoped3A_150, %add3A_148, %dma_start3A_348, %dma_start3A_349] : memref<50x8x128x8x128xf32, #tpu.memory_space<hbm>> -> memref<1x1x1x8x128xf32, #tpu.memory_space<hbm>>
        %dma_start3A_351 = tpu.memref_squeeze %dma_start3A_350 : memref<1x1x1x8x128xf32, #tpu.memory_space<hbm>> -> memref<8x128xf32, #tpu.memory_space<hbm>>
        %dma_start3A_352 = arith.constant 0 : i32
        %dma_start3A_353 = arith.constant 0 : i32
        %dma_start3A_354 = tpu.memref_slice %arg4[%add3A_65, %run_scoped3A_150, %add3A_148, %dma_start3A_352, %dma_start3A_353] : memref<50x8x128x8x128xf32, #tpu.memory_space<hbm>> -> memref<1x1x1x8x128xf32, #tpu.memory_space<hbm>>
        %dma_start3A_355 = tpu.memref_squeeze %dma_start3A_354 : memref<1x1x1x8x128xf32, #tpu.memory_space<hbm>> -> memref<8x128xf32, #tpu.memory_space<hbm>>
        %dma_start3A_356 = arith.constant 0 : i32
        %dma_start3A_357 = arith.constant 128 : i32
        %dma_start3A_358 = tpu.memref_slice %arg9[%run_scoped3A_149, %dma_start3A_356, %dma_start3A_357] : memref<8x8x257xf32, #tpu.memory_space<vmem>> -> memref<1x8x128xf32, #tpu.memory_space<vmem>>
        %dma_start3A_359 = tpu.memref_squeeze %dma_start3A_358 : memref<1x8x128xf32, #tpu.memory_space<vmem>> -> memref<8x128xf32, #tpu.memory_space<vmem>>
        tpu.enqueue_dma source(%dma_start3A_359 : memref<8x128xf32, #tpu.memory_space<vmem>>) target(%dma_start3A_355 : memref<8x128xf32, #tpu.memory_space<hbm>>) target_semaphore(%run_scoped3A_343 : memref<!tpu.dma_semaphore, #tpu.memory_space<semaphore_mem>>)
        %dma_wait3A_360 = arith.constant 0 : i32
        %dma_wait3A_361 = arith.constant 128 : i32
        %dma_wait3A_362 = tpu.memref_slice %arg9[%run_scoped3A_149, %dma_wait3A_360, %dma_wait3A_361] : memref<8x8x257xf32, #tpu.memory_space<vmem>> -> memref<1x8x128xf32, #tpu.memory_space<vmem>>
        %dma_wait3A_363 = tpu.memref_squeeze %dma_wait3A_362 : memref<1x8x128xf32, #tpu.memory_space<vmem>> -> memref<8x128xf32, #tpu.memory_space<vmem>>
        %dma_wait3A_364 = arith.constant 0 : i32
        %dma_wait3A_365 = arith.constant 0 : i32
        %dma_wait3A_366 = tpu.memref_slice %arg4[%add3A_65, %run_scoped3A_150, %add3A_148, %dma_wait3A_364, %dma_wait3A_365] : memref<50x8x128x8x128xf32, #tpu.memory_space<hbm>> -> memref<1x1x1x8x128xf32, #tpu.memory_space<hbm>>
        %dma_wait3A_367 = tpu.memref_squeeze %dma_wait3A_366 : memref<1x1x1x8x128xf32, #tpu.memory_space<hbm>> -> memref<8x128xf32, #tpu.memory_space<hbm>>
        %dma_wait3A_368 = arith.constant 0 : i32
        %dma_wait3A_369 = arith.constant 0 : i32
        %dma_wait3A_370 = tpu.memref_slice %arg4[%add3A_65, %run_scoped3A_150, %add3A_148, %dma_wait3A_368, %dma_wait3A_369] : memref<50x8x128x8x128xf32, #tpu.memory_space<hbm>> -> memref<1x1x1x8x128xf32, #tpu.memory_space<hbm>>
        %dma_wait3A_371 = tpu.memref_squeeze %dma_wait3A_370 : memref<1x1x1x8x128xf32, #tpu.memory_space<hbm>> -> memref<8x128xf32, #tpu.memory_space<hbm>>
        %dma_wait3A_372 = arith.constant 0 : i32
        %dma_wait3A_373 = arith.constant 128 : i32
        %dma_wait3A_374 = tpu.memref_slice %arg9[%run_scoped3A_149, %dma_wait3A_372, %dma_wait3A_373] : memref<8x8x257xf32, #tpu.memory_space<vmem>> -> memref<1x8x128xf32, #tpu.memory_space<vmem>>
        %dma_wait3A_375 = tpu.memref_squeeze %dma_wait3A_374 : memref<1x8x128xf32, #tpu.memory_space<vmem>> -> memref<8x128xf32, #tpu.memory_space<vmem>>
        tpu.wait_dma2 semaphore(%run_scoped3A_343 : memref<!tpu.dma_semaphore, #tpu.memory_space<semaphore_mem>>) src(%dma_wait3A_375 : memref<8x128xf32, #tpu.memory_space<vmem>>) dst(%dma_wait3A_371 : memref<8x128xf32, #tpu.memory_space<hbm>>)
        tpu.yield
      }) : () -> ()
      %add3A_151 = arith.constant 0 : i32
      %add3A_152 = arith.addi %mul3A_2, %add3A_151 : i32
      %mul3A_153 = arith.constant 2 : i32
      %mul3A_154 = arith.muli %add3A_152, %mul3A_153 : i32
      %add3A_155 = arith.constant 1 : i32
      %add3A_156 = arith.addi %mul3A_154, %add3A_155 : i32
      %run_scoped3A_157 = arith.constant 1 : i32
      %run_scoped3A_158 = arith.constant 1 : i32
      "tpu.region"() ({
        %run_scoped3A_343 = tpu.sem_alloc : memref<!tpu.dma_semaphore, #tpu.memory_space<semaphore_mem>>
        %dma_start3A_344 = arith.constant 0 : i32
        %dma_start3A_345 = arith.constant 128 : i32
        %dma_start3A_346 = tpu.memref_slice %arg9[%run_scoped3A_157, %dma_start3A_344, %dma_start3A_345] : memref<8x8x257xf32, #tpu.memory_space<vmem>> -> memref<1x8x128xf32, #tpu.memory_space<vmem>>
        %dma_start3A_347 = tpu.memref_squeeze %dma_start3A_346 : memref<1x8x128xf32, #tpu.memory_space<vmem>> -> memref<8x128xf32, #tpu.memory_space<vmem>>
        %dma_start3A_348 = arith.constant 0 : i32
        %dma_start3A_349 = arith.constant 0 : i32
        %dma_start3A_350 = tpu.memref_slice %arg4[%add3A_65, %run_scoped3A_158, %add3A_156, %dma_start3A_348, %dma_start3A_349] : memref<50x8x128x8x128xf32, #tpu.memory_space<hbm>> -> memref<1x1x1x8x128xf32, #tpu.memory_space<hbm>>
        %dma_start3A_351 = tpu.memref_squeeze %dma_start3A_350 : memref<1x1x1x8x128xf32, #tpu.memory_space<hbm>> -> memref<8x128xf32, #tpu.memory_space<hbm>>
        %dma_start3A_352 = arith.constant 0 : i32
        %dma_start3A_353 = arith.constant 0 : i32
        %dma_start3A_354 = tpu.memref_slice %arg4[%add3A_65, %run_scoped3A_158, %add3A_156, %dma_start3A_352, %dma_start3A_353] : memref<50x8x128x8x128xf32, #tpu.memory_space<hbm>> -> memref<1x1x1x8x128xf32, #tpu.memory_space<hbm>>
        %dma_start3A_355 = tpu.memref_squeeze %dma_start3A_354 : memref<1x1x1x8x128xf32, #tpu.memory_space<hbm>> -> memref<8x128xf32, #tpu.memory_space<hbm>>
        %dma_start3A_356 = arith.constant 0 : i32
        %dma_start3A_357 = arith.constant 128 : i32
        %dma_start3A_358 = tpu.memref_slice %arg9[%run_scoped3A_157, %dma_start3A_356, %dma_start3A_357] : memref<8x8x257xf32, #tpu.memory_space<vmem>> -> memref<1x8x128xf32, #tpu.memory_space<vmem>>
        %dma_start3A_359 = tpu.memref_squeeze %dma_start3A_358 : memref<1x8x128xf32, #tpu.memory_space<vmem>> -> memref<8x128xf32, #tpu.memory_space<vmem>>
        tpu.enqueue_dma source(%dma_start3A_359 : memref<8x128xf32, #tpu.memory_space<vmem>>) target(%dma_start3A_355 : memref<8x128xf32, #tpu.memory_space<hbm>>) target_semaphore(%run_scoped3A_343 : memref<!tpu.dma_semaphore, #tpu.memory_space<semaphore_mem>>)
        %dma_wait3A_360 = arith.constant 0 : i32
        %dma_wait3A_361 = arith.constant 128 : i32
        %dma_wait3A_362 = tpu.memref_slice %arg9[%run_scoped3A_157, %dma_wait3A_360, %dma_wait3A_361] : memref<8x8x257xf32, #tpu.memory_space<vmem>> -> memref<1x8x128xf32, #tpu.memory_space<vmem>>
        %dma_wait3A_363 = tpu.memref_squeeze %dma_wait3A_362 : memref<1x8x128xf32, #tpu.memory_space<vmem>> -> memref<8x128xf32, #tpu.memory_space<vmem>>
        %dma_wait3A_364 = arith.constant 0 : i32
        %dma_wait3A_365 = arith.constant 0 : i32
        %dma_wait3A_366 = tpu.memref_slice %arg4[%add3A_65, %run_scoped3A_158, %add3A_156, %dma_wait3A_364, %dma_wait3A_365] : memref<50x8x128x8x128xf32, #tpu.memory_space<hbm>> -> memref<1x1x1x8x128xf32, #tpu.memory_space<hbm>>
        %dma_wait3A_367 = tpu.memref_squeeze %dma_wait3A_366 : memref<1x1x1x8x128xf32, #tpu.memory_space<hbm>> -> memref<8x128xf32, #tpu.memory_space<hbm>>
        %dma_wait3A_368 = arith.constant 0 : i32
        %dma_wait3A_369 = arith.constant 0 : i32
        %dma_wait3A_370 = tpu.memref_slice %arg4[%add3A_65, %run_scoped3A_158, %add3A_156, %dma_wait3A_368, %dma_wait3A_369] : memref<50x8x128x8x128xf32, #tpu.memory_space<hbm>> -> memref<1x1x1x8x128xf32, #tpu.memory_space<hbm>>
        %dma_wait3A_371 = tpu.memref_squeeze %dma_wait3A_370 : memref<1x1x1x8x128xf32, #tpu.memory_space<hbm>> -> memref<8x128xf32, #tpu.memory_space<hbm>>
        %dma_wait3A_372 = arith.constant 0 : i32
        %dma_wait3A_373 = arith.constant 128 : i32
        %dma_wait3A_374 = tpu.memref_slice %arg9[%run_scoped3A_157, %dma_wait3A_372, %dma_wait3A_373] : memref<8x8x257xf32, #tpu.memory_space<vmem>> -> memref<1x8x128xf32, #tpu.memory_space<vmem>>
        %dma_wait3A_375 = tpu.memref_squeeze %dma_wait3A_374 : memref<1x8x128xf32, #tpu.memory_space<vmem>> -> memref<8x128xf32, #tpu.memory_space<vmem>>
        tpu.wait_dma2 semaphore(%run_scoped3A_343 : memref<!tpu.dma_semaphore, #tpu.memory_space<semaphore_mem>>) src(%dma_wait3A_375 : memref<8x128xf32, #tpu.memory_space<vmem>>) dst(%dma_wait3A_371 : memref<8x128xf32, #tpu.memory_space<hbm>>)
        tpu.yield
      }) : () -> ()
      %add3A_159 = arith.constant 0 : i32
      %add3A_160 = arith.addi %mul3A_2, %add3A_159 : i32
      %mul3A_161 = arith.constant 2 : i32
      %mul3A_162 = arith.muli %add3A_160, %mul3A_161 : i32
      %add3A_163 = arith.constant 1 : i32
      %add3A_164 = arith.addi %mul3A_162, %add3A_163 : i32
      %run_scoped3A_165 = arith.constant 2 : i32
      %run_scoped3A_166 = arith.constant 2 : i32
      "tpu.region"() ({
        %run_scoped3A_343 = tpu.sem_alloc : memref<!tpu.dma_semaphore, #tpu.memory_space<semaphore_mem>>
        %dma_start3A_344 = arith.constant 0 : i32
        %dma_start3A_345 = arith.constant 128 : i32
        %dma_start3A_346 = tpu.memref_slice %arg9[%run_scoped3A_165, %dma_start3A_344, %dma_start3A_345] : memref<8x8x257xf32, #tpu.memory_space<vmem>> -> memref<1x8x128xf32, #tpu.memory_space<vmem>>
        %dma_start3A_347 = tpu.memref_squeeze %dma_start3A_346 : memref<1x8x128xf32, #tpu.memory_space<vmem>> -> memref<8x128xf32, #tpu.memory_space<vmem>>
        %dma_start3A_348 = arith.constant 0 : i32
        %dma_start3A_349 = arith.constant 0 : i32
        %dma_start3A_350 = tpu.memref_slice %arg4[%add3A_65, %run_scoped3A_166, %add3A_164, %dma_start3A_348, %dma_start3A_349] : memref<50x8x128x8x128xf32, #tpu.memory_space<hbm>> -> memref<1x1x1x8x128xf32, #tpu.memory_space<hbm>>
        %dma_start3A_351 = tpu.memref_squeeze %dma_start3A_350 : memref<1x1x1x8x128xf32, #tpu.memory_space<hbm>> -> memref<8x128xf32, #tpu.memory_space<hbm>>
        %dma_start3A_352 = arith.constant 0 : i32
        %dma_start3A_353 = arith.constant 0 : i32
        %dma_start3A_354 = tpu.memref_slice %arg4[%add3A_65, %run_scoped3A_166, %add3A_164, %dma_start3A_352, %dma_start3A_353] : memref<50x8x128x8x128xf32, #tpu.memory_space<hbm>> -> memref<1x1x1x8x128xf32, #tpu.memory_space<hbm>>
        %dma_start3A_355 = tpu.memref_squeeze %dma_start3A_354 : memref<1x1x1x8x128xf32, #tpu.memory_space<hbm>> -> memref<8x128xf32, #tpu.memory_space<hbm>>
        %dma_start3A_356 = arith.constant 0 : i32
        %dma_start3A_357 = arith.constant 128 : i32
        %dma_start3A_358 = tpu.memref_slice %arg9[%run_scoped3A_165, %dma_start3A_356, %dma_start3A_357] : memref<8x8x257xf32, #tpu.memory_space<vmem>> -> memref<1x8x128xf32, #tpu.memory_space<vmem>>
        %dma_start3A_359 = tpu.memref_squeeze %dma_start3A_358 : memref<1x8x128xf32, #tpu.memory_space<vmem>> -> memref<8x128xf32, #tpu.memory_space<vmem>>
        tpu.enqueue_dma source(%dma_start3A_359 : memref<8x128xf32, #tpu.memory_space<vmem>>) target(%dma_start3A_355 : memref<8x128xf32, #tpu.memory_space<hbm>>) target_semaphore(%run_scoped3A_343 : memref<!tpu.dma_semaphore, #tpu.memory_space<semaphore_mem>>)
        %dma_wait3A_360 = arith.constant 0 : i32
        %dma_wait3A_361 = arith.constant 128 : i32
        %dma_wait3A_362 = tpu.memref_slice %arg9[%run_scoped3A_165, %dma_wait3A_360, %dma_wait3A_361] : memref<8x8x257xf32, #tpu.memory_space<vmem>> -> memref<1x8x128xf32, #tpu.memory_space<vmem>>
        %dma_wait3A_363 = tpu.memref_squeeze %dma_wait3A_362 : memref<1x8x128xf32, #tpu.memory_space<vmem>> -> memref<8x128xf32, #tpu.memory_space<vmem>>
        %dma_wait3A_364 = arith.constant 0 : i32
        %dma_wait3A_365 = arith.constant 0 : i32
        %dma_wait3A_366 = tpu.memref_slice %arg4[%add3A_65, %run_scoped3A_166, %add3A_164, %dma_wait3A_364, %dma_wait3A_365] : memref<50x8x128x8x128xf32, #tpu.memory_space<hbm>> -> memref<1x1x1x8x128xf32, #tpu.memory_space<hbm>>
        %dma_wait3A_367 = tpu.memref_squeeze %dma_wait3A_366 : memref<1x1x1x8x128xf32, #tpu.memory_space<hbm>> -> memref<8x128xf32, #tpu.memory_space<hbm>>
        %dma_wait3A_368 = arith.constant 0 : i32
        %dma_wait3A_369 = arith.constant 0 : i32
        %dma_wait3A_370 = tpu.memref_slice %arg4[%add3A_65, %run_scoped3A_166, %add3A_164, %dma_wait3A_368, %dma_wait3A_369] : memref<50x8x128x8x128xf32, #tpu.memory_space<hbm>> -> memref<1x1x1x8x128xf32, #tpu.memory_space<hbm>>
        %dma_wait3A_371 = tpu.memref_squeeze %dma_wait3A_370 : memref<1x1x1x8x128xf32, #tpu.memory_space<hbm>> -> memref<8x128xf32, #tpu.memory_space<hbm>>
        %dma_wait3A_372 = arith.constant 0 : i32
        %dma_wait3A_373 = arith.constant 128 : i32
        %dma_wait3A_374 = tpu.memref_slice %arg9[%run_scoped3A_165, %dma_wait3A_372, %dma_wait3A_373] : memref<8x8x257xf32, #tpu.memory_space<vmem>> -> memref<1x8x128xf32, #tpu.memory_space<vmem>>
        %dma_wait3A_375 = tpu.memref_squeeze %dma_wait3A_374 : memref<1x8x128xf32, #tpu.memory_space<vmem>> -> memref<8x128xf32, #tpu.memory_space<vmem>>
        tpu.wait_dma2 semaphore(%run_scoped3A_343 : memref<!tpu.dma_semaphore, #tpu.memory_space<semaphore_mem>>) src(%dma_wait3A_375 : memref<8x128xf32, #tpu.memory_space<vmem>>) dst(%dma_wait3A_371 : memref<8x128xf32, #tpu.memory_space<hbm>>)
        tpu.yield
      }) : () -> ()
      %add3A_167 = arith.constant 0 : i32
      %add3A_168 = arith.addi %mul3A_2, %add3A_167 : i32
      %mul3A_169 = arith.constant 2 : i32
      %mul3A_170 = arith.muli %add3A_168, %mul3A_169 : i32
      %add3A_171 = arith.constant 1 : i32
      %add3A_172 = arith.addi %mul3A_170, %add3A_171 : i32
      %run_scoped3A_173 = arith.constant 3 : i32
      %run_scoped3A_174 = arith.constant 3 : i32
      "tpu.region"() ({
        %run_scoped3A_343 = tpu.sem_alloc : memref<!tpu.dma_semaphore, #tpu.memory_space<semaphore_mem>>
        %dma_start3A_344 = arith.constant 0 : i32
        %dma_start3A_345 = arith.constant 128 : i32
        %dma_start3A_346 = tpu.memref_slice %arg9[%run_scoped3A_173, %dma_start3A_344, %dma_start3A_345] : memref<8x8x257xf32, #tpu.memory_space<vmem>> -> memref<1x8x128xf32, #tpu.memory_space<vmem>>
        %dma_start3A_347 = tpu.memref_squeeze %dma_start3A_346 : memref<1x8x128xf32, #tpu.memory_space<vmem>> -> memref<8x128xf32, #tpu.memory_space<vmem>>
        %dma_start3A_348 = arith.constant 0 : i32
        %dma_start3A_349 = arith.constant 0 : i32
        %dma_start3A_350 = tpu.memref_slice %arg4[%add3A_65, %run_scoped3A_174, %add3A_172, %dma_start3A_348, %dma_start3A_349] : memref<50x8x128x8x128xf32, #tpu.memory_space<hbm>> -> memref<1x1x1x8x128xf32, #tpu.memory_space<hbm>>
        %dma_start3A_351 = tpu.memref_squeeze %dma_start3A_350 : memref<1x1x1x8x128xf32, #tpu.memory_space<hbm>> -> memref<8x128xf32, #tpu.memory_space<hbm>>
        %dma_start3A_352 = arith.constant 0 : i32
        %dma_start3A_353 = arith.constant 0 : i32
        %dma_start3A_354 = tpu.memref_slice %arg4[%add3A_65, %run_scoped3A_174, %add3A_172, %dma_start3A_352, %dma_start3A_353] : memref<50x8x128x8x128xf32, #tpu.memory_space<hbm>> -> memref<1x1x1x8x128xf32, #tpu.memory_space<hbm>>
        %dma_start3A_355 = tpu.memref_squeeze %dma_start3A_354 : memref<1x1x1x8x128xf32, #tpu.memory_space<hbm>> -> memref<8x128xf32, #tpu.memory_space<hbm>>
        %dma_start3A_356 = arith.constant 0 : i32
        %dma_start3A_357 = arith.constant 128 : i32
        %dma_start3A_358 = tpu.memref_slice %arg9[%run_scoped3A_173, %dma_start3A_356, %dma_start3A_357] : memref<8x8x257xf32, #tpu.memory_space<vmem>> -> memref<1x8x128xf32, #tpu.memory_space<vmem>>
        %dma_start3A_359 = tpu.memref_squeeze %dma_start3A_358 : memref<1x8x128xf32, #tpu.memory_space<vmem>> -> memref<8x128xf32, #tpu.memory_space<vmem>>
        tpu.enqueue_dma source(%dma_start3A_359 : memref<8x128xf32, #tpu.memory_space<vmem>>) target(%dma_start3A_355 : memref<8x128xf32, #tpu.memory_space<hbm>>) target_semaphore(%run_scoped3A_343 : memref<!tpu.dma_semaphore, #tpu.memory_space<semaphore_mem>>)
        %dma_wait3A_360 = arith.constant 0 : i32
        %dma_wait3A_361 = arith.constant 128 : i32
        %dma_wait3A_362 = tpu.memref_slice %arg9[%run_scoped3A_173, %dma_wait3A_360, %dma_wait3A_361] : memref<8x8x257xf32, #tpu.memory_space<vmem>> -> memref<1x8x128xf32, #tpu.memory_space<vmem>>
        %dma_wait3A_363 = tpu.memref_squeeze %dma_wait3A_362 : memref<1x8x128xf32, #tpu.memory_space<vmem>> -> memref<8x128xf32, #tpu.memory_space<vmem>>
        %dma_wait3A_364 = arith.constant 0 : i32
        %dma_wait3A_365 = arith.constant 0 : i32
        %dma_wait3A_366 = tpu.memref_slice %arg4[%add3A_65, %run_scoped3A_174, %add3A_172, %dma_wait3A_364, %dma_wait3A_365] : memref<50x8x128x8x128xf32, #tpu.memory_space<hbm>> -> memref<1x1x1x8x128xf32, #tpu.memory_space<hbm>>
        %dma_wait3A_367 = tpu.memref_squeeze %dma_wait3A_366 : memref<1x1x1x8x128xf32, #tpu.memory_space<hbm>> -> memref<8x128xf32, #tpu.memory_space<hbm>>
        %dma_wait3A_368 = arith.constant 0 : i32
        %dma_wait3A_369 = arith.constant 0 : i32
        %dma_wait3A_370 = tpu.memref_slice %arg4[%add3A_65, %run_scoped3A_174, %add3A_172, %dma_wait3A_368, %dma_wait3A_369] : memref<50x8x128x8x128xf32, #tpu.memory_space<hbm>> -> memref<1x1x1x8x128xf32, #tpu.memory_space<hbm>>
        %dma_wait3A_371 = tpu.memref_squeeze %dma_wait3A_370 : memref<1x1x1x8x128xf32, #tpu.memory_space<hbm>> -> memref<8x128xf32, #tpu.memory_space<hbm>>
        %dma_wait3A_372 = arith.constant 0 : i32
        %dma_wait3A_373 = arith.constant 128 : i32
        %dma_wait3A_374 = tpu.memref_slice %arg9[%run_scoped3A_173, %dma_wait3A_372, %dma_wait3A_373] : memref<8x8x257xf32, #tpu.memory_space<vmem>> -> memref<1x8x128xf32, #tpu.memory_space<vmem>>
        %dma_wait3A_375 = tpu.memref_squeeze %dma_wait3A_374 : memref<1x8x128xf32, #tpu.memory_space<vmem>> -> memref<8x128xf32, #tpu.memory_space<vmem>>
        tpu.wait_dma2 semaphore(%run_scoped3A_343 : memref<!tpu.dma_semaphore, #tpu.memory_space<semaphore_mem>>) src(%dma_wait3A_375 : memref<8x128xf32, #tpu.memory_space<vmem>>) dst(%dma_wait3A_371 : memref<8x128xf32, #tpu.memory_space<hbm>>)
        tpu.yield
      }) : () -> ()
      %add3A_175 = arith.constant 0 : i32
      %add3A_176 = arith.addi %mul3A_2, %add3A_175 : i32
      %mul3A_177 = arith.constant 2 : i32
      %mul3A_178 = arith.muli %add3A_176, %mul3A_177 : i32
      %add3A_179 = arith.constant 1 : i32
      %add3A_180 = arith.addi %mul3A_178, %add3A_179 : i32
      %run_scoped3A_181 = arith.constant 4 : i32
      %run_scoped3A_182 = arith.constant 4 : i32
      "tpu.region"() ({
        %run_scoped3A_343 = tpu.sem_alloc : memref<!tpu.dma_semaphore, #tpu.memory_space<semaphore_mem>>
        %dma_start3A_344 = arith.constant 0 : i32
        %dma_start3A_345 = arith.constant 128 : i32
        %dma_start3A_346 = tpu.memref_slice %arg9[%run_scoped3A_181, %dma_start3A_344, %dma_start3A_345] : memref<8x8x257xf32, #tpu.memory_space<vmem>> -> memref<1x8x128xf32, #tpu.memory_space<vmem>>
        %dma_start3A_347 = tpu.memref_squeeze %dma_start3A_346 : memref<1x8x128xf32, #tpu.memory_space<vmem>> -> memref<8x128xf32, #tpu.memory_space<vmem>>
        %dma_start3A_348 = arith.constant 0 : i32
        %dma_start3A_349 = arith.constant 0 : i32
        %dma_start3A_350 = tpu.memref_slice %arg4[%add3A_65, %run_scoped3A_182, %add3A_180, %dma_start3A_348, %dma_start3A_349] : memref<50x8x128x8x128xf32, #tpu.memory_space<hbm>> -> memref<1x1x1x8x128xf32, #tpu.memory_space<hbm>>
        %dma_start3A_351 = tpu.memref_squeeze %dma_start3A_350 : memref<1x1x1x8x128xf32, #tpu.memory_space<hbm>> -> memref<8x128xf32, #tpu.memory_space<hbm>>
        %dma_start3A_352 = arith.constant 0 : i32
        %dma_start3A_353 = arith.constant 0 : i32
        %dma_start3A_354 = tpu.memref_slice %arg4[%add3A_65, %run_scoped3A_182, %add3A_180, %dma_start3A_352, %dma_start3A_353] : memref<50x8x128x8x128xf32, #tpu.memory_space<hbm>> -> memref<1x1x1x8x128xf32, #tpu.memory_space<hbm>>
        %dma_start3A_355 = tpu.memref_squeeze %dma_start3A_354 : memref<1x1x1x8x128xf32, #tpu.memory_space<hbm>> -> memref<8x128xf32, #tpu.memory_space<hbm>>
        %dma_start3A_356 = arith.constant 0 : i32
        %dma_start3A_357 = arith.constant 128 : i32
        %dma_start3A_358 = tpu.memref_slice %arg9[%run_scoped3A_181, %dma_start3A_356, %dma_start3A_357] : memref<8x8x257xf32, #tpu.memory_space<vmem>> -> memref<1x8x128xf32, #tpu.memory_space<vmem>>
        %dma_start3A_359 = tpu.memref_squeeze %dma_start3A_358 : memref<1x8x128xf32, #tpu.memory_space<vmem>> -> memref<8x128xf32, #tpu.memory_space<vmem>>
        tpu.enqueue_dma source(%dma_start3A_359 : memref<8x128xf32, #tpu.memory_space<vmem>>) target(%dma_start3A_355 : memref<8x128xf32, #tpu.memory_space<hbm>>) target_semaphore(%run_scoped3A_343 : memref<!tpu.dma_semaphore, #tpu.memory_space<semaphore_mem>>)
        %dma_wait3A_360 = arith.constant 0 : i32
        %dma_wait3A_361 = arith.constant 128 : i32
        %dma_wait3A_362 = tpu.memref_slice %arg9[%run_scoped3A_181, %dma_wait3A_360, %dma_wait3A_361] : memref<8x8x257xf32, #tpu.memory_space<vmem>> -> memref<1x8x128xf32, #tpu.memory_space<vmem>>
        %dma_wait3A_363 = tpu.memref_squeeze %dma_wait3A_362 : memref<1x8x128xf32, #tpu.memory_space<vmem>> -> memref<8x128xf32, #tpu.memory_space<vmem>>
        %dma_wait3A_364 = arith.constant 0 : i32
        %dma_wait3A_365 = arith.constant 0 : i32
        %dma_wait3A_366 = tpu.memref_slice %arg4[%add3A_65, %run_scoped3A_182, %add3A_180, %dma_wait3A_364, %dma_wait3A_365] : memref<50x8x128x8x128xf32, #tpu.memory_space<hbm>> -> memref<1x1x1x8x128xf32, #tpu.memory_space<hbm>>
        %dma_wait3A_367 = tpu.memref_squeeze %dma_wait3A_366 : memref<1x1x1x8x128xf32, #tpu.memory_space<hbm>> -> memref<8x128xf32, #tpu.memory_space<hbm>>
        %dma_wait3A_368 = arith.constant 0 : i32
        %dma_wait3A_369 = arith.constant 0 : i32
        %dma_wait3A_370 = tpu.memref_slice %arg4[%add3A_65, %run_scoped3A_182, %add3A_180, %dma_wait3A_368, %dma_wait3A_369] : memref<50x8x128x8x128xf32, #tpu.memory_space<hbm>> -> memref<1x1x1x8x128xf32, #tpu.memory_space<hbm>>
        %dma_wait3A_371 = tpu.memref_squeeze %dma_wait3A_370 : memref<1x1x1x8x128xf32, #tpu.memory_space<hbm>> -> memref<8x128xf32, #tpu.memory_space<hbm>>
        %dma_wait3A_372 = arith.constant 0 : i32
        %dma_wait3A_373 = arith.constant 128 : i32
        %dma_wait3A_374 = tpu.memref_slice %arg9[%run_scoped3A_181, %dma_wait3A_372, %dma_wait3A_373] : memref<8x8x257xf32, #tpu.memory_space<vmem>> -> memref<1x8x128xf32, #tpu.memory_space<vmem>>
        %dma_wait3A_375 = tpu.memref_squeeze %dma_wait3A_374 : memref<1x8x128xf32, #tpu.memory_space<vmem>> -> memref<8x128xf32, #tpu.memory_space<vmem>>
        tpu.wait_dma2 semaphore(%run_scoped3A_343 : memref<!tpu.dma_semaphore, #tpu.memory_space<semaphore_mem>>) src(%dma_wait3A_375 : memref<8x128xf32, #tpu.memory_space<vmem>>) dst(%dma_wait3A_371 : memref<8x128xf32, #tpu.memory_space<hbm>>)
        tpu.yield
      }) : () -> ()
      %add3A_183 = arith.constant 0 : i32
      %add3A_184 = arith.addi %mul3A_2, %add3A_183 : i32
      %mul3A_185 = arith.constant 2 : i32
      %mul3A_186 = arith.muli %add3A_184, %mul3A_185 : i32
      %add3A_187 = arith.constant 1 : i32
      %add3A_188 = arith.addi %mul3A_186, %add3A_187 : i32
      %run_scoped3A_189 = arith.constant 5 : i32
      %run_scoped3A_190 = arith.constant 5 : i32
      "tpu.region"() ({
        %run_scoped3A_343 = tpu.sem_alloc : memref<!tpu.dma_semaphore, #tpu.memory_space<semaphore_mem>>
        %dma_start3A_344 = arith.constant 0 : i32
        %dma_start3A_345 = arith.constant 128 : i32
        %dma_start3A_346 = tpu.memref_slice %arg9[%run_scoped3A_189, %dma_start3A_344, %dma_start3A_345] : memref<8x8x257xf32, #tpu.memory_space<vmem>> -> memref<1x8x128xf32, #tpu.memory_space<vmem>>
        %dma_start3A_347 = tpu.memref_squeeze %dma_start3A_346 : memref<1x8x128xf32, #tpu.memory_space<vmem>> -> memref<8x128xf32, #tpu.memory_space<vmem>>
        %dma_start3A_348 = arith.constant 0 : i32
        %dma_start3A_349 = arith.constant 0 : i32
        %dma_start3A_350 = tpu.memref_slice %arg4[%add3A_65, %run_scoped3A_190, %add3A_188, %dma_start3A_348, %dma_start3A_349] : memref<50x8x128x8x128xf32, #tpu.memory_space<hbm>> -> memref<1x1x1x8x128xf32, #tpu.memory_space<hbm>>
        %dma_start3A_351 = tpu.memref_squeeze %dma_start3A_350 : memref<1x1x1x8x128xf32, #tpu.memory_space<hbm>> -> memref<8x128xf32, #tpu.memory_space<hbm>>
        %dma_start3A_352 = arith.constant 0 : i32
        %dma_start3A_353 = arith.constant 0 : i32
        %dma_start3A_354 = tpu.memref_slice %arg4[%add3A_65, %run_scoped3A_190, %add3A_188, %dma_start3A_352, %dma_start3A_353] : memref<50x8x128x8x128xf32, #tpu.memory_space<hbm>> -> memref<1x1x1x8x128xf32, #tpu.memory_space<hbm>>
        %dma_start3A_355 = tpu.memref_squeeze %dma_start3A_354 : memref<1x1x1x8x128xf32, #tpu.memory_space<hbm>> -> memref<8x128xf32, #tpu.memory_space<hbm>>
        %dma_start3A_356 = arith.constant 0 : i32
        %dma_start3A_357 = arith.constant 128 : i32
        %dma_start3A_358 = tpu.memref_slice %arg9[%run_scoped3A_189, %dma_start3A_356, %dma_start3A_357] : memref<8x8x257xf32, #tpu.memory_space<vmem>> -> memref<1x8x128xf32, #tpu.memory_space<vmem>>
        %dma_start3A_359 = tpu.memref_squeeze %dma_start3A_358 : memref<1x8x128xf32, #tpu.memory_space<vmem>> -> memref<8x128xf32, #tpu.memory_space<vmem>>
        tpu.enqueue_dma source(%dma_start3A_359 : memref<8x128xf32, #tpu.memory_space<vmem>>) target(%dma_start3A_355 : memref<8x128xf32, #tpu.memory_space<hbm>>) target_semaphore(%run_scoped3A_343 : memref<!tpu.dma_semaphore, #tpu.memory_space<semaphore_mem>>)
        %dma_wait3A_360 = arith.constant 0 : i32
        %dma_wait3A_361 = arith.constant 128 : i32
        %dma_wait3A_362 = tpu.memref_slice %arg9[%run_scoped3A_189, %dma_wait3A_360, %dma_wait3A_361] : memref<8x8x257xf32, #tpu.memory_space<vmem>> -> memref<1x8x128xf32, #tpu.memory_space<vmem>>
        %dma_wait3A_363 = tpu.memref_squeeze %dma_wait3A_362 : memref<1x8x128xf32, #tpu.memory_space<vmem>> -> memref<8x128xf32, #tpu.memory_space<vmem>>
        %dma_wait3A_364 = arith.constant 0 : i32
        %dma_wait3A_365 = arith.constant 0 : i32
        %dma_wait3A_366 = tpu.memref_slice %arg4[%add3A_65, %run_scoped3A_190, %add3A_188, %dma_wait3A_364, %dma_wait3A_365] : memref<50x8x128x8x128xf32, #tpu.memory_space<hbm>> -> memref<1x1x1x8x128xf32, #tpu.memory_space<hbm>>
        %dma_wait3A_367 = tpu.memref_squeeze %dma_wait3A_366 : memref<1x1x1x8x128xf32, #tpu.memory_space<hbm>> -> memref<8x128xf32, #tpu.memory_space<hbm>>
        %dma_wait3A_368 = arith.constant 0 : i32
        %dma_wait3A_369 = arith.constant 0 : i32
        %dma_wait3A_370 = tpu.memref_slice %arg4[%add3A_65, %run_scoped3A_190, %add3A_188, %dma_wait3A_368, %dma_wait3A_369] : memref<50x8x128x8x128xf32, #tpu.memory_space<hbm>> -> memref<1x1x1x8x128xf32, #tpu.memory_space<hbm>>
        %dma_wait3A_371 = tpu.memref_squeeze %dma_wait3A_370 : memref<1x1x1x8x128xf32, #tpu.memory_space<hbm>> -> memref<8x128xf32, #tpu.memory_space<hbm>>
        %dma_wait3A_372 = arith.constant 0 : i32
        %dma_wait3A_373 = arith.constant 128 : i32
        %dma_wait3A_374 = tpu.memref_slice %arg9[%run_scoped3A_189, %dma_wait3A_372, %dma_wait3A_373] : memref<8x8x257xf32, #tpu.memory_space<vmem>> -> memref<1x8x128xf32, #tpu.memory_space<vmem>>
        %dma_wait3A_375 = tpu.memref_squeeze %dma_wait3A_374 : memref<1x8x128xf32, #tpu.memory_space<vmem>> -> memref<8x128xf32, #tpu.memory_space<vmem>>
        tpu.wait_dma2 semaphore(%run_scoped3A_343 : memref<!tpu.dma_semaphore, #tpu.memory_space<semaphore_mem>>) src(%dma_wait3A_375 : memref<8x128xf32, #tpu.memory_space<vmem>>) dst(%dma_wait3A_371 : memref<8x128xf32, #tpu.memory_space<hbm>>)
        tpu.yield
      }) : () -> ()
      %add3A_191 = arith.constant 0 : i32
      %add3A_192 = arith.addi %mul3A_2, %add3A_191 : i32
      %mul3A_193 = arith.constant 2 : i32
      %mul3A_194 = arith.muli %add3A_192, %mul3A_193 : i32
      %add3A_195 = arith.constant 1 : i32
      %add3A_196 = arith.addi %mul3A_194, %add3A_195 : i32
      %run_scoped3A_197 = arith.constant 6 : i32
      %run_scoped3A_198 = arith.constant 6 : i32
      "tpu.region"() ({
        %run_scoped3A_343 = tpu.sem_alloc : memref<!tpu.dma_semaphore, #tpu.memory_space<semaphore_mem>>
        %dma_start3A_344 = arith.constant 0 : i32
        %dma_start3A_345 = arith.constant 128 : i32
        %dma_start3A_346 = tpu.memref_slice %arg9[%run_scoped3A_197, %dma_start3A_344, %dma_start3A_345] : memref<8x8x257xf32, #tpu.memory_space<vmem>> -> memref<1x8x128xf32, #tpu.memory_space<vmem>>
        %dma_start3A_347 = tpu.memref_squeeze %dma_start3A_346 : memref<1x8x128xf32, #tpu.memory_space<vmem>> -> memref<8x128xf32, #tpu.memory_space<vmem>>
        %dma_start3A_348 = arith.constant 0 : i32
        %dma_start3A_349 = arith.constant 0 : i32
        %dma_start3A_350 = tpu.memref_slice %arg4[%add3A_65, %run_scoped3A_198, %add3A_196, %dma_start3A_348, %dma_start3A_349] : memref<50x8x128x8x128xf32, #tpu.memory_space<hbm>> -> memref<1x1x1x8x128xf32, #tpu.memory_space<hbm>>
        %dma_start3A_351 = tpu.memref_squeeze %dma_start3A_350 : memref<1x1x1x8x128xf32, #tpu.memory_space<hbm>> -> memref<8x128xf32, #tpu.memory_space<hbm>>
        %dma_start3A_352 = arith.constant 0 : i32
        %dma_start3A_353 = arith.constant 0 : i32
        %dma_start3A_354 = tpu.memref_slice %arg4[%add3A_65, %run_scoped3A_198, %add3A_196, %dma_start3A_352, %dma_start3A_353] : memref<50x8x128x8x128xf32, #tpu.memory_space<hbm>> -> memref<1x1x1x8x128xf32, #tpu.memory_space<hbm>>
        %dma_start3A_355 = tpu.memref_squeeze %dma_start3A_354 : memref<1x1x1x8x128xf32, #tpu.memory_space<hbm>> -> memref<8x128xf32, #tpu.memory_space<hbm>>
        %dma_start3A_356 = arith.constant 0 : i32
        %dma_start3A_357 = arith.constant 128 : i32
        %dma_start3A_358 = tpu.memref_slice %arg9[%run_scoped3A_197, %dma_start3A_356, %dma_start3A_357] : memref<8x8x257xf32, #tpu.memory_space<vmem>> -> memref<1x8x128xf32, #tpu.memory_space<vmem>>
        %dma_start3A_359 = tpu.memref_squeeze %dma_start3A_358 : memref<1x8x128xf32, #tpu.memory_space<vmem>> -> memref<8x128xf32, #tpu.memory_space<vmem>>
        tpu.enqueue_dma source(%dma_start3A_359 : memref<8x128xf32, #tpu.memory_space<vmem>>) target(%dma_start3A_355 : memref<8x128xf32, #tpu.memory_space<hbm>>) target_semaphore(%run_scoped3A_343 : memref<!tpu.dma_semaphore, #tpu.memory_space<semaphore_mem>>)
        %dma_wait3A_360 = arith.constant 0 : i32
        %dma_wait3A_361 = arith.constant 128 : i32
        %dma_wait3A_362 = tpu.memref_slice %arg9[%run_scoped3A_197, %dma_wait3A_360, %dma_wait3A_361] : memref<8x8x257xf32, #tpu.memory_space<vmem>> -> memref<1x8x128xf32, #tpu.memory_space<vmem>>
        %dma_wait3A_363 = tpu.memref_squeeze %dma_wait3A_362 : memref<1x8x128xf32, #tpu.memory_space<vmem>> -> memref<8x128xf32, #tpu.memory_space<vmem>>
        %dma_wait3A_364 = arith.constant 0 : i32
        %dma_wait3A_365 = arith.constant 0 : i32
        %dma_wait3A_366 = tpu.memref_slice %arg4[%add3A_65, %run_scoped3A_198, %add3A_196, %dma_wait3A_364, %dma_wait3A_365] : memref<50x8x128x8x128xf32, #tpu.memory_space<hbm>> -> memref<1x1x1x8x128xf32, #tpu.memory_space<hbm>>
        %dma_wait3A_367 = tpu.memref_squeeze %dma_wait3A_366 : memref<1x1x1x8x128xf32, #tpu.memory_space<hbm>> -> memref<8x128xf32, #tpu.memory_space<hbm>>
        %dma_wait3A_368 = arith.constant 0 : i32
        %dma_wait3A_369 = arith.constant 0 : i32
        %dma_wait3A_370 = tpu.memref_slice %arg4[%add3A_65, %run_scoped3A_198, %add3A_196, %dma_wait3A_368, %dma_wait3A_369] : memref<50x8x128x8x128xf32, #tpu.memory_space<hbm>> -> memref<1x1x1x8x128xf32, #tpu.memory_space<hbm>>
        %dma_wait3A_371 = tpu.memref_squeeze %dma_wait3A_370 : memref<1x1x1x8x128xf32, #tpu.memory_space<hbm>> -> memref<8x128xf32, #tpu.memory_space<hbm>>
        %dma_wait3A_372 = arith.constant 0 : i32
        %dma_wait3A_373 = arith.constant 128 : i32
        %dma_wait3A_374 = tpu.memref_slice %arg9[%run_scoped3A_197, %dma_wait3A_372, %dma_wait3A_373] : memref<8x8x257xf32, #tpu.memory_space<vmem>> -> memref<1x8x128xf32, #tpu.memory_space<vmem>>
        %dma_wait3A_375 = tpu.memref_squeeze %dma_wait3A_374 : memref<1x8x128xf32, #tpu.memory_space<vmem>> -> memref<8x128xf32, #tpu.memory_space<vmem>>
        tpu.wait_dma2 semaphore(%run_scoped3A_343 : memref<!tpu.dma_semaphore, #tpu.memory_space<semaphore_mem>>) src(%dma_wait3A_375 : memref<8x128xf32, #tpu.memory_space<vmem>>) dst(%dma_wait3A_371 : memref<8x128xf32, #tpu.memory_space<hbm>>)
        tpu.yield
      }) : () -> ()
      %add3A_199 = arith.constant 0 : i32
      %add3A_200 = arith.addi %mul3A_2, %add3A_199 : i32
      %mul3A_201 = arith.constant 2 : i32
      %mul3A_202 = arith.muli %add3A_200, %mul3A_201 : i32
      %add3A_203 = arith.constant 1 : i32
      %add3A_204 = arith.addi %mul3A_202, %add3A_203 : i32
      %run_scoped3A_205 = arith.constant 7 : i32
      %run_scoped3A_206 = arith.constant 7 : i32
      "tpu.region"() ({
        %run_scoped3A_343 = tpu.sem_alloc : memref<!tpu.dma_semaphore, #tpu.memory_space<semaphore_mem>>
        %dma_start3A_344 = arith.constant 0 : i32
        %dma_start3A_345 = arith.constant 128 : i32
        %dma_start3A_346 = tpu.memref_slice %arg9[%run_scoped3A_205, %dma_start3A_344, %dma_start3A_345] : memref<8x8x257xf32, #tpu.memory_space<vmem>> -> memref<1x8x128xf32, #tpu.memory_space<vmem>>
        %dma_start3A_347 = tpu.memref_squeeze %dma_start3A_346 : memref<1x8x128xf32, #tpu.memory_space<vmem>> -> memref<8x128xf32, #tpu.memory_space<vmem>>
        %dma_start3A_348 = arith.constant 0 : i32
        %dma_start3A_349 = arith.constant 0 : i32
        %dma_start3A_350 = tpu.memref_slice %arg4[%add3A_65, %run_scoped3A_206, %add3A_204, %dma_start3A_348, %dma_start3A_349] : memref<50x8x128x8x128xf32, #tpu.memory_space<hbm>> -> memref<1x1x1x8x128xf32, #tpu.memory_space<hbm>>
        %dma_start3A_351 = tpu.memref_squeeze %dma_start3A_350 : memref<1x1x1x8x128xf32, #tpu.memory_space<hbm>> -> memref<8x128xf32, #tpu.memory_space<hbm>>
        %dma_start3A_352 = arith.constant 0 : i32
        %dma_start3A_353 = arith.constant 0 : i32
        %dma_start3A_354 = tpu.memref_slice %arg4[%add3A_65, %run_scoped3A_206, %add3A_204, %dma_start3A_352, %dma_start3A_353] : memref<50x8x128x8x128xf32, #tpu.memory_space<hbm>> -> memref<1x1x1x8x128xf32, #tpu.memory_space<hbm>>
        %dma_start3A_355 = tpu.memref_squeeze %dma_start3A_354 : memref<1x1x1x8x128xf32, #tpu.memory_space<hbm>> -> memref<8x128xf32, #tpu.memory_space<hbm>>
        %dma_start3A_356 = arith.constant 0 : i32
        %dma_start3A_357 = arith.constant 128 : i32
        %dma_start3A_358 = tpu.memref_slice %arg9[%run_scoped3A_205, %dma_start3A_356, %dma_start3A_357] : memref<8x8x257xf32, #tpu.memory_space<vmem>> -> memref<1x8x128xf32, #tpu.memory_space<vmem>>
        %dma_start3A_359 = tpu.memref_squeeze %dma_start3A_358 : memref<1x8x128xf32, #tpu.memory_space<vmem>> -> memref<8x128xf32, #tpu.memory_space<vmem>>
        tpu.enqueue_dma source(%dma_start3A_359 : memref<8x128xf32, #tpu.memory_space<vmem>>) target(%dma_start3A_355 : memref<8x128xf32, #tpu.memory_space<hbm>>) target_semaphore(%run_scoped3A_343 : memref<!tpu.dma_semaphore, #tpu.memory_space<semaphore_mem>>)
        %dma_wait3A_360 = arith.constant 0 : i32
        %dma_wait3A_361 = arith.constant 128 : i32
        %dma_wait3A_362 = tpu.memref_slice %arg9[%run_scoped3A_205, %dma_wait3A_360, %dma_wait3A_361] : memref<8x8x257xf32, #tpu.memory_space<vmem>> -> memref<1x8x128xf32, #tpu.memory_space<vmem>>
        %dma_wait3A_363 = tpu.memref_squeeze %dma_wait3A_362 : memref<1x8x128xf32, #tpu.memory_space<vmem>> -> memref<8x128xf32, #tpu.memory_space<vmem>>
        %dma_wait3A_364 = arith.constant 0 : i32
        %dma_wait3A_365 = arith.constant 0 : i32
        %dma_wait3A_366 = tpu.memref_slice %arg4[%add3A_65, %run_scoped3A_206, %add3A_204, %dma_wait3A_364, %dma_wait3A_365] : memref<50x8x128x8x128xf32, #tpu.memory_space<hbm>> -> memref<1x1x1x8x128xf32, #tpu.memory_space<hbm>>
        %dma_wait3A_367 = tpu.memref_squeeze %dma_wait3A_366 : memref<1x1x1x8x128xf32, #tpu.memory_space<hbm>> -> memref<8x128xf32, #tpu.memory_space<hbm>>
        %dma_wait3A_368 = arith.constant 0 : i32
        %dma_wait3A_369 = arith.constant 0 : i32
        %dma_wait3A_370 = tpu.memref_slice %arg4[%add3A_65, %run_scoped3A_206, %add3A_204, %dma_wait3A_368, %dma_wait3A_369] : memref<50x8x128x8x128xf32, #tpu.memory_space<hbm>> -> memref<1x1x1x8x128xf32, #tpu.memory_space<hbm>>
        %dma_wait3A_371 = tpu.memref_squeeze %dma_wait3A_370 : memref<1x1x1x8x128xf32, #tpu.memory_space<hbm>> -> memref<8x128xf32, #tpu.memory_space<hbm>>
        %dma_wait3A_372 = arith.constant 0 : i32
        %dma_wait3A_373 = arith.constant 128 : i32
        %dma_wait3A_374 = tpu.memref_slice %arg9[%run_scoped3A_205, %dma_wait3A_372, %dma_wait3A_373] : memref<8x8x257xf32, #tpu.memory_space<vmem>> -> memref<1x8x128xf32, #tpu.memory_space<vmem>>
        %dma_wait3A_375 = tpu.memref_squeeze %dma_wait3A_374 : memref<1x8x128xf32, #tpu.memory_space<vmem>> -> memref<8x128xf32, #tpu.memory_space<vmem>>
        tpu.wait_dma2 semaphore(%run_scoped3A_343 : memref<!tpu.dma_semaphore, #tpu.memory_space<semaphore_mem>>) src(%dma_wait3A_375 : memref<8x128xf32, #tpu.memory_space<vmem>>) dst(%dma_wait3A_371 : memref<8x128xf32, #tpu.memory_space<hbm>>)
        tpu.yield
      }) : () -> ()
      %lt3A = arith.constant 49 : i32
      %lt3A_207 = arith.cmpi slt, %add3A_65, %lt3A : i32
      %convert_element_type3A = arith.extui %lt3A_207 : i1 to i32
      %cond3A = arith.constant 0 : i32
      %cond3A_208 = arith.cmpi ne, %convert_element_type3A, %cond3A : i32
      scf.if %cond3A_208 {
        %add3A_343 = arith.constant 1 : i32
        %add3A_344 = arith.addi %add3A_65, %add3A_343 : i32
        %mul3A_345 = arith.constant 16384 : i32
        %mul3A_346 = arith.muli %add3A_344, %mul3A_345 : i32
        %add3A_347 = arith.constant 0 : i32
        %add3A_348 = arith.addi %mul3A_2, %add3A_347 : i32
        %mul3A_349 = arith.constant 256 : i32
        %mul3A_350 = arith.muli %add3A_348, %mul3A_349 : i32
        %add3A_351 = arith.addi %mul3A_346, %mul3A_350 : i32
        "tpu.region"() ({
          %run_scoped3A_355 = tpu.sem_alloc : memref<!tpu.dma_semaphore, #tpu.memory_space<semaphore_mem>>
          %dma_start3A_356 = tpu.memref_slice %arg3[%add3A_351] : memref<819200xi32, #tpu.memory_space<hbm>> -> memref<256xi32, #tpu.memory_space<hbm>>
          %dma_start3A_357 = tpu.memref_slice %arg3[%add3A_351] : memref<819200xi32, #tpu.memory_space<hbm>> -> memref<256xi32, #tpu.memory_space<hbm>>
          tpu.enqueue_dma source(%dma_start3A_357 : memref<256xi32, #tpu.memory_space<hbm>>) target(%arg5 : memref<256xi32, #tpu.memory_space<vmem>>) target_semaphore(%run_scoped3A_355 : memref<!tpu.dma_semaphore, #tpu.memory_space<semaphore_mem>>)
          %dma_wait3A_358 = tpu.memref_slice %arg3[%add3A_351] : memref<819200xi32, #tpu.memory_space<hbm>> -> memref<256xi32, #tpu.memory_space<hbm>>
          %dma_wait3A_359 = tpu.memref_slice %arg3[%add3A_351] : memref<819200xi32, #tpu.memory_space<hbm>> -> memref<256xi32, #tpu.memory_space<hbm>>
          tpu.wait_dma2 semaphore(%run_scoped3A_355 : memref<!tpu.dma_semaphore, #tpu.memory_space<semaphore_mem>>) src(%dma_wait3A_359 : memref<256xi32, #tpu.memory_space<hbm>>) dst(%arg5 : memref<256xi32, #tpu.memory_space<vmem>>)
          tpu.yield
        }) : () -> ()
        %dma_start3A_352 = arith.constant 0 : i32
        %dma_start3A_353 = arith.constant 0 : i32
        %dma_start3A_354 = tpu.memref_slice %arg2[%dma_start3A_352, %dma_start3A_353] : memref<1000000x64xf32, #tpu.memory_space<hbm>> -> memref<1000000x64xf32, #tpu.memory_space<hbm>>
        tpu.enqueue_indirect_dma source(%dma_start3A_354 : memref<1000000x64xf32, #tpu.memory_space<hbm>>) target(%arg7 : memref<256x64xf32, #tpu.memory_space<vmem>>) offsets(%arg5 : memref<256xi32, #tpu.memory_space<vmem>>) semaphore(%arg10 : memref<!tpu.dma_semaphore, #tpu.memory_space<semaphore_mem>>)
      } else {
      }
      %dma_wait3A_209 = arith.constant 0 : i32
      %dma_wait3A_210 = arith.constant 0 : i32
      %dma_wait3A_211 = tpu.memref_slice %arg2[%dma_wait3A_209, %dma_wait3A_210] : memref<1000000x64xf32, #tpu.memory_space<hbm>> -> memref<1000000x64xf32, #tpu.memory_space<hbm>>
      tpu.wait_indirect_dma semaphore(%arg11 : memref<!tpu.dma_semaphore, #tpu.memory_space<semaphore_mem>>) src(%dma_wait3A_211 : memref<1000000x64xf32, #tpu.memory_space<hbm>>) dst(%arg8 : memref<256x64xf32, #tpu.memory_space<vmem>>)
      %parallel_loop3A_212 = arith.constant 0 : i32
      %parallel_loop3A_213 = arith.constant 256 : i32
      %parallel_loop3A_214 = arith.constant 1 : i32
      scf.for %parallel_loop3A_343 = %parallel_loop3A_212 to %parallel_loop3A_213 step %parallel_loop3A_214  : i32 {
        %parallel_loop3A_344 = arith.constant 0 : i32
        %parallel_loop3A_345 = vector.broadcast %parallel_loop3A_344 : i32 to vector<16xi32>
        %parallel_loop3A_346 = vector.broadcast %parallel_loop3A_343 : i32 to vector<16xi32>
        %parallel_loop3A_347 = arith.addi %parallel_loop3A_345, %parallel_loop3A_346 : vector<16xi32>
        %parallel_loop3A_348 = arith.index_cast %parallel_loop3A_343 : i32 to index
        %parallel_loop3A_349 = arith.constant 0 : index
        %parallel_loop3A_350 = tpu.vector_load %arg8[%parallel_loop3A_348, %parallel_loop3A_349] {strides = array<i32>} : memref<256x64xf32, #tpu.memory_space<vmem>>, vector<16xf32>,
        tpu.vector_store_idx %arg9[%shift_right_arithmetic3A_7, %and3A_30, %parallel_loop3A_347], %parallel_loop3A_350 : memref<8x8x257xf32, #tpu.memory_space<vmem>>[vector<16xi32>, vector<16xi32>, vector<16xi32>], vector<16xf32>,
        %parallel_loop3A_351 = arith.index_cast %parallel_loop3A_343 : i32 to index
        %parallel_loop3A_352 = arith.constant 16 : index
        %parallel_loop3A_353 = tpu.vector_load %arg8[%parallel_loop3A_351, %parallel_loop3A_352] {strides = array<i32>} : memref<256x64xf32, #tpu.memory_space<vmem>>, vector<16xf32>,
        tpu.vector_store_idx %arg9[%shift_right_arithmetic3A_13, %and3A_36, %parallel_loop3A_347], %parallel_loop3A_353 : memref<8x8x257xf32, #tpu.memory_space<vmem>>[vector<16xi32>, vector<16xi32>, vector<16xi32>], vector<16xf32>,
        %parallel_loop3A_354 = arith.index_cast %parallel_loop3A_343 : i32 to index
        %parallel_loop3A_355 = arith.constant 32 : index
        %parallel_loop3A_356 = tpu.vector_load %arg8[%parallel_loop3A_354, %parallel_loop3A_355] {strides = array<i32>} : memref<256x64xf32, #tpu.memory_space<vmem>>, vector<16xf32>,
        tpu.vector_store_idx %arg9[%shift_right_arithmetic3A_19, %and3A_42, %parallel_loop3A_347], %parallel_loop3A_356 : memref<8x8x257xf32, #tpu.memory_space<vmem>>[vector<16xi32>, vector<16xi32>, vector<16xi32>], vector<16xf32>,
        %parallel_loop3A_357 = arith.index_cast %parallel_loop3A_343 : i32 to index
        %parallel_loop3A_358 = arith.constant 48 : index
        %parallel_loop3A_359 = tpu.vector_load %arg8[%parallel_loop3A_357, %parallel_loop3A_358] {strides = array<i32>} : memref<256x64xf32, #tpu.memory_space<vmem>>, vector<16xf32>,
        tpu.vector_store_idx %arg9[%shift_right_arithmetic3A_25, %and3A_48, %parallel_loop3A_347], %parallel_loop3A_359 : memref<8x8x257xf32, #tpu.memory_space<vmem>>[vector<16xi32>, vector<16xi32>, vector<16xi32>], vector<16xf32>,
      } {sc.loop_unroll_factor = 8 : i64, sc.parallel_access}
      %add3A_215 = arith.constant 1 : i32
      %add3A_216 = arith.addi %mul3A_2, %add3A_215 : i32
      %mul3A_217 = arith.constant 2 : i32
      %mul3A_218 = arith.muli %add3A_216, %mul3A_217 : i32
      %add3A_219 = arith.constant 0 : i32
      %add3A_220 = arith.addi %mul3A_218, %add3A_219 : i32
      %run_scoped3A_221 = arith.constant 0 : i32
      %run_scoped3A_222 = arith.constant 0 : i32
      "tpu.region"() ({
        %run_scoped3A_343 = tpu.sem_alloc : memref<!tpu.dma_semaphore, #tpu.memory_space<semaphore_mem>>
        %dma_start3A_344 = arith.constant 0 : i32
        %dma_start3A_345 = arith.constant 0 : i32
        %dma_start3A_346 = tpu.memref_slice %arg9[%run_scoped3A_221, %dma_start3A_344, %dma_start3A_345] : memref<8x8x257xf32, #tpu.memory_space<vmem>> -> memref<1x8x128xf32, #tpu.memory_space<vmem>>
        %dma_start3A_347 = tpu.memref_squeeze %dma_start3A_346 : memref<1x8x128xf32, #tpu.memory_space<vmem>> -> memref<8x128xf32, #tpu.memory_space<vmem>>
        %dma_start3A_348 = arith.constant 0 : i32
        %dma_start3A_349 = arith.constant 0 : i32
        %dma_start3A_350 = tpu.memref_slice %arg4[%add3A_65, %run_scoped3A_222, %add3A_220, %dma_start3A_348, %dma_start3A_349] : memref<50x8x128x8x128xf32, #tpu.memory_space<hbm>> -> memref<1x1x1x8x128xf32, #tpu.memory_space<hbm>>
        %dma_start3A_351 = tpu.memref_squeeze %dma_start3A_350 : memref<1x1x1x8x128xf32, #tpu.memory_space<hbm>> -> memref<8x128xf32, #tpu.memory_space<hbm>>
        %dma_start3A_352 = arith.constant 0 : i32
        %dma_start3A_353 = arith.constant 0 : i32
        %dma_start3A_354 = tpu.memref_slice %arg4[%add3A_65, %run_scoped3A_222, %add3A_220, %dma_start3A_352, %dma_start3A_353] : memref<50x8x128x8x128xf32, #tpu.memory_space<hbm>> -> memref<1x1x1x8x128xf32, #tpu.memory_space<hbm>>
        %dma_start3A_355 = tpu.memref_squeeze %dma_start3A_354 : memref<1x1x1x8x128xf32, #tpu.memory_space<hbm>> -> memref<8x128xf32, #tpu.memory_space<hbm>>
        %dma_start3A_356 = arith.constant 0 : i32
        %dma_start3A_357 = arith.constant 0 : i32
        %dma_start3A_358 = tpu.memref_slice %arg9[%run_scoped3A_221, %dma_start3A_356, %dma_start3A_357] : memref<8x8x257xf32, #tpu.memory_space<vmem>> -> memref<1x8x128xf32, #tpu.memory_space<vmem>>
        %dma_start3A_359 = tpu.memref_squeeze %dma_start3A_358 : memref<1x8x128xf32, #tpu.memory_space<vmem>> -> memref<8x128xf32, #tpu.memory_space<vmem>>
        tpu.enqueue_dma source(%dma_start3A_359 : memref<8x128xf32, #tpu.memory_space<vmem>>) target(%dma_start3A_355 : memref<8x128xf32, #tpu.memory_space<hbm>>) target_semaphore(%run_scoped3A_343 : memref<!tpu.dma_semaphore, #tpu.memory_space<semaphore_mem>>)
        %dma_wait3A_360 = arith.constant 0 : i32
        %dma_wait3A_361 = arith.constant 0 : i32
        %dma_wait3A_362 = tpu.memref_slice %arg9[%run_scoped3A_221, %dma_wait3A_360, %dma_wait3A_361] : memref<8x8x257xf32, #tpu.memory_space<vmem>> -> memref<1x8x128xf32, #tpu.memory_space<vmem>>
        %dma_wait3A_363 = tpu.memref_squeeze %dma_wait3A_362 : memref<1x8x128xf32, #tpu.memory_space<vmem>> -> memref<8x128xf32, #tpu.memory_space<vmem>>
        %dma_wait3A_364 = arith.constant 0 : i32
        %dma_wait3A_365 = arith.constant 0 : i32
        %dma_wait3A_366 = tpu.memref_slice %arg4[%add3A_65, %run_scoped3A_222, %add3A_220, %dma_wait3A_364, %dma_wait3A_365] : memref<50x8x128x8x128xf32, #tpu.memory_space<hbm>> -> memref<1x1x1x8x128xf32, #tpu.memory_space<hbm>>
        %dma_wait3A_367 = tpu.memref_squeeze %dma_wait3A_366 : memref<1x1x1x8x128xf32, #tpu.memory_space<hbm>> -> memref<8x128xf32, #tpu.memory_space<hbm>>
        %dma_wait3A_368 = arith.constant 0 : i32
        %dma_wait3A_369 = arith.constant 0 : i32
        %dma_wait3A_370 = tpu.memref_slice %arg4[%add3A_65, %run_scoped3A_222, %add3A_220, %dma_wait3A_368, %dma_wait3A_369] : memref<50x8x128x8x128xf32, #tpu.memory_space<hbm>> -> memref<1x1x1x8x128xf32, #tpu.memory_space<hbm>>
        %dma_wait3A_371 = tpu.memref_squeeze %dma_wait3A_370 : memref<1x1x1x8x128xf32, #tpu.memory_space<hbm>> -> memref<8x128xf32, #tpu.memory_space<hbm>>
        %dma_wait3A_372 = arith.constant 0 : i32
        %dma_wait3A_373 = arith.constant 0 : i32
        %dma_wait3A_374 = tpu.memref_slice %arg9[%run_scoped3A_221, %dma_wait3A_372, %dma_wait3A_373] : memref<8x8x257xf32, #tpu.memory_space<vmem>> -> memref<1x8x128xf32, #tpu.memory_space<vmem>>
        %dma_wait3A_375 = tpu.memref_squeeze %dma_wait3A_374 : memref<1x8x128xf32, #tpu.memory_space<vmem>> -> memref<8x128xf32, #tpu.memory_space<vmem>>
        tpu.wait_dma2 semaphore(%run_scoped3A_343 : memref<!tpu.dma_semaphore, #tpu.memory_space<semaphore_mem>>) src(%dma_wait3A_375 : memref<8x128xf32, #tpu.memory_space<vmem>>) dst(%dma_wait3A_371 : memref<8x128xf32, #tpu.memory_space<hbm>>)
        tpu.yield
      }) : () -> ()
      %add3A_223 = arith.constant 1 : i32
      %add3A_224 = arith.addi %mul3A_2, %add3A_223 : i32
      %mul3A_225 = arith.constant 2 : i32
      %mul3A_226 = arith.muli %add3A_224, %mul3A_225 : i32
      %add3A_227 = arith.constant 0 : i32
      %add3A_228 = arith.addi %mul3A_226, %add3A_227 : i32
      %run_scoped3A_229 = arith.constant 1 : i32
      %run_scoped3A_230 = arith.constant 1 : i32
      "tpu.region"() ({
        %run_scoped3A_343 = tpu.sem_alloc : memref<!tpu.dma_semaphore, #tpu.memory_space<semaphore_mem>>
        %dma_start3A_344 = arith.constant 0 : i32
        %dma_start3A_345 = arith.constant 0 : i32
        %dma_start3A_346 = tpu.memref_slice %arg9[%run_scoped3A_229, %dma_start3A_344, %dma_start3A_345] : memref<8x8x257xf32, #tpu.memory_space<vmem>> -> memref<1x8x128xf32, #tpu.memory_space<vmem>>
        %dma_start3A_347 = tpu.memref_squeeze %dma_start3A_346 : memref<1x8x128xf32, #tpu.memory_space<vmem>> -> memref<8x128xf32, #tpu.memory_space<vmem>>
        %dma_start3A_348 = arith.constant 0 : i32
        %dma_start3A_349 = arith.constant 0 : i32
        %dma_start3A_350 = tpu.memref_slice %arg4[%add3A_65, %run_scoped3A_230, %add3A_228, %dma_start3A_348, %dma_start3A_349] : memref<50x8x128x8x128xf32, #tpu.memory_space<hbm>> -> memref<1x1x1x8x128xf32, #tpu.memory_space<hbm>>
        %dma_start3A_351 = tpu.memref_squeeze %dma_start3A_350 : memref<1x1x1x8x128xf32, #tpu.memory_space<hbm>> -> memref<8x128xf32, #tpu.memory_space<hbm>>
        %dma_start3A_352 = arith.constant 0 : i32
        %dma_start3A_353 = arith.constant 0 : i32
        %dma_start3A_354 = tpu.memref_slice %arg4[%add3A_65, %run_scoped3A_230, %add3A_228, %dma_start3A_352, %dma_start3A_353] : memref<50x8x128x8x128xf32, #tpu.memory_space<hbm>> -> memref<1x1x1x8x128xf32, #tpu.memory_space<hbm>>
        %dma_start3A_355 = tpu.memref_squeeze %dma_start3A_354 : memref<1x1x1x8x128xf32, #tpu.memory_space<hbm>> -> memref<8x128xf32, #tpu.memory_space<hbm>>
        %dma_start3A_356 = arith.constant 0 : i32
        %dma_start3A_357 = arith.constant 0 : i32
        %dma_start3A_358 = tpu.memref_slice %arg9[%run_scoped3A_229, %dma_start3A_356, %dma_start3A_357] : memref<8x8x257xf32, #tpu.memory_space<vmem>> -> memref<1x8x128xf32, #tpu.memory_space<vmem>>
        %dma_start3A_359 = tpu.memref_squeeze %dma_start3A_358 : memref<1x8x128xf32, #tpu.memory_space<vmem>> -> memref<8x128xf32, #tpu.memory_space<vmem>>
        tpu.enqueue_dma source(%dma_start3A_359 : memref<8x128xf32, #tpu.memory_space<vmem>>) target(%dma_start3A_355 : memref<8x128xf32, #tpu.memory_space<hbm>>) target_semaphore(%run_scoped3A_343 : memref<!tpu.dma_semaphore, #tpu.memory_space<semaphore_mem>>)
        %dma_wait3A_360 = arith.constant 0 : i32
        %dma_wait3A_361 = arith.constant 0 : i32
        %dma_wait3A_362 = tpu.memref_slice %arg9[%run_scoped3A_229, %dma_wait3A_360, %dma_wait3A_361] : memref<8x8x257xf32, #tpu.memory_space<vmem>> -> memref<1x8x128xf32, #tpu.memory_space<vmem>>
        %dma_wait3A_363 = tpu.memref_squeeze %dma_wait3A_362 : memref<1x8x128xf32, #tpu.memory_space<vmem>> -> memref<8x128xf32, #tpu.memory_space<vmem>>
        %dma_wait3A_364 = arith.constant 0 : i32
        %dma_wait3A_365 = arith.constant 0 : i32
        %dma_wait3A_366 = tpu.memref_slice %arg4[%add3A_65, %run_scoped3A_230, %add3A_228, %dma_wait3A_364, %dma_wait3A_365] : memref<50x8x128x8x128xf32, #tpu.memory_space<hbm>> -> memref<1x1x1x8x128xf32, #tpu.memory_space<hbm>>
        %dma_wait3A_367 = tpu.memref_squeeze %dma_wait3A_366 : memref<1x1x1x8x128xf32, #tpu.memory_space<hbm>> -> memref<8x128xf32, #tpu.memory_space<hbm>>
        %dma_wait3A_368 = arith.constant 0 : i32
        %dma_wait3A_369 = arith.constant 0 : i32
        %dma_wait3A_370 = tpu.memref_slice %arg4[%add3A_65, %run_scoped3A_230, %add3A_228, %dma_wait3A_368, %dma_wait3A_369] : memref<50x8x128x8x128xf32, #tpu.memory_space<hbm>> -> memref<1x1x1x8x128xf32, #tpu.memory_space<hbm>>
        %dma_wait3A_371 = tpu.memref_squeeze %dma_wait3A_370 : memref<1x1x1x8x128xf32, #tpu.memory_space<hbm>> -> memref<8x128xf32, #tpu.memory_space<hbm>>
        %dma_wait3A_372 = arith.constant 0 : i32
        %dma_wait3A_373 = arith.constant 0 : i32
        %dma_wait3A_374 = tpu.memref_slice %arg9[%run_scoped3A_229, %dma_wait3A_372, %dma_wait3A_373] : memref<8x8x257xf32, #tpu.memory_space<vmem>> -> memref<1x8x128xf32, #tpu.memory_space<vmem>>
        %dma_wait3A_375 = tpu.memref_squeeze %dma_wait3A_374 : memref<1x8x128xf32, #tpu.memory_space<vmem>> -> memref<8x128xf32, #tpu.memory_space<vmem>>
        tpu.wait_dma2 semaphore(%run_scoped3A_343 : memref<!tpu.dma_semaphore, #tpu.memory_space<semaphore_mem>>) src(%dma_wait3A_375 : memref<8x128xf32, #tpu.memory_space<vmem>>) dst(%dma_wait3A_371 : memref<8x128xf32, #tpu.memory_space<hbm>>)
        tpu.yield
      }) : () -> ()
      %add3A_231 = arith.constant 1 : i32
      %add3A_232 = arith.addi %mul3A_2, %add3A_231 : i32
      %mul3A_233 = arith.constant 2 : i32
      %mul3A_234 = arith.muli %add3A_232, %mul3A_233 : i32
      %add3A_235 = arith.constant 0 : i32
      %add3A_236 = arith.addi %mul3A_234, %add3A_235 : i32
      %run_scoped3A_237 = arith.constant 2 : i32
      %run_scoped3A_238 = arith.constant 2 : i32
      "tpu.region"() ({
        %run_scoped3A_343 = tpu.sem_alloc : memref<!tpu.dma_semaphore, #tpu.memory_space<semaphore_mem>>
        %dma_start3A_344 = arith.constant 0 : i32
        %dma_start3A_345 = arith.constant 0 : i32
        %dma_start3A_346 = tpu.memref_slice %arg9[%run_scoped3A_237, %dma_start3A_344, %dma_start3A_345] : memref<8x8x257xf32, #tpu.memory_space<vmem>> -> memref<1x8x128xf32, #tpu.memory_space<vmem>>
        %dma_start3A_347 = tpu.memref_squeeze %dma_start3A_346 : memref<1x8x128xf32, #tpu.memory_space<vmem>> -> memref<8x128xf32, #tpu.memory_space<vmem>>
        %dma_start3A_348 = arith.constant 0 : i32
        %dma_start3A_349 = arith.constant 0 : i32
        %dma_start3A_350 = tpu.memref_slice %arg4[%add3A_65, %run_scoped3A_238, %add3A_236, %dma_start3A_348, %dma_start3A_349] : memref<50x8x128x8x128xf32, #tpu.memory_space<hbm>> -> memref<1x1x1x8x128xf32, #tpu.memory_space<hbm>>
        %dma_start3A_351 = tpu.memref_squeeze %dma_start3A_350 : memref<1x1x1x8x128xf32, #tpu.memory_space<hbm>> -> memref<8x128xf32, #tpu.memory_space<hbm>>
        %dma_start3A_352 = arith.constant 0 : i32
        %dma_start3A_353 = arith.constant 0 : i32
        %dma_start3A_354 = tpu.memref_slice %arg4[%add3A_65, %run_scoped3A_238, %add3A_236, %dma_start3A_352, %dma_start3A_353] : memref<50x8x128x8x128xf32, #tpu.memory_space<hbm>> -> memref<1x1x1x8x128xf32, #tpu.memory_space<hbm>>
        %dma_start3A_355 = tpu.memref_squeeze %dma_start3A_354 : memref<1x1x1x8x128xf32, #tpu.memory_space<hbm>> -> memref<8x128xf32, #tpu.memory_space<hbm>>
        %dma_start3A_356 = arith.constant 0 : i32
        %dma_start3A_357 = arith.constant 0 : i32
        %dma_start3A_358 = tpu.memref_slice %arg9[%run_scoped3A_237, %dma_start3A_356, %dma_start3A_357] : memref<8x8x257xf32, #tpu.memory_space<vmem>> -> memref<1x8x128xf32, #tpu.memory_space<vmem>>
        %dma_start3A_359 = tpu.memref_squeeze %dma_start3A_358 : memref<1x8x128xf32, #tpu.memory_space<vmem>> -> memref<8x128xf32, #tpu.memory_space<vmem>>
        tpu.enqueue_dma source(%dma_start3A_359 : memref<8x128xf32, #tpu.memory_space<vmem>>) target(%dma_start3A_355 : memref<8x128xf32, #tpu.memory_space<hbm>>) target_semaphore(%run_scoped3A_343 : memref<!tpu.dma_semaphore, #tpu.memory_space<semaphore_mem>>)
        %dma_wait3A_360 = arith.constant 0 : i32
        %dma_wait3A_361 = arith.constant 0 : i32
        %dma_wait3A_362 = tpu.memref_slice %arg9[%run_scoped3A_237, %dma_wait3A_360, %dma_wait3A_361] : memref<8x8x257xf32, #tpu.memory_space<vmem>> -> memref<1x8x128xf32, #tpu.memory_space<vmem>>
        %dma_wait3A_363 = tpu.memref_squeeze %dma_wait3A_362 : memref<1x8x128xf32, #tpu.memory_space<vmem>> -> memref<8x128xf32, #tpu.memory_space<vmem>>
        %dma_wait3A_364 = arith.constant 0 : i32
        %dma_wait3A_365 = arith.constant 0 : i32
        %dma_wait3A_366 = tpu.memref_slice %arg4[%add3A_65, %run_scoped3A_238, %add3A_236, %dma_wait3A_364, %dma_wait3A_365] : memref<50x8x128x8x128xf32, #tpu.memory_space<hbm>> -> memref<1x1x1x8x128xf32, #tpu.memory_space<hbm>>
        %dma_wait3A_367 = tpu.memref_squeeze %dma_wait3A_366 : memref<1x1x1x8x128xf32, #tpu.memory_space<hbm>> -> memref<8x128xf32, #tpu.memory_space<hbm>>
        %dma_wait3A_368 = arith.constant 0 : i32
        %dma_wait3A_369 = arith.constant 0 : i32
        %dma_wait3A_370 = tpu.memref_slice %arg4[%add3A_65, %run_scoped3A_238, %add3A_236, %dma_wait3A_368, %dma_wait3A_369] : memref<50x8x128x8x128xf32, #tpu.memory_space<hbm>> -> memref<1x1x1x8x128xf32, #tpu.memory_space<hbm>>
        %dma_wait3A_371 = tpu.memref_squeeze %dma_wait3A_370 : memref<1x1x1x8x128xf32, #tpu.memory_space<hbm>> -> memref<8x128xf32, #tpu.memory_space<hbm>>
        %dma_wait3A_372 = arith.constant 0 : i32
        %dma_wait3A_373 = arith.constant 0 : i32
        %dma_wait3A_374 = tpu.memref_slice %arg9[%run_scoped3A_237, %dma_wait3A_372, %dma_wait3A_373] : memref<8x8x257xf32, #tpu.memory_space<vmem>> -> memref<1x8x128xf32, #tpu.memory_space<vmem>>
        %dma_wait3A_375 = tpu.memref_squeeze %dma_wait3A_374 : memref<1x8x128xf32, #tpu.memory_space<vmem>> -> memref<8x128xf32, #tpu.memory_space<vmem>>
        tpu.wait_dma2 semaphore(%run_scoped3A_343 : memref<!tpu.dma_semaphore, #tpu.memory_space<semaphore_mem>>) src(%dma_wait3A_375 : memref<8x128xf32, #tpu.memory_space<vmem>>) dst(%dma_wait3A_371 : memref<8x128xf32, #tpu.memory_space<hbm>>)
        tpu.yield
      }) : () -> ()
      %add3A_239 = arith.constant 1 : i32
      %add3A_240 = arith.addi %mul3A_2, %add3A_239 : i32
      %mul3A_241 = arith.constant 2 : i32
      %mul3A_242 = arith.muli %add3A_240, %mul3A_241 : i32
      %add3A_243 = arith.constant 0 : i32
      %add3A_244 = arith.addi %mul3A_242, %add3A_243 : i32
      %run_scoped3A_245 = arith.constant 3 : i32
      %run_scoped3A_246 = arith.constant 3 : i32
      "tpu.region"() ({
        %run_scoped3A_343 = tpu.sem_alloc : memref<!tpu.dma_semaphore, #tpu.memory_space<semaphore_mem>>
        %dma_start3A_344 = arith.constant 0 : i32
        %dma_start3A_345 = arith.constant 0 : i32
        %dma_start3A_346 = tpu.memref_slice %arg9[%run_scoped3A_245, %dma_start3A_344, %dma_start3A_345] : memref<8x8x257xf32, #tpu.memory_space<vmem>> -> memref<1x8x128xf32, #tpu.memory_space<vmem>>
        %dma_start3A_347 = tpu.memref_squeeze %dma_start3A_346 : memref<1x8x128xf32, #tpu.memory_space<vmem>> -> memref<8x128xf32, #tpu.memory_space<vmem>>
        %dma_start3A_348 = arith.constant 0 : i32
        %dma_start3A_349 = arith.constant 0 : i32
        %dma_start3A_350 = tpu.memref_slice %arg4[%add3A_65, %run_scoped3A_246, %add3A_244, %dma_start3A_348, %dma_start3A_349] : memref<50x8x128x8x128xf32, #tpu.memory_space<hbm>> -> memref<1x1x1x8x128xf32, #tpu.memory_space<hbm>>
        %dma_start3A_351 = tpu.memref_squeeze %dma_start3A_350 : memref<1x1x1x8x128xf32, #tpu.memory_space<hbm>> -> memref<8x128xf32, #tpu.memory_space<hbm>>
        %dma_start3A_352 = arith.constant 0 : i32
        %dma_start3A_353 = arith.constant 0 : i32
        %dma_start3A_354 = tpu.memref_slice %arg4[%add3A_65, %run_scoped3A_246, %add3A_244, %dma_start3A_352, %dma_start3A_353] : memref<50x8x128x8x128xf32, #tpu.memory_space<hbm>> -> memref<1x1x1x8x128xf32, #tpu.memory_space<hbm>>
        %dma_start3A_355 = tpu.memref_squeeze %dma_start3A_354 : memref<1x1x1x8x128xf32, #tpu.memory_space<hbm>> -> memref<8x128xf32, #tpu.memory_space<hbm>>
        %dma_start3A_356 = arith.constant 0 : i32
        %dma_start3A_357 = arith.constant 0 : i32
        %dma_start3A_358 = tpu.memref_slice %arg9[%run_scoped3A_245, %dma_start3A_356, %dma_start3A_357] : memref<8x8x257xf32, #tpu.memory_space<vmem>> -> memref<1x8x128xf32, #tpu.memory_space<vmem>>
        %dma_start3A_359 = tpu.memref_squeeze %dma_start3A_358 : memref<1x8x128xf32, #tpu.memory_space<vmem>> -> memref<8x128xf32, #tpu.memory_space<vmem>>
        tpu.enqueue_dma source(%dma_start3A_359 : memref<8x128xf32, #tpu.memory_space<vmem>>) target(%dma_start3A_355 : memref<8x128xf32, #tpu.memory_space<hbm>>) target_semaphore(%run_scoped3A_343 : memref<!tpu.dma_semaphore, #tpu.memory_space<semaphore_mem>>)
        %dma_wait3A_360 = arith.constant 0 : i32
        %dma_wait3A_361 = arith.constant 0 : i32
        %dma_wait3A_362 = tpu.memref_slice %arg9[%run_scoped3A_245, %dma_wait3A_360, %dma_wait3A_361] : memref<8x8x257xf32, #tpu.memory_space<vmem>> -> memref<1x8x128xf32, #tpu.memory_space<vmem>>
        %dma_wait3A_363 = tpu.memref_squeeze %dma_wait3A_362 : memref<1x8x128xf32, #tpu.memory_space<vmem>> -> memref<8x128xf32, #tpu.memory_space<vmem>>
        %dma_wait3A_364 = arith.constant 0 : i32
        %dma_wait3A_365 = arith.constant 0 : i32
        %dma_wait3A_366 = tpu.memref_slice %arg4[%add3A_65, %run_scoped3A_246, %add3A_244, %dma_wait3A_364, %dma_wait3A_365] : memref<50x8x128x8x128xf32, #tpu.memory_space<hbm>> -> memref<1x1x1x8x128xf32, #tpu.memory_space<hbm>>
        %dma_wait3A_367 = tpu.memref_squeeze %dma_wait3A_366 : memref<1x1x1x8x128xf32, #tpu.memory_space<hbm>> -> memref<8x128xf32, #tpu.memory_space<hbm>>
        %dma_wait3A_368 = arith.constant 0 : i32
        %dma_wait3A_369 = arith.constant 0 : i32
        %dma_wait3A_370 = tpu.memref_slice %arg4[%add3A_65, %run_scoped3A_246, %add3A_244, %dma_wait3A_368, %dma_wait3A_369] : memref<50x8x128x8x128xf32, #tpu.memory_space<hbm>> -> memref<1x1x1x8x128xf32, #tpu.memory_space<hbm>>
        %dma_wait3A_371 = tpu.memref_squeeze %dma_wait3A_370 : memref<1x1x1x8x128xf32, #tpu.memory_space<hbm>> -> memref<8x128xf32, #tpu.memory_space<hbm>>
        %dma_wait3A_372 = arith.constant 0 : i32
        %dma_wait3A_373 = arith.constant 0 : i32
        %dma_wait3A_374 = tpu.memref_slice %arg9[%run_scoped3A_245, %dma_wait3A_372, %dma_wait3A_373] : memref<8x8x257xf32, #tpu.memory_space<vmem>> -> memref<1x8x128xf32, #tpu.memory_space<vmem>>
        %dma_wait3A_375 = tpu.memref_squeeze %dma_wait3A_374 : memref<1x8x128xf32, #tpu.memory_space<vmem>> -> memref<8x128xf32, #tpu.memory_space<vmem>>
        tpu.wait_dma2 semaphore(%run_scoped3A_343 : memref<!tpu.dma_semaphore, #tpu.memory_space<semaphore_mem>>) src(%dma_wait3A_375 : memref<8x128xf32, #tpu.memory_space<vmem>>) dst(%dma_wait3A_371 : memref<8x128xf32, #tpu.memory_space<hbm>>)
        tpu.yield
      }) : () -> ()
      %add3A_247 = arith.constant 1 : i32
      %add3A_248 = arith.addi %mul3A_2, %add3A_247 : i32
      %mul3A_249 = arith.constant 2 : i32
      %mul3A_250 = arith.muli %add3A_248, %mul3A_249 : i32
      %add3A_251 = arith.constant 0 : i32
      %add3A_252 = arith.addi %mul3A_250, %add3A_251 : i32
      %run_scoped3A_253 = arith.constant 4 : i32
      %run_scoped3A_254 = arith.constant 4 : i32
      "tpu.region"() ({
        %run_scoped3A_343 = tpu.sem_alloc : memref<!tpu.dma_semaphore, #tpu.memory_space<semaphore_mem>>
        %dma_start3A_344 = arith.constant 0 : i32
        %dma_start3A_345 = arith.constant 0 : i32
        %dma_start3A_346 = tpu.memref_slice %arg9[%run_scoped3A_253, %dma_start3A_344, %dma_start3A_345] : memref<8x8x257xf32, #tpu.memory_space<vmem>> -> memref<1x8x128xf32, #tpu.memory_space<vmem>>
        %dma_start3A_347 = tpu.memref_squeeze %dma_start3A_346 : memref<1x8x128xf32, #tpu.memory_space<vmem>> -> memref<8x128xf32, #tpu.memory_space<vmem>>
        %dma_start3A_348 = arith.constant 0 : i32
        %dma_start3A_349 = arith.constant 0 : i32
        %dma_start3A_350 = tpu.memref_slice %arg4[%add3A_65, %run_scoped3A_254, %add3A_252, %dma_start3A_348, %dma_start3A_349] : memref<50x8x128x8x128xf32, #tpu.memory_space<hbm>> -> memref<1x1x1x8x128xf32, #tpu.memory_space<hbm>>
        %dma_start3A_351 = tpu.memref_squeeze %dma_start3A_350 : memref<1x1x1x8x128xf32, #tpu.memory_space<hbm>> -> memref<8x128xf32, #tpu.memory_space<hbm>>
        %dma_start3A_352 = arith.constant 0 : i32
        %dma_start3A_353 = arith.constant 0 : i32
        %dma_start3A_354 = tpu.memref_slice %arg4[%add3A_65, %run_scoped3A_254, %add3A_252, %dma_start3A_352, %dma_start3A_353] : memref<50x8x128x8x128xf32, #tpu.memory_space<hbm>> -> memref<1x1x1x8x128xf32, #tpu.memory_space<hbm>>
        %dma_start3A_355 = tpu.memref_squeeze %dma_start3A_354 : memref<1x1x1x8x128xf32, #tpu.memory_space<hbm>> -> memref<8x128xf32, #tpu.memory_space<hbm>>
        %dma_start3A_356 = arith.constant 0 : i32
        %dma_start3A_357 = arith.constant 0 : i32
        %dma_start3A_358 = tpu.memref_slice %arg9[%run_scoped3A_253, %dma_start3A_356, %dma_start3A_357] : memref<8x8x257xf32, #tpu.memory_space<vmem>> -> memref<1x8x128xf32, #tpu.memory_space<vmem>>
        %dma_start3A_359 = tpu.memref_squeeze %dma_start3A_358 : memref<1x8x128xf32, #tpu.memory_space<vmem>> -> memref<8x128xf32, #tpu.memory_space<vmem>>
        tpu.enqueue_dma source(%dma_start3A_359 : memref<8x128xf32, #tpu.memory_space<vmem>>) target(%dma_start3A_355 : memref<8x128xf32, #tpu.memory_space<hbm>>) target_semaphore(%run_scoped3A_343 : memref<!tpu.dma_semaphore, #tpu.memory_space<semaphore_mem>>)
        %dma_wait3A_360 = arith.constant 0 : i32
        %dma_wait3A_361 = arith.constant 0 : i32
        %dma_wait3A_362 = tpu.memref_slice %arg9[%run_scoped3A_253, %dma_wait3A_360, %dma_wait3A_361] : memref<8x8x257xf32, #tpu.memory_space<vmem>> -> memref<1x8x128xf32, #tpu.memory_space<vmem>>
        %dma_wait3A_363 = tpu.memref_squeeze %dma_wait3A_362 : memref<1x8x128xf32, #tpu.memory_space<vmem>> -> memref<8x128xf32, #tpu.memory_space<vmem>>
        %dma_wait3A_364 = arith.constant 0 : i32
        %dma_wait3A_365 = arith.constant 0 : i32
        %dma_wait3A_366 = tpu.memref_slice %arg4[%add3A_65, %run_scoped3A_254, %add3A_252, %dma_wait3A_364, %dma_wait3A_365] : memref<50x8x128x8x128xf32, #tpu.memory_space<hbm>> -> memref<1x1x1x8x128xf32, #tpu.memory_space<hbm>>
        %dma_wait3A_367 = tpu.memref_squeeze %dma_wait3A_366 : memref<1x1x1x8x128xf32, #tpu.memory_space<hbm>> -> memref<8x128xf32, #tpu.memory_space<hbm>>
        %dma_wait3A_368 = arith.constant 0 : i32
        %dma_wait3A_369 = arith.constant 0 : i32
        %dma_wait3A_370 = tpu.memref_slice %arg4[%add3A_65, %run_scoped3A_254, %add3A_252, %dma_wait3A_368, %dma_wait3A_369] : memref<50x8x128x8x128xf32, #tpu.memory_space<hbm>> -> memref<1x1x1x8x128xf32, #tpu.memory_space<hbm>>
        %dma_wait3A_371 = tpu.memref_squeeze %dma_wait3A_370 : memref<1x1x1x8x128xf32, #tpu.memory_space<hbm>> -> memref<8x128xf32, #tpu.memory_space<hbm>>
        %dma_wait3A_372 = arith.constant 0 : i32
        %dma_wait3A_373 = arith.constant 0 : i32
        %dma_wait3A_374 = tpu.memref_slice %arg9[%run_scoped3A_253, %dma_wait3A_372, %dma_wait3A_373] : memref<8x8x257xf32, #tpu.memory_space<vmem>> -> memref<1x8x128xf32, #tpu.memory_space<vmem>>
        %dma_wait3A_375 = tpu.memref_squeeze %dma_wait3A_374 : memref<1x8x128xf32, #tpu.memory_space<vmem>> -> memref<8x128xf32, #tpu.memory_space<vmem>>
        tpu.wait_dma2 semaphore(%run_scoped3A_343 : memref<!tpu.dma_semaphore, #tpu.memory_space<semaphore_mem>>) src(%dma_wait3A_375 : memref<8x128xf32, #tpu.memory_space<vmem>>) dst(%dma_wait3A_371 : memref<8x128xf32, #tpu.memory_space<hbm>>)
        tpu.yield
      }) : () -> ()
      %add3A_255 = arith.constant 1 : i32
      %add3A_256 = arith.addi %mul3A_2, %add3A_255 : i32
      %mul3A_257 = arith.constant 2 : i32
      %mul3A_258 = arith.muli %add3A_256, %mul3A_257 : i32
      %add3A_259 = arith.constant 0 : i32
      %add3A_260 = arith.addi %mul3A_258, %add3A_259 : i32
      %run_scoped3A_261 = arith.constant 5 : i32
      %run_scoped3A_262 = arith.constant 5 : i32
      "tpu.region"() ({
        %run_scoped3A_343 = tpu.sem_alloc : memref<!tpu.dma_semaphore, #tpu.memory_space<semaphore_mem>>
        %dma_start3A_344 = arith.constant 0 : i32
        %dma_start3A_345 = arith.constant 0 : i32
        %dma_start3A_346 = tpu.memref_slice %arg9[%run_scoped3A_261, %dma_start3A_344, %dma_start3A_345] : memref<8x8x257xf32, #tpu.memory_space<vmem>> -> memref<1x8x128xf32, #tpu.memory_space<vmem>>
        %dma_start3A_347 = tpu.memref_squeeze %dma_start3A_346 : memref<1x8x128xf32, #tpu.memory_space<vmem>> -> memref<8x128xf32, #tpu.memory_space<vmem>>
        %dma_start3A_348 = arith.constant 0 : i32
        %dma_start3A_349 = arith.constant 0 : i32
        %dma_start3A_350 = tpu.memref_slice %arg4[%add3A_65, %run_scoped3A_262, %add3A_260, %dma_start3A_348, %dma_start3A_349] : memref<50x8x128x8x128xf32, #tpu.memory_space<hbm>> -> memref<1x1x1x8x128xf32, #tpu.memory_space<hbm>>
        %dma_start3A_351 = tpu.memref_squeeze %dma_start3A_350 : memref<1x1x1x8x128xf32, #tpu.memory_space<hbm>> -> memref<8x128xf32, #tpu.memory_space<hbm>>
        %dma_start3A_352 = arith.constant 0 : i32
        %dma_start3A_353 = arith.constant 0 : i32
        %dma_start3A_354 = tpu.memref_slice %arg4[%add3A_65, %run_scoped3A_262, %add3A_260, %dma_start3A_352, %dma_start3A_353] : memref<50x8x128x8x128xf32, #tpu.memory_space<hbm>> -> memref<1x1x1x8x128xf32, #tpu.memory_space<hbm>>
        %dma_start3A_355 = tpu.memref_squeeze %dma_start3A_354 : memref<1x1x1x8x128xf32, #tpu.memory_space<hbm>> -> memref<8x128xf32, #tpu.memory_space<hbm>>
        %dma_start3A_356 = arith.constant 0 : i32
        %dma_start3A_357 = arith.constant 0 : i32
        %dma_start3A_358 = tpu.memref_slice %arg9[%run_scoped3A_261, %dma_start3A_356, %dma_start3A_357] : memref<8x8x257xf32, #tpu.memory_space<vmem>> -> memref<1x8x128xf32, #tpu.memory_space<vmem>>
        %dma_start3A_359 = tpu.memref_squeeze %dma_start3A_358 : memref<1x8x128xf32, #tpu.memory_space<vmem>> -> memref<8x128xf32, #tpu.memory_space<vmem>>
        tpu.enqueue_dma source(%dma_start3A_359 : memref<8x128xf32, #tpu.memory_space<vmem>>) target(%dma_start3A_355 : memref<8x128xf32, #tpu.memory_space<hbm>>) target_semaphore(%run_scoped3A_343 : memref<!tpu.dma_semaphore, #tpu.memory_space<semaphore_mem>>)
        %dma_wait3A_360 = arith.constant 0 : i32
        %dma_wait3A_361 = arith.constant 0 : i32
        %dma_wait3A_362 = tpu.memref_slice %arg9[%run_scoped3A_261, %dma_wait3A_360, %dma_wait3A_361] : memref<8x8x257xf32, #tpu.memory_space<vmem>> -> memref<1x8x128xf32, #tpu.memory_space<vmem>>
        %dma_wait3A_363 = tpu.memref_squeeze %dma_wait3A_362 : memref<1x8x128xf32, #tpu.memory_space<vmem>> -> memref<8x128xf32, #tpu.memory_space<vmem>>
        %dma_wait3A_364 = arith.constant 0 : i32
        %dma_wait3A_365 = arith.constant 0 : i32
        %dma_wait3A_366 = tpu.memref_slice %arg4[%add3A_65, %run_scoped3A_262, %add3A_260, %dma_wait3A_364, %dma_wait3A_365] : memref<50x8x128x8x128xf32, #tpu.memory_space<hbm>> -> memref<1x1x1x8x128xf32, #tpu.memory_space<hbm>>
        %dma_wait3A_367 = tpu.memref_squeeze %dma_wait3A_366 : memref<1x1x1x8x128xf32, #tpu.memory_space<hbm>> -> memref<8x128xf32, #tpu.memory_space<hbm>>
        %dma_wait3A_368 = arith.constant 0 : i32
        %dma_wait3A_369 = arith.constant 0 : i32
        %dma_wait3A_370 = tpu.memref_slice %arg4[%add3A_65, %run_scoped3A_262, %add3A_260, %dma_wait3A_368, %dma_wait3A_369] : memref<50x8x128x8x128xf32, #tpu.memory_space<hbm>> -> memref<1x1x1x8x128xf32, #tpu.memory_space<hbm>>
        %dma_wait3A_371 = tpu.memref_squeeze %dma_wait3A_370 : memref<1x1x1x8x128xf32, #tpu.memory_space<hbm>> -> memref<8x128xf32, #tpu.memory_space<hbm>>
        %dma_wait3A_372 = arith.constant 0 : i32
        %dma_wait3A_373 = arith.constant 0 : i32
        %dma_wait3A_374 = tpu.memref_slice %arg9[%run_scoped3A_261, %dma_wait3A_372, %dma_wait3A_373] : memref<8x8x257xf32, #tpu.memory_space<vmem>> -> memref<1x8x128xf32, #tpu.memory_space<vmem>>
        %dma_wait3A_375 = tpu.memref_squeeze %dma_wait3A_374 : memref<1x8x128xf32, #tpu.memory_space<vmem>> -> memref<8x128xf32, #tpu.memory_space<vmem>>
        tpu.wait_dma2 semaphore(%run_scoped3A_343 : memref<!tpu.dma_semaphore, #tpu.memory_space<semaphore_mem>>) src(%dma_wait3A_375 : memref<8x128xf32, #tpu.memory_space<vmem>>) dst(%dma_wait3A_371 : memref<8x128xf32, #tpu.memory_space<hbm>>)
        tpu.yield
      }) : () -> ()
      %add3A_263 = arith.constant 1 : i32
      %add3A_264 = arith.addi %mul3A_2, %add3A_263 : i32
      %mul3A_265 = arith.constant 2 : i32
      %mul3A_266 = arith.muli %add3A_264, %mul3A_265 : i32
      %add3A_267 = arith.constant 0 : i32
      %add3A_268 = arith.addi %mul3A_266, %add3A_267 : i32
      %run_scoped3A_269 = arith.constant 6 : i32
      %run_scoped3A_270 = arith.constant 6 : i32
      "tpu.region"() ({
        %run_scoped3A_343 = tpu.sem_alloc : memref<!tpu.dma_semaphore, #tpu.memory_space<semaphore_mem>>
        %dma_start3A_344 = arith.constant 0 : i32
        %dma_start3A_345 = arith.constant 0 : i32
        %dma_start3A_346 = tpu.memref_slice %arg9[%run_scoped3A_269, %dma_start3A_344, %dma_start3A_345] : memref<8x8x257xf32, #tpu.memory_space<vmem>> -> memref<1x8x128xf32, #tpu.memory_space<vmem>>
        %dma_start3A_347 = tpu.memref_squeeze %dma_start3A_346 : memref<1x8x128xf32, #tpu.memory_space<vmem>> -> memref<8x128xf32, #tpu.memory_space<vmem>>
        %dma_start3A_348 = arith.constant 0 : i32
        %dma_start3A_349 = arith.constant 0 : i32
        %dma_start3A_350 = tpu.memref_slice %arg4[%add3A_65, %run_scoped3A_270, %add3A_268, %dma_start3A_348, %dma_start3A_349] : memref<50x8x128x8x128xf32, #tpu.memory_space<hbm>> -> memref<1x1x1x8x128xf32, #tpu.memory_space<hbm>>
        %dma_start3A_351 = tpu.memref_squeeze %dma_start3A_350 : memref<1x1x1x8x128xf32, #tpu.memory_space<hbm>> -> memref<8x128xf32, #tpu.memory_space<hbm>>
        %dma_start3A_352 = arith.constant 0 : i32
        %dma_start3A_353 = arith.constant 0 : i32
        %dma_start3A_354 = tpu.memref_slice %arg4[%add3A_65, %run_scoped3A_270, %add3A_268, %dma_start3A_352, %dma_start3A_353] : memref<50x8x128x8x128xf32, #tpu.memory_space<hbm>> -> memref<1x1x1x8x128xf32, #tpu.memory_space<hbm>>
        %dma_start3A_355 = tpu.memref_squeeze %dma_start3A_354 : memref<1x1x1x8x128xf32, #tpu.memory_space<hbm>> -> memref<8x128xf32, #tpu.memory_space<hbm>>
        %dma_start3A_356 = arith.constant 0 : i32
        %dma_start3A_357 = arith.constant 0 : i32
        %dma_start3A_358 = tpu.memref_slice %arg9[%run_scoped3A_269, %dma_start3A_356, %dma_start3A_357] : memref<8x8x257xf32, #tpu.memory_space<vmem>> -> memref<1x8x128xf32, #tpu.memory_space<vmem>>
        %dma_start3A_359 = tpu.memref_squeeze %dma_start3A_358 : memref<1x8x128xf32, #tpu.memory_space<vmem>> -> memref<8x128xf32, #tpu.memory_space<vmem>>
        tpu.enqueue_dma source(%dma_start3A_359 : memref<8x128xf32, #tpu.memory_space<vmem>>) target(%dma_start3A_355 : memref<8x128xf32, #tpu.memory_space<hbm>>) target_semaphore(%run_scoped3A_343 : memref<!tpu.dma_semaphore, #tpu.memory_space<semaphore_mem>>)
        %dma_wait3A_360 = arith.constant 0 : i32
        %dma_wait3A_361 = arith.constant 0 : i32
        %dma_wait3A_362 = tpu.memref_slice %arg9[%run_scoped3A_269, %dma_wait3A_360, %dma_wait3A_361] : memref<8x8x257xf32, #tpu.memory_space<vmem>> -> memref<1x8x128xf32, #tpu.memory_space<vmem>>
        %dma_wait3A_363 = tpu.memref_squeeze %dma_wait3A_362 : memref<1x8x128xf32, #tpu.memory_space<vmem>> -> memref<8x128xf32, #tpu.memory_space<vmem>>
        %dma_wait3A_364 = arith.constant 0 : i32
        %dma_wait3A_365 = arith.constant 0 : i32
        %dma_wait3A_366 = tpu.memref_slice %arg4[%add3A_65, %run_scoped3A_270, %add3A_268, %dma_wait3A_364, %dma_wait3A_365] : memref<50x8x128x8x128xf32, #tpu.memory_space<hbm>> -> memref<1x1x1x8x128xf32, #tpu.memory_space<hbm>>
        %dma_wait3A_367 = tpu.memref_squeeze %dma_wait3A_366 : memref<1x1x1x8x128xf32, #tpu.memory_space<hbm>> -> memref<8x128xf32, #tpu.memory_space<hbm>>
        %dma_wait3A_368 = arith.constant 0 : i32
        %dma_wait3A_369 = arith.constant 0 : i32
        %dma_wait3A_370 = tpu.memref_slice %arg4[%add3A_65, %run_scoped3A_270, %add3A_268, %dma_wait3A_368, %dma_wait3A_369] : memref<50x8x128x8x128xf32, #tpu.memory_space<hbm>> -> memref<1x1x1x8x128xf32, #tpu.memory_space<hbm>>
        %dma_wait3A_371 = tpu.memref_squeeze %dma_wait3A_370 : memref<1x1x1x8x128xf32, #tpu.memory_space<hbm>> -> memref<8x128xf32, #tpu.memory_space<hbm>>
        %dma_wait3A_372 = arith.constant 0 : i32
        %dma_wait3A_373 = arith.constant 0 : i32
        %dma_wait3A_374 = tpu.memref_slice %arg9[%run_scoped3A_269, %dma_wait3A_372, %dma_wait3A_373] : memref<8x8x257xf32, #tpu.memory_space<vmem>> -> memref<1x8x128xf32, #tpu.memory_space<vmem>>
        %dma_wait3A_375 = tpu.memref_squeeze %dma_wait3A_374 : memref<1x8x128xf32, #tpu.memory_space<vmem>> -> memref<8x128xf32, #tpu.memory_space<vmem>>
        tpu.wait_dma2 semaphore(%run_scoped3A_343 : memref<!tpu.dma_semaphore, #tpu.memory_space<semaphore_mem>>) src(%dma_wait3A_375 : memref<8x128xf32, #tpu.memory_space<vmem>>) dst(%dma_wait3A_371 : memref<8x128xf32, #tpu.memory_space<hbm>>)
        tpu.yield
      }) : () -> ()
      %add3A_271 = arith.constant 1 : i32
      %add3A_272 = arith.addi %mul3A_2, %add3A_271 : i32
      %mul3A_273 = arith.constant 2 : i32
      %mul3A_274 = arith.muli %add3A_272, %mul3A_273 : i32
      %add3A_275 = arith.constant 0 : i32
      %add3A_276 = arith.addi %mul3A_274, %add3A_275 : i32
      %run_scoped3A_277 = arith.constant 7 : i32
      %run_scoped3A_278 = arith.constant 7 : i32
      "tpu.region"() ({
        %run_scoped3A_343 = tpu.sem_alloc : memref<!tpu.dma_semaphore, #tpu.memory_space<semaphore_mem>>
        %dma_start3A_344 = arith.constant 0 : i32
        %dma_start3A_345 = arith.constant 0 : i32
        %dma_start3A_346 = tpu.memref_slice %arg9[%run_scoped3A_277, %dma_start3A_344, %dma_start3A_345] : memref<8x8x257xf32, #tpu.memory_space<vmem>> -> memref<1x8x128xf32, #tpu.memory_space<vmem>>
        %dma_start3A_347 = tpu.memref_squeeze %dma_start3A_346 : memref<1x8x128xf32, #tpu.memory_space<vmem>> -> memref<8x128xf32, #tpu.memory_space<vmem>>
        %dma_start3A_348 = arith.constant 0 : i32
        %dma_start3A_349 = arith.constant 0 : i32
        %dma_start3A_350 = tpu.memref_slice %arg4[%add3A_65, %run_scoped3A_278, %add3A_276, %dma_start3A_348, %dma_start3A_349] : memref<50x8x128x8x128xf32, #tpu.memory_space<hbm>> -> memref<1x1x1x8x128xf32, #tpu.memory_space<hbm>>
        %dma_start3A_351 = tpu.memref_squeeze %dma_start3A_350 : memref<1x1x1x8x128xf32, #tpu.memory_space<hbm>> -> memref<8x128xf32, #tpu.memory_space<hbm>>
        %dma_start3A_352 = arith.constant 0 : i32
        %dma_start3A_353 = arith.constant 0 : i32
        %dma_start3A_354 = tpu.memref_slice %arg4[%add3A_65, %run_scoped3A_278, %add3A_276, %dma_start3A_352, %dma_start3A_353] : memref<50x8x128x8x128xf32, #tpu.memory_space<hbm>> -> memref<1x1x1x8x128xf32, #tpu.memory_space<hbm>>
        %dma_start3A_355 = tpu.memref_squeeze %dma_start3A_354 : memref<1x1x1x8x128xf32, #tpu.memory_space<hbm>> -> memref<8x128xf32, #tpu.memory_space<hbm>>
        %dma_start3A_356 = arith.constant 0 : i32
        %dma_start3A_357 = arith.constant 0 : i32
        %dma_start3A_358 = tpu.memref_slice %arg9[%run_scoped3A_277, %dma_start3A_356, %dma_start3A_357] : memref<8x8x257xf32, #tpu.memory_space<vmem>> -> memref<1x8x128xf32, #tpu.memory_space<vmem>>
        %dma_start3A_359 = tpu.memref_squeeze %dma_start3A_358 : memref<1x8x128xf32, #tpu.memory_space<vmem>> -> memref<8x128xf32, #tpu.memory_space<vmem>>
        tpu.enqueue_dma source(%dma_start3A_359 : memref<8x128xf32, #tpu.memory_space<vmem>>) target(%dma_start3A_355 : memref<8x128xf32, #tpu.memory_space<hbm>>) target_semaphore(%run_scoped3A_343 : memref<!tpu.dma_semaphore, #tpu.memory_space<semaphore_mem>>)
        %dma_wait3A_360 = arith.constant 0 : i32
        %dma_wait3A_361 = arith.constant 0 : i32
        %dma_wait3A_362 = tpu.memref_slice %arg9[%run_scoped3A_277, %dma_wait3A_360, %dma_wait3A_361] : memref<8x8x257xf32, #tpu.memory_space<vmem>> -> memref<1x8x128xf32, #tpu.memory_space<vmem>>
        %dma_wait3A_363 = tpu.memref_squeeze %dma_wait3A_362 : memref<1x8x128xf32, #tpu.memory_space<vmem>> -> memref<8x128xf32, #tpu.memory_space<vmem>>
        %dma_wait3A_364 = arith.constant 0 : i32
        %dma_wait3A_365 = arith.constant 0 : i32
        %dma_wait3A_366 = tpu.memref_slice %arg4[%add3A_65, %run_scoped3A_278, %add3A_276, %dma_wait3A_364, %dma_wait3A_365] : memref<50x8x128x8x128xf32, #tpu.memory_space<hbm>> -> memref<1x1x1x8x128xf32, #tpu.memory_space<hbm>>
        %dma_wait3A_367 = tpu.memref_squeeze %dma_wait3A_366 : memref<1x1x1x8x128xf32, #tpu.memory_space<hbm>> -> memref<8x128xf32, #tpu.memory_space<hbm>>
        %dma_wait3A_368 = arith.constant 0 : i32
        %dma_wait3A_369 = arith.constant 0 : i32
        %dma_wait3A_370 = tpu.memref_slice %arg4[%add3A_65, %run_scoped3A_278, %add3A_276, %dma_wait3A_368, %dma_wait3A_369] : memref<50x8x128x8x128xf32, #tpu.memory_space<hbm>> -> memref<1x1x1x8x128xf32, #tpu.memory_space<hbm>>
        %dma_wait3A_371 = tpu.memref_squeeze %dma_wait3A_370 : memref<1x1x1x8x128xf32, #tpu.memory_space<hbm>> -> memref<8x128xf32, #tpu.memory_space<hbm>>
        %dma_wait3A_372 = arith.constant 0 : i32
        %dma_wait3A_373 = arith.constant 0 : i32
        %dma_wait3A_374 = tpu.memref_slice %arg9[%run_scoped3A_277, %dma_wait3A_372, %dma_wait3A_373] : memref<8x8x257xf32, #tpu.memory_space<vmem>> -> memref<1x8x128xf32, #tpu.memory_space<vmem>>
        %dma_wait3A_375 = tpu.memref_squeeze %dma_wait3A_374 : memref<1x8x128xf32, #tpu.memory_space<vmem>> -> memref<8x128xf32, #tpu.memory_space<vmem>>
        tpu.wait_dma2 semaphore(%run_scoped3A_343 : memref<!tpu.dma_semaphore, #tpu.memory_space<semaphore_mem>>) src(%dma_wait3A_375 : memref<8x128xf32, #tpu.memory_space<vmem>>) dst(%dma_wait3A_371 : memref<8x128xf32, #tpu.memory_space<hbm>>)
        tpu.yield
      }) : () -> ()
      %add3A_279 = arith.constant 1 : i32
      %add3A_280 = arith.addi %mul3A_2, %add3A_279 : i32
      %mul3A_281 = arith.constant 2 : i32
      %mul3A_282 = arith.muli %add3A_280, %mul3A_281 : i32
      %add3A_283 = arith.constant 1 : i32
      %add3A_284 = arith.addi %mul3A_282, %add3A_283 : i32
      %run_scoped3A_285 = arith.constant 0 : i32
      %run_scoped3A_286 = arith.constant 0 : i32
      "tpu.region"() ({
        %run_scoped3A_343 = tpu.sem_alloc : memref<!tpu.dma_semaphore, #tpu.memory_space<semaphore_mem>>
        %dma_start3A_344 = arith.constant 0 : i32
        %dma_start3A_345 = arith.constant 128 : i32
        %dma_start3A_346 = tpu.memref_slice %arg9[%run_scoped3A_285, %dma_start3A_344, %dma_start3A_345] : memref<8x8x257xf32, #tpu.memory_space<vmem>> -> memref<1x8x128xf32, #tpu.memory_space<vmem>>
        %dma_start3A_347 = tpu.memref_squeeze %dma_start3A_346 : memref<1x8x128xf32, #tpu.memory_space<vmem>> -> memref<8x128xf32, #tpu.memory_space<vmem>>
        %dma_start3A_348 = arith.constant 0 : i32
        %dma_start3A_349 = arith.constant 0 : i32
        %dma_start3A_350 = tpu.memref_slice %arg4[%add3A_65, %run_scoped3A_286, %add3A_284, %dma_start3A_348, %dma_start3A_349] : memref<50x8x128x8x128xf32, #tpu.memory_space<hbm>> -> memref<1x1x1x8x128xf32, #tpu.memory_space<hbm>>
        %dma_start3A_351 = tpu.memref_squeeze %dma_start3A_350 : memref<1x1x1x8x128xf32, #tpu.memory_space<hbm>> -> memref<8x128xf32, #tpu.memory_space<hbm>>
        %dma_start3A_352 = arith.constant 0 : i32
        %dma_start3A_353 = arith.constant 0 : i32
        %dma_start3A_354 = tpu.memref_slice %arg4[%add3A_65, %run_scoped3A_286, %add3A_284, %dma_start3A_352, %dma_start3A_353] : memref<50x8x128x8x128xf32, #tpu.memory_space<hbm>> -> memref<1x1x1x8x128xf32, #tpu.memory_space<hbm>>
        %dma_start3A_355 = tpu.memref_squeeze %dma_start3A_354 : memref<1x1x1x8x128xf32, #tpu.memory_space<hbm>> -> memref<8x128xf32, #tpu.memory_space<hbm>>
        %dma_start3A_356 = arith.constant 0 : i32
        %dma_start3A_357 = arith.constant 128 : i32
        %dma_start3A_358 = tpu.memref_slice %arg9[%run_scoped3A_285, %dma_start3A_356, %dma_start3A_357] : memref<8x8x257xf32, #tpu.memory_space<vmem>> -> memref<1x8x128xf32, #tpu.memory_space<vmem>>
        %dma_start3A_359 = tpu.memref_squeeze %dma_start3A_358 : memref<1x8x128xf32, #tpu.memory_space<vmem>> -> memref<8x128xf32, #tpu.memory_space<vmem>>
        tpu.enqueue_dma source(%dma_start3A_359 : memref<8x128xf32, #tpu.memory_space<vmem>>) target(%dma_start3A_355 : memref<8x128xf32, #tpu.memory_space<hbm>>) target_semaphore(%run_scoped3A_343 : memref<!tpu.dma_semaphore, #tpu.memory_space<semaphore_mem>>)
        %dma_wait3A_360 = arith.constant 0 : i32
        %dma_wait3A_361 = arith.constant 128 : i32
        %dma_wait3A_362 = tpu.memref_slice %arg9[%run_scoped3A_285, %dma_wait3A_360, %dma_wait3A_361] : memref<8x8x257xf32, #tpu.memory_space<vmem>> -> memref<1x8x128xf32, #tpu.memory_space<vmem>>
        %dma_wait3A_363 = tpu.memref_squeeze %dma_wait3A_362 : memref<1x8x128xf32, #tpu.memory_space<vmem>> -> memref<8x128xf32, #tpu.memory_space<vmem>>
        %dma_wait3A_364 = arith.constant 0 : i32
        %dma_wait3A_365 = arith.constant 0 : i32
        %dma_wait3A_366 = tpu.memref_slice %arg4[%add3A_65, %run_scoped3A_286, %add3A_284, %dma_wait3A_364, %dma_wait3A_365] : memref<50x8x128x8x128xf32, #tpu.memory_space<hbm>> -> memref<1x1x1x8x128xf32, #tpu.memory_space<hbm>>
        %dma_wait3A_367 = tpu.memref_squeeze %dma_wait3A_366 : memref<1x1x1x8x128xf32, #tpu.memory_space<hbm>> -> memref<8x128xf32, #tpu.memory_space<hbm>>
        %dma_wait3A_368 = arith.constant 0 : i32
        %dma_wait3A_369 = arith.constant 0 : i32
        %dma_wait3A_370 = tpu.memref_slice %arg4[%add3A_65, %run_scoped3A_286, %add3A_284, %dma_wait3A_368, %dma_wait3A_369] : memref<50x8x128x8x128xf32, #tpu.memory_space<hbm>> -> memref<1x1x1x8x128xf32, #tpu.memory_space<hbm>>
        %dma_wait3A_371 = tpu.memref_squeeze %dma_wait3A_370 : memref<1x1x1x8x128xf32, #tpu.memory_space<hbm>> -> memref<8x128xf32, #tpu.memory_space<hbm>>
        %dma_wait3A_372 = arith.constant 0 : i32
        %dma_wait3A_373 = arith.constant 128 : i32
        %dma_wait3A_374 = tpu.memref_slice %arg9[%run_scoped3A_285, %dma_wait3A_372, %dma_wait3A_373] : memref<8x8x257xf32, #tpu.memory_space<vmem>> -> memref<1x8x128xf32, #tpu.memory_space<vmem>>
        %dma_wait3A_375 = tpu.memref_squeeze %dma_wait3A_374 : memref<1x8x128xf32, #tpu.memory_space<vmem>> -> memref<8x128xf32, #tpu.memory_space<vmem>>
        tpu.wait_dma2 semaphore(%run_scoped3A_343 : memref<!tpu.dma_semaphore, #tpu.memory_space<semaphore_mem>>) src(%dma_wait3A_375 : memref<8x128xf32, #tpu.memory_space<vmem>>) dst(%dma_wait3A_371 : memref<8x128xf32, #tpu.memory_space<hbm>>)
        tpu.yield
      }) : () -> ()
      %add3A_287 = arith.constant 1 : i32
      %add3A_288 = arith.addi %mul3A_2, %add3A_287 : i32
      %mul3A_289 = arith.constant 2 : i32
      %mul3A_290 = arith.muli %add3A_288, %mul3A_289 : i32
      %add3A_291 = arith.constant 1 : i32
      %add3A_292 = arith.addi %mul3A_290, %add3A_291 : i32
      %run_scoped3A_293 = arith.constant 1 : i32
      %run_scoped3A_294 = arith.constant 1 : i32
      "tpu.region"() ({
        %run_scoped3A_343 = tpu.sem_alloc : memref<!tpu.dma_semaphore, #tpu.memory_space<semaphore_mem>>
        %dma_start3A_344 = arith.constant 0 : i32
        %dma_start3A_345 = arith.constant 128 : i32
        %dma_start3A_346 = tpu.memref_slice %arg9[%run_scoped3A_293, %dma_start3A_344, %dma_start3A_345] : memref<8x8x257xf32, #tpu.memory_space<vmem>> -> memref<1x8x128xf32, #tpu.memory_space<vmem>>
        %dma_start3A_347 = tpu.memref_squeeze %dma_start3A_346 : memref<1x8x128xf32, #tpu.memory_space<vmem>> -> memref<8x128xf32, #tpu.memory_space<vmem>>
        %dma_start3A_348 = arith.constant 0 : i32
        %dma_start3A_349 = arith.constant 0 : i32
        %dma_start3A_350 = tpu.memref_slice %arg4[%add3A_65, %run_scoped3A_294, %add3A_292, %dma_start3A_348, %dma_start3A_349] : memref<50x8x128x8x128xf32, #tpu.memory_space<hbm>> -> memref<1x1x1x8x128xf32, #tpu.memory_space<hbm>>
        %dma_start3A_351 = tpu.memref_squeeze %dma_start3A_350 : memref<1x1x1x8x128xf32, #tpu.memory_space<hbm>> -> memref<8x128xf32, #tpu.memory_space<hbm>>
        %dma_start3A_352 = arith.constant 0 : i32
        %dma_start3A_353 = arith.constant 0 : i32
        %dma_start3A_354 = tpu.memref_slice %arg4[%add3A_65, %run_scoped3A_294, %add3A_292, %dma_start3A_352, %dma_start3A_353] : memref<50x8x128x8x128xf32, #tpu.memory_space<hbm>> -> memref<1x1x1x8x128xf32, #tpu.memory_space<hbm>>
        %dma_start3A_355 = tpu.memref_squeeze %dma_start3A_354 : memref<1x1x1x8x128xf32, #tpu.memory_space<hbm>> -> memref<8x128xf32, #tpu.memory_space<hbm>>
        %dma_start3A_356 = arith.constant 0 : i32
        %dma_start3A_357 = arith.constant 128 : i32
        %dma_start3A_358 = tpu.memref_slice %arg9[%run_scoped3A_293, %dma_start3A_356, %dma_start3A_357] : memref<8x8x257xf32, #tpu.memory_space<vmem>> -> memref<1x8x128xf32, #tpu.memory_space<vmem>>
        %dma_start3A_359 = tpu.memref_squeeze %dma_start3A_358 : memref<1x8x128xf32, #tpu.memory_space<vmem>> -> memref<8x128xf32, #tpu.memory_space<vmem>>
        tpu.enqueue_dma source(%dma_start3A_359 : memref<8x128xf32, #tpu.memory_space<vmem>>) target(%dma_start3A_355 : memref<8x128xf32, #tpu.memory_space<hbm>>) target_semaphore(%run_scoped3A_343 : memref<!tpu.dma_semaphore, #tpu.memory_space<semaphore_mem>>)
        %dma_wait3A_360 = arith.constant 0 : i32
        %dma_wait3A_361 = arith.constant 128 : i32
        %dma_wait3A_362 = tpu.memref_slice %arg9[%run_scoped3A_293, %dma_wait3A_360, %dma_wait3A_361] : memref<8x8x257xf32, #tpu.memory_space<vmem>> -> memref<1x8x128xf32, #tpu.memory_space<vmem>>
        %dma_wait3A_363 = tpu.memref_squeeze %dma_wait3A_362 : memref<1x8x128xf32, #tpu.memory_space<vmem>> -> memref<8x128xf32, #tpu.memory_space<vmem>>
        %dma_wait3A_364 = arith.constant 0 : i32
        %dma_wait3A_365 = arith.constant 0 : i32
        %dma_wait3A_366 = tpu.memref_slice %arg4[%add3A_65, %run_scoped3A_294, %add3A_292, %dma_wait3A_364, %dma_wait3A_365] : memref<50x8x128x8x128xf32, #tpu.memory_space<hbm>> -> memref<1x1x1x8x128xf32, #tpu.memory_space<hbm>>
        %dma_wait3A_367 = tpu.memref_squeeze %dma_wait3A_366 : memref<1x1x1x8x128xf32, #tpu.memory_space<hbm>> -> memref<8x128xf32, #tpu.memory_space<hbm>>
        %dma_wait3A_368 = arith.constant 0 : i32
        %dma_wait3A_369 = arith.constant 0 : i32
        %dma_wait3A_370 = tpu.memref_slice %arg4[%add3A_65, %run_scoped3A_294, %add3A_292, %dma_wait3A_368, %dma_wait3A_369] : memref<50x8x128x8x128xf32, #tpu.memory_space<hbm>> -> memref<1x1x1x8x128xf32, #tpu.memory_space<hbm>>
        %dma_wait3A_371 = tpu.memref_squeeze %dma_wait3A_370 : memref<1x1x1x8x128xf32, #tpu.memory_space<hbm>> -> memref<8x128xf32, #tpu.memory_space<hbm>>
        %dma_wait3A_372 = arith.constant 0 : i32
        %dma_wait3A_373 = arith.constant 128 : i32
        %dma_wait3A_374 = tpu.memref_slice %arg9[%run_scoped3A_293, %dma_wait3A_372, %dma_wait3A_373] : memref<8x8x257xf32, #tpu.memory_space<vmem>> -> memref<1x8x128xf32, #tpu.memory_space<vmem>>
        %dma_wait3A_375 = tpu.memref_squeeze %dma_wait3A_374 : memref<1x8x128xf32, #tpu.memory_space<vmem>> -> memref<8x128xf32, #tpu.memory_space<vmem>>
        tpu.wait_dma2 semaphore(%run_scoped3A_343 : memref<!tpu.dma_semaphore, #tpu.memory_space<semaphore_mem>>) src(%dma_wait3A_375 : memref<8x128xf32, #tpu.memory_space<vmem>>) dst(%dma_wait3A_371 : memref<8x128xf32, #tpu.memory_space<hbm>>)
        tpu.yield
      }) : () -> ()
      %add3A_295 = arith.constant 1 : i32
      %add3A_296 = arith.addi %mul3A_2, %add3A_295 : i32
      %mul3A_297 = arith.constant 2 : i32
      %mul3A_298 = arith.muli %add3A_296, %mul3A_297 : i32
      %add3A_299 = arith.constant 1 : i32
      %add3A_300 = arith.addi %mul3A_298, %add3A_299 : i32
      %run_scoped3A_301 = arith.constant 2 : i32
      %run_scoped3A_302 = arith.constant 2 : i32
      "tpu.region"() ({
        %run_scoped3A_343 = tpu.sem_alloc : memref<!tpu.dma_semaphore, #tpu.memory_space<semaphore_mem>>
        %dma_start3A_344 = arith.constant 0 : i32
        %dma_start3A_345 = arith.constant 128 : i32
        %dma_start3A_346 = tpu.memref_slice %arg9[%run_scoped3A_301, %dma_start3A_344, %dma_start3A_345] : memref<8x8x257xf32, #tpu.memory_space<vmem>> -> memref<1x8x128xf32, #tpu.memory_space<vmem>>
        %dma_start3A_347 = tpu.memref_squeeze %dma_start3A_346 : memref<1x8x128xf32, #tpu.memory_space<vmem>> -> memref<8x128xf32, #tpu.memory_space<vmem>>
        %dma_start3A_348 = arith.constant 0 : i32
        %dma_start3A_349 = arith.constant 0 : i32
        %dma_start3A_350 = tpu.memref_slice %arg4[%add3A_65, %run_scoped3A_302, %add3A_300, %dma_start3A_348, %dma_start3A_349] : memref<50x8x128x8x128xf32, #tpu.memory_space<hbm>> -> memref<1x1x1x8x128xf32, #tpu.memory_space<hbm>>
        %dma_start3A_351 = tpu.memref_squeeze %dma_start3A_350 : memref<1x1x1x8x128xf32, #tpu.memory_space<hbm>> -> memref<8x128xf32, #tpu.memory_space<hbm>>
        %dma_start3A_352 = arith.constant 0 : i32
        %dma_start3A_353 = arith.constant 0 : i32
        %dma_start3A_354 = tpu.memref_slice %arg4[%add3A_65, %run_scoped3A_302, %add3A_300, %dma_start3A_352, %dma_start3A_353] : memref<50x8x128x8x128xf32, #tpu.memory_space<hbm>> -> memref<1x1x1x8x128xf32, #tpu.memory_space<hbm>>
        %dma_start3A_355 = tpu.memref_squeeze %dma_start3A_354 : memref<1x1x1x8x128xf32, #tpu.memory_space<hbm>> -> memref<8x128xf32, #tpu.memory_space<hbm>>
        %dma_start3A_356 = arith.constant 0 : i32
        %dma_start3A_357 = arith.constant 128 : i32
        %dma_start3A_358 = tpu.memref_slice %arg9[%run_scoped3A_301, %dma_start3A_356, %dma_start3A_357] : memref<8x8x257xf32, #tpu.memory_space<vmem>> -> memref<1x8x128xf32, #tpu.memory_space<vmem>>
        %dma_start3A_359 = tpu.memref_squeeze %dma_start3A_358 : memref<1x8x128xf32, #tpu.memory_space<vmem>> -> memref<8x128xf32, #tpu.memory_space<vmem>>
        tpu.enqueue_dma source(%dma_start3A_359 : memref<8x128xf32, #tpu.memory_space<vmem>>) target(%dma_start3A_355 : memref<8x128xf32, #tpu.memory_space<hbm>>) target_semaphore(%run_scoped3A_343 : memref<!tpu.dma_semaphore, #tpu.memory_space<semaphore_mem>>)
        %dma_wait3A_360 = arith.constant 0 : i32
        %dma_wait3A_361 = arith.constant 128 : i32
        %dma_wait3A_362 = tpu.memref_slice %arg9[%run_scoped3A_301, %dma_wait3A_360, %dma_wait3A_361] : memref<8x8x257xf32, #tpu.memory_space<vmem>> -> memref<1x8x128xf32, #tpu.memory_space<vmem>>
        %dma_wait3A_363 = tpu.memref_squeeze %dma_wait3A_362 : memref<1x8x128xf32, #tpu.memory_space<vmem>> -> memref<8x128xf32, #tpu.memory_space<vmem>>
        %dma_wait3A_364 = arith.constant 0 : i32
        %dma_wait3A_365 = arith.constant 0 : i32
        %dma_wait3A_366 = tpu.memref_slice %arg4[%add3A_65, %run_scoped3A_302, %add3A_300, %dma_wait3A_364, %dma_wait3A_365] : memref<50x8x128x8x128xf32, #tpu.memory_space<hbm>> -> memref<1x1x1x8x128xf32, #tpu.memory_space<hbm>>
        %dma_wait3A_367 = tpu.memref_squeeze %dma_wait3A_366 : memref<1x1x1x8x128xf32, #tpu.memory_space<hbm>> -> memref<8x128xf32, #tpu.memory_space<hbm>>
        %dma_wait3A_368 = arith.constant 0 : i32
        %dma_wait3A_369 = arith.constant 0 : i32
        %dma_wait3A_370 = tpu.memref_slice %arg4[%add3A_65, %run_scoped3A_302, %add3A_300, %dma_wait3A_368, %dma_wait3A_369] : memref<50x8x128x8x128xf32, #tpu.memory_space<hbm>> -> memref<1x1x1x8x128xf32, #tpu.memory_space<hbm>>
        %dma_wait3A_371 = tpu.memref_squeeze %dma_wait3A_370 : memref<1x1x1x8x128xf32, #tpu.memory_space<hbm>> -> memref<8x128xf32, #tpu.memory_space<hbm>>
        %dma_wait3A_372 = arith.constant 0 : i32
        %dma_wait3A_373 = arith.constant 128 : i32
        %dma_wait3A_374 = tpu.memref_slice %arg9[%run_scoped3A_301, %dma_wait3A_372, %dma_wait3A_373] : memref<8x8x257xf32, #tpu.memory_space<vmem>> -> memref<1x8x128xf32, #tpu.memory_space<vmem>>
        %dma_wait3A_375 = tpu.memref_squeeze %dma_wait3A_374 : memref<1x8x128xf32, #tpu.memory_space<vmem>> -> memref<8x128xf32, #tpu.memory_space<vmem>>
        tpu.wait_dma2 semaphore(%run_scoped3A_343 : memref<!tpu.dma_semaphore, #tpu.memory_space<semaphore_mem>>) src(%dma_wait3A_375 : memref<8x128xf32, #tpu.memory_space<vmem>>) dst(%dma_wait3A_371 : memref<8x128xf32, #tpu.memory_space<hbm>>)
        tpu.yield
      }) : () -> ()
      %add3A_303 = arith.constant 1 : i32
      %add3A_304 = arith.addi %mul3A_2, %add3A_303 : i32
      %mul3A_305 = arith.constant 2 : i32
      %mul3A_306 = arith.muli %add3A_304, %mul3A_305 : i32
      %add3A_307 = arith.constant 1 : i32
      %add3A_308 = arith.addi %mul3A_306, %add3A_307 : i32
      %run_scoped3A_309 = arith.constant 3 : i32
      %run_scoped3A_310 = arith.constant 3 : i32
      "tpu.region"() ({
        %run_scoped3A_343 = tpu.sem_alloc : memref<!tpu.dma_semaphore, #tpu.memory_space<semaphore_mem>>
        %dma_start3A_344 = arith.constant 0 : i32
        %dma_start3A_345 = arith.constant 128 : i32
        %dma_start3A_346 = tpu.memref_slice %arg9[%run_scoped3A_309, %dma_start3A_344, %dma_start3A_345] : memref<8x8x257xf32, #tpu.memory_space<vmem>> -> memref<1x8x128xf32, #tpu.memory_space<vmem>>
        %dma_start3A_347 = tpu.memref_squeeze %dma_start3A_346 : memref<1x8x128xf32, #tpu.memory_space<vmem>> -> memref<8x128xf32, #tpu.memory_space<vmem>>
        %dma_start3A_348 = arith.constant 0 : i32
        %dma_start3A_349 = arith.constant 0 : i32
        %dma_start3A_350 = tpu.memref_slice %arg4[%add3A_65, %run_scoped3A_310, %add3A_308, %dma_start3A_348, %dma_start3A_349] : memref<50x8x128x8x128xf32, #tpu.memory_space<hbm>> -> memref<1x1x1x8x128xf32, #tpu.memory_space<hbm>>
        %dma_start3A_351 = tpu.memref_squeeze %dma_start3A_350 : memref<1x1x1x8x128xf32, #tpu.memory_space<hbm>> -> memref<8x128xf32, #tpu.memory_space<hbm>>
        %dma_start3A_352 = arith.constant 0 : i32
        %dma_start3A_353 = arith.constant 0 : i32
        %dma_start3A_354 = tpu.memref_slice %arg4[%add3A_65, %run_scoped3A_310, %add3A_308, %dma_start3A_352, %dma_start3A_353] : memref<50x8x128x8x128xf32, #tpu.memory_space<hbm>> -> memref<1x1x1x8x128xf32, #tpu.memory_space<hbm>>
        %dma_start3A_355 = tpu.memref_squeeze %dma_start3A_354 : memref<1x1x1x8x128xf32, #tpu.memory_space<hbm>> -> memref<8x128xf32, #tpu.memory_space<hbm>>
        %dma_start3A_356 = arith.constant 0 : i32
        %dma_start3A_357 = arith.constant 128 : i32
        %dma_start3A_358 = tpu.memref_slice %arg9[%run_scoped3A_309, %dma_start3A_356, %dma_start3A_357] : memref<8x8x257xf32, #tpu.memory_space<vmem>> -> memref<1x8x128xf32, #tpu.memory_space<vmem>>
        %dma_start3A_359 = tpu.memref_squeeze %dma_start3A_358 : memref<1x8x128xf32, #tpu.memory_space<vmem>> -> memref<8x128xf32, #tpu.memory_space<vmem>>
        tpu.enqueue_dma source(%dma_start3A_359 : memref<8x128xf32, #tpu.memory_space<vmem>>) target(%dma_start3A_355 : memref<8x128xf32, #tpu.memory_space<hbm>>) target_semaphore(%run_scoped3A_343 : memref<!tpu.dma_semaphore, #tpu.memory_space<semaphore_mem>>)
        %dma_wait3A_360 = arith.constant 0 : i32
        %dma_wait3A_361 = arith.constant 128 : i32
        %dma_wait3A_362 = tpu.memref_slice %arg9[%run_scoped3A_309, %dma_wait3A_360, %dma_wait3A_361] : memref<8x8x257xf32, #tpu.memory_space<vmem>> -> memref<1x8x128xf32, #tpu.memory_space<vmem>>
        %dma_wait3A_363 = tpu.memref_squeeze %dma_wait3A_362 : memref<1x8x128xf32, #tpu.memory_space<vmem>> -> memref<8x128xf32, #tpu.memory_space<vmem>>
        %dma_wait3A_364 = arith.constant 0 : i32
        %dma_wait3A_365 = arith.constant 0 : i32
        %dma_wait3A_366 = tpu.memref_slice %arg4[%add3A_65, %run_scoped3A_310, %add3A_308, %dma_wait3A_364, %dma_wait3A_365] : memref<50x8x128x8x128xf32, #tpu.memory_space<hbm>> -> memref<1x1x1x8x128xf32, #tpu.memory_space<hbm>>
        %dma_wait3A_367 = tpu.memref_squeeze %dma_wait3A_366 : memref<1x1x1x8x128xf32, #tpu.memory_space<hbm>> -> memref<8x128xf32, #tpu.memory_space<hbm>>
        %dma_wait3A_368 = arith.constant 0 : i32
        %dma_wait3A_369 = arith.constant 0 : i32
        %dma_wait3A_370 = tpu.memref_slice %arg4[%add3A_65, %run_scoped3A_310, %add3A_308, %dma_wait3A_368, %dma_wait3A_369] : memref<50x8x128x8x128xf32, #tpu.memory_space<hbm>> -> memref<1x1x1x8x128xf32, #tpu.memory_space<hbm>>
        %dma_wait3A_371 = tpu.memref_squeeze %dma_wait3A_370 : memref<1x1x1x8x128xf32, #tpu.memory_space<hbm>> -> memref<8x128xf32, #tpu.memory_space<hbm>>
        %dma_wait3A_372 = arith.constant 0 : i32
        %dma_wait3A_373 = arith.constant 128 : i32
        %dma_wait3A_374 = tpu.memref_slice %arg9[%run_scoped3A_309, %dma_wait3A_372, %dma_wait3A_373] : memref<8x8x257xf32, #tpu.memory_space<vmem>> -> memref<1x8x128xf32, #tpu.memory_space<vmem>>
        %dma_wait3A_375 = tpu.memref_squeeze %dma_wait3A_374 : memref<1x8x128xf32, #tpu.memory_space<vmem>> -> memref<8x128xf32, #tpu.memory_space<vmem>>
        tpu.wait_dma2 semaphore(%run_scoped3A_343 : memref<!tpu.dma_semaphore, #tpu.memory_space<semaphore_mem>>) src(%dma_wait3A_375 : memref<8x128xf32, #tpu.memory_space<vmem>>) dst(%dma_wait3A_371 : memref<8x128xf32, #tpu.memory_space<hbm>>)
        tpu.yield
      }) : () -> ()
      %add3A_311 = arith.constant 1 : i32
      %add3A_312 = arith.addi %mul3A_2, %add3A_311 : i32
      %mul3A_313 = arith.constant 2 : i32
      %mul3A_314 = arith.muli %add3A_312, %mul3A_313 : i32
      %add3A_315 = arith.constant 1 : i32
      %add3A_316 = arith.addi %mul3A_314, %add3A_315 : i32
      %run_scoped3A_317 = arith.constant 4 : i32
      %run_scoped3A_318 = arith.constant 4 : i32
      "tpu.region"() ({
        %run_scoped3A_343 = tpu.sem_alloc : memref<!tpu.dma_semaphore, #tpu.memory_space<semaphore_mem>>
        %dma_start3A_344 = arith.constant 0 : i32
        %dma_start3A_345 = arith.constant 128 : i32
        %dma_start3A_346 = tpu.memref_slice %arg9[%run_scoped3A_317, %dma_start3A_344, %dma_start3A_345] : memref<8x8x257xf32, #tpu.memory_space<vmem>> -> memref<1x8x128xf32, #tpu.memory_space<vmem>>
        %dma_start3A_347 = tpu.memref_squeeze %dma_start3A_346 : memref<1x8x128xf32, #tpu.memory_space<vmem>> -> memref<8x128xf32, #tpu.memory_space<vmem>>
        %dma_start3A_348 = arith.constant 0 : i32
        %dma_start3A_349 = arith.constant 0 : i32
        %dma_start3A_350 = tpu.memref_slice %arg4[%add3A_65, %run_scoped3A_318, %add3A_316, %dma_start3A_348, %dma_start3A_349] : memref<50x8x128x8x128xf32, #tpu.memory_space<hbm>> -> memref<1x1x1x8x128xf32, #tpu.memory_space<hbm>>
        %dma_start3A_351 = tpu.memref_squeeze %dma_start3A_350 : memref<1x1x1x8x128xf32, #tpu.memory_space<hbm>> -> memref<8x128xf32, #tpu.memory_space<hbm>>
        %dma_start3A_352 = arith.constant 0 : i32
        %dma_start3A_353 = arith.constant 0 : i32
        %dma_start3A_354 = tpu.memref_slice %arg4[%add3A_65, %run_scoped3A_318, %add3A_316, %dma_start3A_352, %dma_start3A_353] : memref<50x8x128x8x128xf32, #tpu.memory_space<hbm>> -> memref<1x1x1x8x128xf32, #tpu.memory_space<hbm>>
        %dma_start3A_355 = tpu.memref_squeeze %dma_start3A_354 : memref<1x1x1x8x128xf32, #tpu.memory_space<hbm>> -> memref<8x128xf32, #tpu.memory_space<hbm>>
        %dma_start3A_356 = arith.constant 0 : i32
        %dma_start3A_357 = arith.constant 128 : i32
        %dma_start3A_358 = tpu.memref_slice %arg9[%run_scoped3A_317, %dma_start3A_356, %dma_start3A_357] : memref<8x8x257xf32, #tpu.memory_space<vmem>> -> memref<1x8x128xf32, #tpu.memory_space<vmem>>
        %dma_start3A_359 = tpu.memref_squeeze %dma_start3A_358 : memref<1x8x128xf32, #tpu.memory_space<vmem>> -> memref<8x128xf32, #tpu.memory_space<vmem>>
        tpu.enqueue_dma source(%dma_start3A_359 : memref<8x128xf32, #tpu.memory_space<vmem>>) target(%dma_start3A_355 : memref<8x128xf32, #tpu.memory_space<hbm>>) target_semaphore(%run_scoped3A_343 : memref<!tpu.dma_semaphore, #tpu.memory_space<semaphore_mem>>)
        %dma_wait3A_360 = arith.constant 0 : i32
        %dma_wait3A_361 = arith.constant 128 : i32
        %dma_wait3A_362 = tpu.memref_slice %arg9[%run_scoped3A_317, %dma_wait3A_360, %dma_wait3A_361] : memref<8x8x257xf32, #tpu.memory_space<vmem>> -> memref<1x8x128xf32, #tpu.memory_space<vmem>>
        %dma_wait3A_363 = tpu.memref_squeeze %dma_wait3A_362 : memref<1x8x128xf32, #tpu.memory_space<vmem>> -> memref<8x128xf32, #tpu.memory_space<vmem>>
        %dma_wait3A_364 = arith.constant 0 : i32
        %dma_wait3A_365 = arith.constant 0 : i32
        %dma_wait3A_366 = tpu.memref_slice %arg4[%add3A_65, %run_scoped3A_318, %add3A_316, %dma_wait3A_364, %dma_wait3A_365] : memref<50x8x128x8x128xf32, #tpu.memory_space<hbm>> -> memref<1x1x1x8x128xf32, #tpu.memory_space<hbm>>
        %dma_wait3A_367 = tpu.memref_squeeze %dma_wait3A_366 : memref<1x1x1x8x128xf32, #tpu.memory_space<hbm>> -> memref<8x128xf32, #tpu.memory_space<hbm>>
        %dma_wait3A_368 = arith.constant 0 : i32
        %dma_wait3A_369 = arith.constant 0 : i32
        %dma_wait3A_370 = tpu.memref_slice %arg4[%add3A_65, %run_scoped3A_318, %add3A_316, %dma_wait3A_368, %dma_wait3A_369] : memref<50x8x128x8x128xf32, #tpu.memory_space<hbm>> -> memref<1x1x1x8x128xf32, #tpu.memory_space<hbm>>
        %dma_wait3A_371 = tpu.memref_squeeze %dma_wait3A_370 : memref<1x1x1x8x128xf32, #tpu.memory_space<hbm>> -> memref<8x128xf32, #tpu.memory_space<hbm>>
        %dma_wait3A_372 = arith.constant 0 : i32
        %dma_wait3A_373 = arith.constant 128 : i32
        %dma_wait3A_374 = tpu.memref_slice %arg9[%run_scoped3A_317, %dma_wait3A_372, %dma_wait3A_373] : memref<8x8x257xf32, #tpu.memory_space<vmem>> -> memref<1x8x128xf32, #tpu.memory_space<vmem>>
        %dma_wait3A_375 = tpu.memref_squeeze %dma_wait3A_374 : memref<1x8x128xf32, #tpu.memory_space<vmem>> -> memref<8x128xf32, #tpu.memory_space<vmem>>
        tpu.wait_dma2 semaphore(%run_scoped3A_343 : memref<!tpu.dma_semaphore, #tpu.memory_space<semaphore_mem>>) src(%dma_wait3A_375 : memref<8x128xf32, #tpu.memory_space<vmem>>) dst(%dma_wait3A_371 : memref<8x128xf32, #tpu.memory_space<hbm>>)
        tpu.yield
      }) : () -> ()
      %add3A_319 = arith.constant 1 : i32
      %add3A_320 = arith.addi %mul3A_2, %add3A_319 : i32
      %mul3A_321 = arith.constant 2 : i32
      %mul3A_322 = arith.muli %add3A_320, %mul3A_321 : i32
      %add3A_323 = arith.constant 1 : i32
      %add3A_324 = arith.addi %mul3A_322, %add3A_323 : i32
      %run_scoped3A_325 = arith.constant 5 : i32
      %run_scoped3A_326 = arith.constant 5 : i32
      "tpu.region"() ({
        %run_scoped3A_343 = tpu.sem_alloc : memref<!tpu.dma_semaphore, #tpu.memory_space<semaphore_mem>>
        %dma_start3A_344 = arith.constant 0 : i32
        %dma_start3A_345 = arith.constant 128 : i32
        %dma_start3A_346 = tpu.memref_slice %arg9[%run_scoped3A_325, %dma_start3A_344, %dma_start3A_345] : memref<8x8x257xf32, #tpu.memory_space<vmem>> -> memref<1x8x128xf32, #tpu.memory_space<vmem>>
        %dma_start3A_347 = tpu.memref_squeeze %dma_start3A_346 : memref<1x8x128xf32, #tpu.memory_space<vmem>> -> memref<8x128xf32, #tpu.memory_space<vmem>>
        %dma_start3A_348 = arith.constant 0 : i32
        %dma_start3A_349 = arith.constant 0 : i32
        %dma_start3A_350 = tpu.memref_slice %arg4[%add3A_65, %run_scoped3A_326, %add3A_324, %dma_start3A_348, %dma_start3A_349] : memref<50x8x128x8x128xf32, #tpu.memory_space<hbm>> -> memref<1x1x1x8x128xf32, #tpu.memory_space<hbm>>
        %dma_start3A_351 = tpu.memref_squeeze %dma_start3A_350 : memref<1x1x1x8x128xf32, #tpu.memory_space<hbm>> -> memref<8x128xf32, #tpu.memory_space<hbm>>
        %dma_start3A_352 = arith.constant 0 : i32
        %dma_start3A_353 = arith.constant 0 : i32
        %dma_start3A_354 = tpu.memref_slice %arg4[%add3A_65, %run_scoped3A_326, %add3A_324, %dma_start3A_352, %dma_start3A_353] : memref<50x8x128x8x128xf32, #tpu.memory_space<hbm>> -> memref<1x1x1x8x128xf32, #tpu.memory_space<hbm>>
        %dma_start3A_355 = tpu.memref_squeeze %dma_start3A_354 : memref<1x1x1x8x128xf32, #tpu.memory_space<hbm>> -> memref<8x128xf32, #tpu.memory_space<hbm>>
        %dma_start3A_356 = arith.constant 0 : i32
        %dma_start3A_357 = arith.constant 128 : i32
        %dma_start3A_358 = tpu.memref_slice %arg9[%run_scoped3A_325, %dma_start3A_356, %dma_start3A_357] : memref<8x8x257xf32, #tpu.memory_space<vmem>> -> memref<1x8x128xf32, #tpu.memory_space<vmem>>
        %dma_start3A_359 = tpu.memref_squeeze %dma_start3A_358 : memref<1x8x128xf32, #tpu.memory_space<vmem>> -> memref<8x128xf32, #tpu.memory_space<vmem>>
        tpu.enqueue_dma source(%dma_start3A_359 : memref<8x128xf32, #tpu.memory_space<vmem>>) target(%dma_start3A_355 : memref<8x128xf32, #tpu.memory_space<hbm>>) target_semaphore(%run_scoped3A_343 : memref<!tpu.dma_semaphore, #tpu.memory_space<semaphore_mem>>)
        %dma_wait3A_360 = arith.constant 0 : i32
        %dma_wait3A_361 = arith.constant 128 : i32
        %dma_wait3A_362 = tpu.memref_slice %arg9[%run_scoped3A_325, %dma_wait3A_360, %dma_wait3A_361] : memref<8x8x257xf32, #tpu.memory_space<vmem>> -> memref<1x8x128xf32, #tpu.memory_space<vmem>>
        %dma_wait3A_363 = tpu.memref_squeeze %dma_wait3A_362 : memref<1x8x128xf32, #tpu.memory_space<vmem>> -> memref<8x128xf32, #tpu.memory_space<vmem>>
        %dma_wait3A_364 = arith.constant 0 : i32
        %dma_wait3A_365 = arith.constant 0 : i32
        %dma_wait3A_366 = tpu.memref_slice %arg4[%add3A_65, %run_scoped3A_326, %add3A_324, %dma_wait3A_364, %dma_wait3A_365] : memref<50x8x128x8x128xf32, #tpu.memory_space<hbm>> -> memref<1x1x1x8x128xf32, #tpu.memory_space<hbm>>
        %dma_wait3A_367 = tpu.memref_squeeze %dma_wait3A_366 : memref<1x1x1x8x128xf32, #tpu.memory_space<hbm>> -> memref<8x128xf32, #tpu.memory_space<hbm>>
        %dma_wait3A_368 = arith.constant 0 : i32
        %dma_wait3A_369 = arith.constant 0 : i32
        %dma_wait3A_370 = tpu.memref_slice %arg4[%add3A_65, %run_scoped3A_326, %add3A_324, %dma_wait3A_368, %dma_wait3A_369] : memref<50x8x128x8x128xf32, #tpu.memory_space<hbm>> -> memref<1x1x1x8x128xf32, #tpu.memory_space<hbm>>
        %dma_wait3A_371 = tpu.memref_squeeze %dma_wait3A_370 : memref<1x1x1x8x128xf32, #tpu.memory_space<hbm>> -> memref<8x128xf32, #tpu.memory_space<hbm>>
        %dma_wait3A_372 = arith.constant 0 : i32
        %dma_wait3A_373 = arith.constant 128 : i32
        %dma_wait3A_374 = tpu.memref_slice %arg9[%run_scoped3A_325, %dma_wait3A_372, %dma_wait3A_373] : memref<8x8x257xf32, #tpu.memory_space<vmem>> -> memref<1x8x128xf32, #tpu.memory_space<vmem>>
        %dma_wait3A_375 = tpu.memref_squeeze %dma_wait3A_374 : memref<1x8x128xf32, #tpu.memory_space<vmem>> -> memref<8x128xf32, #tpu.memory_space<vmem>>
        tpu.wait_dma2 semaphore(%run_scoped3A_343 : memref<!tpu.dma_semaphore, #tpu.memory_space<semaphore_mem>>) src(%dma_wait3A_375 : memref<8x128xf32, #tpu.memory_space<vmem>>) dst(%dma_wait3A_371 : memref<8x128xf32, #tpu.memory_space<hbm>>)
        tpu.yield
      }) : () -> ()
      %add3A_327 = arith.constant 1 : i32
      %add3A_328 = arith.addi %mul3A_2, %add3A_327 : i32
      %mul3A_329 = arith.constant 2 : i32
      %mul3A_330 = arith.muli %add3A_328, %mul3A_329 : i32
      %add3A_331 = arith.constant 1 : i32
      %add3A_332 = arith.addi %mul3A_330, %add3A_331 : i32
      %run_scoped3A_333 = arith.constant 6 : i32
      %run_scoped3A_334 = arith.constant 6 : i32
      "tpu.region"() ({
        %run_scoped3A_343 = tpu.sem_alloc : memref<!tpu.dma_semaphore, #tpu.memory_space<semaphore_mem>>
        %dma_start3A_344 = arith.constant 0 : i32
        %dma_start3A_345 = arith.constant 128 : i32
        %dma_start3A_346 = tpu.memref_slice %arg9[%run_scoped3A_333, %dma_start3A_344, %dma_start3A_345] : memref<8x8x257xf32, #tpu.memory_space<vmem>> -> memref<1x8x128xf32, #tpu.memory_space<vmem>>
        %dma_start3A_347 = tpu.memref_squeeze %dma_start3A_346 : memref<1x8x128xf32, #tpu.memory_space<vmem>> -> memref<8x128xf32, #tpu.memory_space<vmem>>
        %dma_start3A_348 = arith.constant 0 : i32
        %dma_start3A_349 = arith.constant 0 : i32
        %dma_start3A_350 = tpu.memref_slice %arg4[%add3A_65, %run_scoped3A_334, %add3A_332, %dma_start3A_348, %dma_start3A_349] : memref<50x8x128x8x128xf32, #tpu.memory_space<hbm>> -> memref<1x1x1x8x128xf32, #tpu.memory_space<hbm>>
        %dma_start3A_351 = tpu.memref_squeeze %dma_start3A_350 : memref<1x1x1x8x128xf32, #tpu.memory_space<hbm>> -> memref<8x128xf32, #tpu.memory_space<hbm>>
        %dma_start3A_352 = arith.constant 0 : i32
        %dma_start3A_353 = arith.constant 0 : i32
        %dma_start3A_354 = tpu.memref_slice %arg4[%add3A_65, %run_scoped3A_334, %add3A_332, %dma_start3A_352, %dma_start3A_353] : memref<50x8x128x8x128xf32, #tpu.memory_space<hbm>> -> memref<1x1x1x8x128xf32, #tpu.memory_space<hbm>>
        %dma_start3A_355 = tpu.memref_squeeze %dma_start3A_354 : memref<1x1x1x8x128xf32, #tpu.memory_space<hbm>> -> memref<8x128xf32, #tpu.memory_space<hbm>>
        %dma_start3A_356 = arith.constant 0 : i32
        %dma_start3A_357 = arith.constant 128 : i32
        %dma_start3A_358 = tpu.memref_slice %arg9[%run_scoped3A_333, %dma_start3A_356, %dma_start3A_357] : memref<8x8x257xf32, #tpu.memory_space<vmem>> -> memref<1x8x128xf32, #tpu.memory_space<vmem>>
        %dma_start3A_359 = tpu.memref_squeeze %dma_start3A_358 : memref<1x8x128xf32, #tpu.memory_space<vmem>> -> memref<8x128xf32, #tpu.memory_space<vmem>>
        tpu.enqueue_dma source(%dma_start3A_359 : memref<8x128xf32, #tpu.memory_space<vmem>>) target(%dma_start3A_355 : memref<8x128xf32, #tpu.memory_space<hbm>>) target_semaphore(%run_scoped3A_343 : memref<!tpu.dma_semaphore, #tpu.memory_space<semaphore_mem>>)
        %dma_wait3A_360 = arith.constant 0 : i32
        %dma_wait3A_361 = arith.constant 128 : i32
        %dma_wait3A_362 = tpu.memref_slice %arg9[%run_scoped3A_333, %dma_wait3A_360, %dma_wait3A_361] : memref<8x8x257xf32, #tpu.memory_space<vmem>> -> memref<1x8x128xf32, #tpu.memory_space<vmem>>
        %dma_wait3A_363 = tpu.memref_squeeze %dma_wait3A_362 : memref<1x8x128xf32, #tpu.memory_space<vmem>> -> memref<8x128xf32, #tpu.memory_space<vmem>>
        %dma_wait3A_364 = arith.constant 0 : i32
        %dma_wait3A_365 = arith.constant 0 : i32
        %dma_wait3A_366 = tpu.memref_slice %arg4[%add3A_65, %run_scoped3A_334, %add3A_332, %dma_wait3A_364, %dma_wait3A_365] : memref<50x8x128x8x128xf32, #tpu.memory_space<hbm>> -> memref<1x1x1x8x128xf32, #tpu.memory_space<hbm>>
        %dma_wait3A_367 = tpu.memref_squeeze %dma_wait3A_366 : memref<1x1x1x8x128xf32, #tpu.memory_space<hbm>> -> memref<8x128xf32, #tpu.memory_space<hbm>>
        %dma_wait3A_368 = arith.constant 0 : i32
        %dma_wait3A_369 = arith.constant 0 : i32
        %dma_wait3A_370 = tpu.memref_slice %arg4[%add3A_65, %run_scoped3A_334, %add3A_332, %dma_wait3A_368, %dma_wait3A_369] : memref<50x8x128x8x128xf32, #tpu.memory_space<hbm>> -> memref<1x1x1x8x128xf32, #tpu.memory_space<hbm>>
        %dma_wait3A_371 = tpu.memref_squeeze %dma_wait3A_370 : memref<1x1x1x8x128xf32, #tpu.memory_space<hbm>> -> memref<8x128xf32, #tpu.memory_space<hbm>>
        %dma_wait3A_372 = arith.constant 0 : i32
        %dma_wait3A_373 = arith.constant 128 : i32
        %dma_wait3A_374 = tpu.memref_slice %arg9[%run_scoped3A_333, %dma_wait3A_372, %dma_wait3A_373] : memref<8x8x257xf32, #tpu.memory_space<vmem>> -> memref<1x8x128xf32, #tpu.memory_space<vmem>>
        %dma_wait3A_375 = tpu.memref_squeeze %dma_wait3A_374 : memref<1x8x128xf32, #tpu.memory_space<vmem>> -> memref<8x128xf32, #tpu.memory_space<vmem>>
        tpu.wait_dma2 semaphore(%run_scoped3A_343 : memref<!tpu.dma_semaphore, #tpu.memory_space<semaphore_mem>>) src(%dma_wait3A_375 : memref<8x128xf32, #tpu.memory_space<vmem>>) dst(%dma_wait3A_371 : memref<8x128xf32, #tpu.memory_space<hbm>>)
        tpu.yield
      }) : () -> ()
      %add3A_335 = arith.constant 1 : i32
      %add3A_336 = arith.addi %mul3A_2, %add3A_335 : i32
      %mul3A_337 = arith.constant 2 : i32
      %mul3A_338 = arith.muli %add3A_336, %mul3A_337 : i32
      %add3A_339 = arith.constant 1 : i32
      %add3A_340 = arith.addi %mul3A_338, %add3A_339 : i32
      %run_scoped3A_341 = arith.constant 7 : i32
      %run_scoped3A_342 = arith.constant 7 : i32
      "tpu.region"() ({
        %run_scoped3A_343 = tpu.sem_alloc : memref<!tpu.dma_semaphore, #tpu.memory_space<semaphore_mem>>
        %dma_start3A_344 = arith.constant 0 : i32
        %dma_start3A_345 = arith.constant 128 : i32
        %dma_start3A_346 = tpu.memref_slice %arg9[%run_scoped3A_341, %dma_start3A_344, %dma_start3A_345] : memref<8x8x257xf32, #tpu.memory_space<vmem>> -> memref<1x8x128xf32, #tpu.memory_space<vmem>>
        %dma_start3A_347 = tpu.memref_squeeze %dma_start3A_346 : memref<1x8x128xf32, #tpu.memory_space<vmem>> -> memref<8x128xf32, #tpu.memory_space<vmem>>
        %dma_start3A_348 = arith.constant 0 : i32
        %dma_start3A_349 = arith.constant 0 : i32
        %dma_start3A_350 = tpu.memref_slice %arg4[%add3A_65, %run_scoped3A_342, %add3A_340, %dma_start3A_348, %dma_start3A_349] : memref<50x8x128x8x128xf32, #tpu.memory_space<hbm>> -> memref<1x1x1x8x128xf32, #tpu.memory_space<hbm>>
        %dma_start3A_351 = tpu.memref_squeeze %dma_start3A_350 : memref<1x1x1x8x128xf32, #tpu.memory_space<hbm>> -> memref<8x128xf32, #tpu.memory_space<hbm>>
        %dma_start3A_352 = arith.constant 0 : i32
        %dma_start3A_353 = arith.constant 0 : i32
        %dma_start3A_354 = tpu.memref_slice %arg4[%add3A_65, %run_scoped3A_342, %add3A_340, %dma_start3A_352, %dma_start3A_353] : memref<50x8x128x8x128xf32, #tpu.memory_space<hbm>> -> memref<1x1x1x8x128xf32, #tpu.memory_space<hbm>>
        %dma_start3A_355 = tpu.memref_squeeze %dma_start3A_354 : memref<1x1x1x8x128xf32, #tpu.memory_space<hbm>> -> memref<8x128xf32, #tpu.memory_space<hbm>>
        %dma_start3A_356 = arith.constant 0 : i32
        %dma_start3A_357 = arith.constant 128 : i32
        %dma_start3A_358 = tpu.memref_slice %arg9[%run_scoped3A_341, %dma_start3A_356, %dma_start3A_357] : memref<8x8x257xf32, #tpu.memory_space<vmem>> -> memref<1x8x128xf32, #tpu.memory_space<vmem>>
        %dma_start3A_359 = tpu.memref_squeeze %dma_start3A_358 : memref<1x8x128xf32, #tpu.memory_space<vmem>> -> memref<8x128xf32, #tpu.memory_space<vmem>>
        tpu.enqueue_dma source(%dma_start3A_359 : memref<8x128xf32, #tpu.memory_space<vmem>>) target(%dma_start3A_355 : memref<8x128xf32, #tpu.memory_space<hbm>>) target_semaphore(%run_scoped3A_343 : memref<!tpu.dma_semaphore, #tpu.memory_space<semaphore_mem>>)
        %dma_wait3A_360 = arith.constant 0 : i32
        %dma_wait3A_361 = arith.constant 128 : i32
        %dma_wait3A_362 = tpu.memref_slice %arg9[%run_scoped3A_341, %dma_wait3A_360, %dma_wait3A_361] : memref<8x8x257xf32, #tpu.memory_space<vmem>> -> memref<1x8x128xf32, #tpu.memory_space<vmem>>
        %dma_wait3A_363 = tpu.memref_squeeze %dma_wait3A_362 : memref<1x8x128xf32, #tpu.memory_space<vmem>> -> memref<8x128xf32, #tpu.memory_space<vmem>>
        %dma_wait3A_364 = arith.constant 0 : i32
        %dma_wait3A_365 = arith.constant 0 : i32
        %dma_wait3A_366 = tpu.memref_slice %arg4[%add3A_65, %run_scoped3A_342, %add3A_340, %dma_wait3A_364, %dma_wait3A_365] : memref<50x8x128x8x128xf32, #tpu.memory_space<hbm>> -> memref<1x1x1x8x128xf32, #tpu.memory_space<hbm>>
        %dma_wait3A_367 = tpu.memref_squeeze %dma_wait3A_366 : memref<1x1x1x8x128xf32, #tpu.memory_space<hbm>> -> memref<8x128xf32, #tpu.memory_space<hbm>>
        %dma_wait3A_368 = arith.constant 0 : i32
        %dma_wait3A_369 = arith.constant 0 : i32
        %dma_wait3A_370 = tpu.memref_slice %arg4[%add3A_65, %run_scoped3A_342, %add3A_340, %dma_wait3A_368, %dma_wait3A_369] : memref<50x8x128x8x128xf32, #tpu.memory_space<hbm>> -> memref<1x1x1x8x128xf32, #tpu.memory_space<hbm>>
        %dma_wait3A_371 = tpu.memref_squeeze %dma_wait3A_370 : memref<1x1x1x8x128xf32, #tpu.memory_space<hbm>> -> memref<8x128xf32, #tpu.memory_space<hbm>>
        %dma_wait3A_372 = arith.constant 0 : i32
        %dma_wait3A_373 = arith.constant 128 : i32
        %dma_wait3A_374 = tpu.memref_slice %arg9[%run_scoped3A_341, %dma_wait3A_372, %dma_wait3A_373] : memref<8x8x257xf32, #tpu.memory_space<vmem>> -> memref<1x8x128xf32, #tpu.memory_space<vmem>>
        %dma_wait3A_375 = tpu.memref_squeeze %dma_wait3A_374 : memref<1x8x128xf32, #tpu.memory_space<vmem>> -> memref<8x128xf32, #tpu.memory_space<vmem>>
        tpu.wait_dma2 semaphore(%run_scoped3A_343 : memref<!tpu.dma_semaphore, #tpu.memory_space<semaphore_mem>>) src(%dma_wait3A_375 : memref<8x128xf32, #tpu.memory_space<vmem>>) dst(%dma_wait3A_371 : memref<8x128xf32, #tpu.memory_space<hbm>>)
        tpu.yield
      }) : () -> ()
    }
    %scan3A_60 = arith.constant 50 : i32
    return
  }
}

</mosaic_0001>

<sc_bundles>
// kernel: kernel.3.cloned.1.call-start
scs
__scs_entry_jumppad:
0x0: {  	(pc) =	sbr.rel $0x88, $3  }
0x1: {  	(tag) =	ssettag $0x0;
	lr =	simm.s32 $0x1  }
0x2: {  	[smem:$0x3F9F] =	sst lr;
	_ =	strace $0xD0000000  }
0x3: {  	_ = 	snop  }
0x4: {  	_ = 	snop  }
0x5: {  	_ = 	snop  }
0x6: {  	_ = 	snop  }
0x7: {  	_ = 	snop  }
__scs_overlays_trampoline_lowered:
0x8: {  	[smem:$0x3FAE] =	sst s0  }
0x9: {  	[smem:$0x3FAF] =	sst s1  }
0xa: {  	[smem:$0x3FB0] =	sst s2  }
0xb: {  	[smem:$0x3FB1] =	sst s3  }
0xc: {  	[smem:$0x3FB2] =	sst s4  }
0xd: {  	[smem:$0x3FB3] =	sst s5  }
0xe: {  	[smem:$0x3FB4] =	sst s6  }
0xf: {  	[smem:$0x3FB5] =	sst s7  }
0x10: {  	[smem:$0x3FB6] =	sst s8  }
0x11: {  	[smem:$0x3FB7] =	sst s9;
	s0 =	simm.s32 @!p0 $0x0  }
0x12: {  	s1 =	sld [smem:$0x3F9D];
	s0 =	simm.s32 @p0 $0x1  }
0x13: {  	[smem:$0x3FB8] =	sst s0;
	s0 =	simm.s32 @!p1 $0x0  }
0x14: {  	s2 =	sld [smem:$0x3F9C];
	s0 =	simm.s32 @p1 $0x1  }
0x15: {  	[smem:$0x3FB9] =	sst s0;
	s0 =	simm.s32 @!p2 $0x0  }
0x16: {  	s3 =	sld [smem:$0x3FDB];
	s0 =	simm.s32 @p2 $0x1  }
0x17: {  	s4 =	simm.s32 $0x1BF5;
	[smem:$0x3FBB] =	sst s0  }
0x18: {  	s0 =	sld [smem:$0x3F9E];
	_ =	swait.ge [sflag:s4], $0x0  }
0x19: {  	s7 =	sld [smem:$0x3F9F]  }
0x1a: {  	s8 =	sadd.s32 $0xFFFFE003, lr  }
0x1b: {  	s9 =	sadd.s32 $0xFFFFFEF7, lr;
	s5 =	simm.s32 $0xFFFFFFFF;
	p2 =	slt.u32 s8, $0xFFFFF086  }
0x1c: {  	p1 =	slt.u32 s9, $0xF7A;
	s5 =	simm.s32 @!p2 $0x0  }
0x1d: {  	s5 =	simm.s32 @p1 $0x1;
	p0 =	seq.s32 s7, s2  }
0x1e: {  	s7 =	smul.u32 @!p0 $0xF7A, s2;
	p2 =	seq.s32 @!p0 s5, $0x0  }
0x1f: {  	s9 =	smul.u32 $0xF7A, s1;
	s8 =	simm.s32 @!p0 $0x1BF5;
	p2 =	por !p2, p0  }
0x20: {  	[sflag:s8] =	ssyncset.s32 @!p0 $0xFFFFF086;
	s6 =	sadd.s32 @!p0 s3, s7;
	s7 =	simm.s32 @!p0 $0x108  }
0x21: {  	s3 =	sadd.s32 s3, s9;
	s6 =	sadd.s32 @!p0 $0x88, s6;
	s7 =	simm.s32 @p2 $0x1082  }
0x22: {  	[simem:s7], [sflag:s8] =	dma.local @!p0 [hbm:s6], $0xF7A  }
0x23: {  	s9 =	sor.u32 $0xD0000000, s2;
	s6 =	simm.s32 $0x108;
	_ =	swait.ge @!p0 [sflag:s8], $0x0  }
0x24: {  	s3 =	sadd.s32 $0x88, s3;
	s6 =	simm.s32 @!p1 $0x1082;
	[sflag:s4] =	ssyncset.s32 $0xFFFFF086  }
0x25: {  	[simem:s6], [sflag:s4] =	dma.local [hbm:s3], $0xF7A  }
0x26: {  	[smem:$0x3F9F] =	sst s1;
	(tag) =	ssettag s2;
	_ =	strace s9  }
0x27: {  	s1 =	sld [smem:$0x3FAF]  }
0x28: {  	s2 =	sld [smem:$0x3FB0]  }
0x29: {  	s4 =	sld [smem:$0x3FB2]  }
0x2a: {  	p0 =	seq.s32 s5, $0x0;
	s5 =	sld [smem:$0x3FB3]  }
0x2b: {  	s6 =	sld [smem:$0x3FB4]  }
0x2c: {  	s7 =	sld [smem:$0x3FB5]  }
0x2d: {  	s3 =	simm.s32 $0x108;
	s8 =	sld [smem:$0x3FB6]  }
0x2e: {  	s3 =	simm.s32 @!p0 $0x1082;
	s9 =	sld [smem:$0x3FB7]  }
0x2f: {  	lr =	sadd.s32 s0, s3;
	s0 =	sld [smem:$0x3FAE]  }
0x30: {  	s3 =	sld [smem:$0x3FB1]  }
0x31: {  	[smem:$0x3FBA] =	sst s10  }
0x32: {  	s10 =	sld [smem:$0x3FB8];
	_ =	sdelay $0x3  }
0x33: {  	p0 =	seq.s32 s10, $0x1;
	s10 =	sld [smem:$0x3FBA];
	_ =	sdelay $0x3  }
0x34: {  	[smem:$0x3FBA] =	sst s10  }
0x35: {  	s10 =	sld [smem:$0x3FB9];
	_ =	sdelay $0x3  }
0x36: {  	p1 =	seq.s32 s10, $0x1;
	s10 =	sld [smem:$0x3FBA];
	_ =	sdelay $0x3  }
0x37: {  	[smem:$0x3FBA] =	sst s10  }
0x38: {  	s10 =	sld [smem:$0x3FBB]  }
0x39: {  	_ = 	snop;
	(pc) =	sbr.ind lr, $3  }
0x3a: {  	_ = 	snop  }
0x3b: {  	_ = 	snop  }
0x3c: {  	p2 =	seq.s32 s10, $0x1;
	s10 =	sld [smem:$0x3FBA]  }
0x3d: {  	_ =	shalt  }
0x3e: {  	_ =	shalt  }
0x3f: {  	_ =	shalt  }
0x40: {  	_ =	shalt  }
0x41: {  	_ =	shalt  }
0x42: {  	_ =	shalt  }
0x43: {  	_ =	shalt  }
0x44: {  	_ =	shalt  }
0x45: {  	_ =	shalt  }
0x46: {  	_ =	shalt  }
0x47: {  	_ =	shalt  }
0x48: {  	_ =	shalt  }
0x49: {  	_ =	shalt  }
0x4a: {  	_ =	shalt  }
0x4b: {  	_ =	shalt  }
0x4c: {  	_ =	shalt  }
0x4d: {  	_ =	shalt  }
0x4e: {  	_ =	shalt  }
0x4f: {  	_ =	shalt  }
0x50: {  	_ =	shalt  }
0x51: {  	_ =	shalt  }
0x52: {  	_ =	shalt  }
0x53: {  	_ =	shalt  }
0x54: {  	_ =	shalt  }
0x55: {  	_ =	shalt  }
0x56: {  	_ =	shalt  }
0x57: {  	_ =	shalt  }
0x58: {  	_ =	shalt  }
0x59: {  	_ =	shalt  }
0x5a: {  	_ =	shalt  }
0x5b: {  	_ =	shalt  }
0x5c: {  	_ =	shalt  }
0x5d: {  	_ =	shalt  }
0x5e: {  	_ =	shalt  }
0x5f: {  	_ =	shalt  }
0x60: {  	_ =	shalt  }
0x61: {  	_ =	shalt  }
0x62: {  	_ =	shalt  }
0x63: {  	_ =	shalt  }
0x64: {  	_ =	shalt  }
0x65: {  	_ =	shalt  }
0x66: {  	_ =	shalt  }
0x67: {  	_ =	shalt  }
0x68: {  	_ =	shalt  }
0x69: {  	_ =	shalt  }
0x6a: {  	_ =	shalt  }
0x6b: {  	_ =	shalt  }
0x6c: {  	_ =	shalt  }
0x6d: {  	_ =	shalt  }
0x6e: {  	_ =	shalt  }
0x6f: {  	_ =	shalt  }
0x70: {  	_ =	shalt  }
0x71: {  	_ =	shalt  }
0x72: {  	_ =	shalt  }
0x73: {  	_ =	shalt  }
0x74: {  	_ =	shalt  }
0x75: {  	_ =	shalt  }
0x76: {  	_ =	shalt  }
0x77: {  	_ =	shalt  }
0x78: {  	_ =	shalt  }
0x79: {  	_ =	shalt  }
0x7a: {  	_ =	shalt  }
0x7b: {  	_ =	shalt  }
0x7c: {  	_ =	shalt  }
0x7d: {  	_ =	shalt  }
0x7e: {  	_ =	shalt  }
0x7f: {  	_ =	shalt  }
0x80: {  	_ =	shalt  }
0x81: {  	_ =	shalt  }
0x82: {  	_ =	shalt  }
0x83: {  	_ =	shalt  }
0x84: {  	_ =	shalt  }
0x85: {  	_ =	shalt  }
0x86: {  	_ =	shalt  }
0x87: {  	_ =	shalt  }
.Lfunc_end0:
.L_simem_size_0:
called_computation_lowered:
.L_overlay_start_0:
0x88: {  	s2 =	sld [smem:$0x3FD9]  }
0x89: {  	s3 =	sld [smem:$0x3FFE];
	_ =	sdelay $0x1  }
0x8a: {  	s1 =	srdreg.scid  }
0x8b: {  	s0 =	sand.u32 $0x1, s1  }
0x8c: {  	s17 =	sshll.u32 s0, $0xA;
	s2 =	sadd.s32 s3, s2  }
0x8d: {  	s2 =	sadd.s32 s2, s17  }
0x8e: {  	[smem:$0x3FC6] =	sst s2  }
0x8f: {  	_ = 	snop  }
0x90: {  	s2 =	sld [smem:$0x3FD0];
	(tm) =	ssettm $0x1  }
0x91: {  	s18 =	sld [smem:$0x3FFB];
	_ =	sdelay $0x3  }
0x92: {  	_ =	strace s18  }
0x93: {  	s3 =	sld [smem:$0x3FFC];
	_ =	sdelay $0x3  }
0x94: {  	_ =	strace s3  }
0x95: {  	s3 =	sld [smem:$0x3FFD];
	_ =	sdelay $0x3  }
0x96: {  	_ =	strace s3  }
0x97: {  	_ =	strace $0x8FFFFFFF  }
0x98: {  	s19 =	sld [smem:$0x3FDB];
	_ =	sdelay $0x1  }
0x99: {  	s4 =	simm.s32 $_scs_section_size  }
0x9a: {  	s5 =	simm.s32 $_size__tile_overlayer_lowered;
	s6 =	simm.s32 $_tile_overlayer_lowered  }
0x9b: {  	s22 =	simm.s32 $0x1BFF;
	s21 =	sshll.u32 s6, $0x1;
	s3 =	sadd.s32 s4, s19  }
0x9c: {  	s7 =	simm.s32 $0x0;
	s20 =	sshll.u32 s5, $0x1;
	s5 =	sadd.s32 s21, s3  }
0x9d: {  	[timem:s7], [sflag:s22] =	dma.local [hbm:s5], s20  }
0x9e: {  	_ =	swait.ge [sflag:s22], s20  }
0x9f: {  	s4 =	ssub.s32 $0x0, s20;
	[sflag:s22] =	ssyncset.done $0x0  }
0xa0: {  	[sflag:s22] =	ssyncadd.s32 s4;
	_ =	sdelay $0x1  }
0xa1: {  	s23 =	simm.s32 $0x1B8B  }
0xa2: {  	_ =	swait.ge [sflag:s23], $0x1  }
0xa3: {  	[sflag:s23] =	ssyncset.done $0x0  }
0xa4: {  	s25 =	simm.s32 $0x1B8E;
	s24 =	sld [smem:$0x3FFE];
	[sflag:s23] =	ssyncadd.s32 $0xFFFFFFFF  }
0xa5: {  	s26 =	simm.s32 $execute0_lowered;
	[smem:$0x3FD2] =	sst s25  }
0xa6: {  	s5 =	sshll.u32 s26, $0x1;
	_ =	strace $0x80000046;
	[dreg:$0x1] =	wrdreg $0xFFFFFFFF  }
0xa7: {  	s28 =	simm.s32 $_size_execute0_lowered;
	s3 =	sadd.s32 s3, s5;
	[dreg:$0x0] =	wrdreg $0x0  }
0xa8: {  	s5 =	sshll.u32 s28, $0x1;
	[dreg:$0x2] =	wrdreg s3  }
0xa9: {  	[dreg:$0x3] =	wrdreg s5  }
0xaa: {  	[dreg:$0x4] =	wrdreg $0xC0  }
0xab: {  	_ =	task [dreg:s7], $0x5FFFF  }
0xac: {  	[dreg:$0x1] =	wrdreg $0xFFFFFFFF  }
0xad: {  	[dreg:$0x0] =	wrdreg $0x60  }
0xae: {  	[dreg:$0x2] =	wrdreg s24  }
0xaf: {  	[dreg:$0x3] =	wrdreg s2  }
0xb0: {  	[dreg:$0x4] =	wrdreg $0x9  }
0xb1: {  	_ =	task.clear_ibuf [dreg:s7], $0x5FFFF;
	_ =	strace $0x90000046  }
0xb2: {  	s29 =	simm.s32 $0x9;
	_ =	strace $0x80000048  }
0xb3: {  	_ =	swait.ge [sflag:s29], $0x1  }
0xb4: {  	[sflag:s29] =	ssyncadd.s32 $0xFFFFFFFF  }
0xb5: {  	_ =	strace $0x90000048  }
0xb6: {  	_ =	sfence  }
0xb7: {  	s30 =	sld [smem:$0x0];
	_ =	sdelay $0x2  }
0xb8: {  	s31 =	sshll.u32 s1, $0xD;
	s1 =	sshrl.u32 s1, $0x2  }
0xb9: {  	s3 =	sand.u32 $0x4000, s31;
	s1 =	sadd.s32 s1, s30  }
0xba: {  	s0 =	sor.u32 s3, s0;
	s1 =	sshll.u32 s1, $0x11  }
0xbb: {  	s0 =	sor.u32 s1, s0  }
0xbc: {  	s0 =	sadd.s32 $0x8F2B, s0  }
0xbd: {  	[sflag:s0] =	ssyncadd.remote.s32 $0x1  }
0xbe: {  	_ =	sfence.sel $0xFFFF  }
0xbf: {  	[dreg:$0x0] =	wrdreg $0xFFFFFFFF;
	(pc) =	sbr.abs _section_cstart, $3  }
0xc0: {  	[dreg:$0x1] =	wrdreg $0xFFFFFFFF  }
0xc1: {  	_ =	task.clear_ibuf [dreg:s7], $0x2FFFF;
	_ =	strace $0x9FFFFFFF  }
0xc2: {  	(tm) =	ssettm $0x7FFFFFFF  }
0xc3: {  	_ =	shalt  }
tec
execute0_lowered:
.L_overlay_start_1:
0x0: {  	(tag) =	ssettag $0x1  }
0x1: {  	s0 =	rddreg [dreg:$0x0]  }
0x2: {  	s1 =	rddreg [dreg:$0x1];
	s3 =	simm.s32 $0x0  }
0x3: {  	s2 =	srdreg.scid;
	s4 =	stileid.u32;
	s9 =	simm.s32 $0xB610  }
0x4: {  	s10 =	simm.s32 $0xB718;
	s11 =	simm.s32 $0xB820;
	s12 =	simm.s32 $0xB928  }
0x5: {  	s13 =	simm.s32 $0xBA30;
	s14 =	simm.s32 $0xBB38;
	s28 =	simm.s32 $0xC270  }
0x6: {  	s29 =	simm.s32 $0xC378;
	[smem:$0x7FF] =	sst s3;
	s18 =	sadd.s32 $0x4000, s1  }
0x7: {  	s19 =	sadd.s32 $0x8000, s1;
	_ =	strace $0x80000047;
	[dreg:$0x6] =	wrdreg s18  }
0x8: {  	s30 =	simm.s32 $0x2;
	s20 =	sadd.s32 $0xC000, s1;
	[dreg:$0x7] =	wrdreg s19  }
0x9: {  	s2 =	sand.u32 $0x1, s2;
	s21 =	sadd.s32 $0x10000, s1;
	[dreg:$0x8] =	wrdreg s20  }
0xa: {  	s5 =	sshll.u32 s4, $0x1;
	s22 =	sadd.s32 $0x14000, s1;
	[dreg:$0x9] =	wrdreg s21  }
0xb: {  	v0 =	vlaneseq.u32;
	s4 =	sadd.s32 $0xF42A00, s0;
	s23 =	sadd.s32 $0x18000, s1;
	[dreg:$0xa] =	wrdreg s22  }
0xc: {  	s0 =	sadd.s32 $0x600, s0;
	s24 =	sadd.s32 $0x1C000, s1;
	v0 =	vmul.u32 $0x108, v0;
	[dreg:$0xb] =	wrdreg s23  }
0xd: {  	v1 =	vimm.s32 $0x0;
	vm0 =	vcmask $0x300;
	s6 =	ssub.s32 $0x2, s2;
	s2 =	sor.u32 s2, s5;
	[dreg:$0xc] =	wrdreg s24  }
0xe: {  	v1 =	vsel vm0, $0x3, v1;
	s20 =	simm.s32 $0x3;
	s24 =	simm.s32 $0x1;
	s21 =	simm.s32 $0xBE50;
	v2 =	vadd.s32 $0x1080, v0  }
0xf: {  	s18 =	simm.s32 $0xC060;
	s15 =	sshrl.u32 s6, $0x1;
	s7 =	sshllo.u32 s2, $0x1;
	v3 =	vadd.s32 $0x2100, v0;
	v4 =	vadd.s32 $0x3180, v0;
	v5 =	vor.u32 $0x1, v0  }
0x10: {  	s16 =	sshll.u32 s2, $0x6;
	s17 =	sshll.u32 s2, $0xC;
	v6 =	vadd.s32 $0x1081, v0;
	v7 =	vadd.s32 $0x2101, v0;
	v8 =	vadd.s32 $0x3181, v0;
	s2 =	simm.s32 $0x0  }
0x11: {  	v9 =	vor.u32 $0x2, v0;
	v10 =	vadd.s32 $0x1082, v0;
	v11 =	vadd.s32 $0x2102, v0;
	s5 =	ssub.s32 s6, s15;
	s6 =	sadd.s32 s0, s16;
	[dreg:$0x5] =	wrdreg s17  }
0x12: {  	v12 =	vadd.s32 $0x3182, v0;
	v13 =	vor.u32 $0x3, v0;
	v14 =	vadd.s32 $0x1083, v0;
	s8 =	sshll.u32 s7, $0x5;
	s25 =	sshll.u32 s7, $0xB;
	[dreg:$0x3] =	wrdreg s6  }
0x13: {  	v15 =	vadd.s32 $0x2103, v0;
	v16 =	vadd.s32 $0x3183, v0;
	v17 =	vor.u32 $0x4, v0;
	s7 =	simm.s32 $0xB508;
	s0 =	sadd.s32 s0, s8;
	[dreg:$0xe] =	wrdreg s25  }
0x14: {  	v18 =	vadd.s32 $0x1084, v0;
	v19 =	vadd.s32 $0x2104, v0;
	v20 =	vadd.s32 $0x3184, v0;
	s15 =	simm.s32 $0xBC40;
	s26 =	sadd.s32 $0x800, s6;
	[dreg:$0x4] =	wrdreg s0  }
0x15: {  	v21 =	vor.u32 $0x5, v0;
	v22 =	vadd.s32 $0x1085, v0;
	v23 =	vadd.s32 $0x2105, v0;
	s16 =	simm.s32 $0xBF58;
	s31 =	smax.u32 s5, $0x1;
	[dreg:$0xf] =	wrdreg s26  }
0x16: {  	v24 =	vadd.s32 $0x3185, v0;
	v25 =	vor.u32 $0x6, v0;
	v26 =	vadd.s32 $0x1086, v0;
	s8 =	simm.s32 $0xB400;
	s0 =	sor.u32 $0x400, s17;
	[dreg:$0x11] =	wrdreg s31  }
0x17: {  	v27 =	vadd.s32 $0x2106, v0;
	v28 =	vadd.s32 $0x3186, v0;
	v29 =	vor.u32 $0x7, v0;
	s17 =	simm.s32 $0xBD48;
	[dreg:$0xd] =	wrdreg s0;
	s0 =	sor.u32 $0x400, s25  }
0x18: {  	v30 =	vadd.s32 $0x1087, v0;
	v31 =	vadd.s32 $0x2107, v0;
	v32 =	vadd.s32 $0x3187, v0;
	s26 =	simm.s32 $0xC168;
	s25 =	simm.s32 $0x8200;
	[dreg:$0x10] =	wrdreg s0  }
.LBB2_1:
0x19: {  	[dreg:$0x12] =	wrdreg s2  }
0x1a: {  	s0 =	rddreg [dreg:$0x3]  }
0x1b: {  	[tilespmem:s3], [sflag:$0x3] =	stream.linear.gather [hbm4b:s0+s3], $0x100, $0x38;
	[tilespmem:$0xC400] =	vst v63  }
0x1c: {  	_ =	swait.ge [sflag:s20], $0x100  }
0x1d: {  	s22 =	simm.s32 $0x100;
	[sflag:s20] =	ssyncset.done $0x0  }
0x1e: {  	s23 =	simm.s32 $0x200;
	s31 =	simm.s32 $0x0;
	[sflag:s20] =	ssyncadd.s32 $0xFFFFFF00  }
0x1f: {  	[tilespmem:s23], [sflag:$0x1] =	stream.indirect.gather [hbm4b:s4+s22], $0x40, s3, s22, $0xb8;
	[tilespmem:$0xC400] =	vst v63  }
.LBB2_2:
0x20: {  	s2 =	sshll.u32 s31, $0xB  }
0x21: {  	s0 =	rddreg [dreg:$0x4];
	s19 =	simm.s32 $0x0;
	s5 =	simm.s32 $0x100  }
0x22: {  	s22 =	simm.s32 $0x2;
	s23 =	simm.s32 $0x3;
	s0 =	sadd.s32 s2, s0  }
0x23: {  	[tilespmem:s5], [sflag:$0x3] =	stream.linear.gather [hbm4b:s0+s19], $0x100, $0x38;
	[tilespmem:$0xC400] =	vst v63  }
0x24: {  	v33 =	vmov s19;
	v35 =	vmov s22;
	s22 =	simm.s32 $0x7;
	v36 =	vmov s23;
	s23 =	simm.s32 $0x6;
	_ =	swait.ge [sflag:s20], $0x100  }
0x25: {  	s19 =	simm.s32 $0x1;
	v33 =	vshrl.u32 v33, $0x3;
	v38 =	vmov s22;
	v40 =	vmov s23;
	[sflag:s20] =	ssyncset.done $0x0  }
0x26: {  	s6 =	simm.s32 $0x4200;
	v35 =	vshrl.u32 v35, $0x3;
	v36 =	vshrl.u32 v36, $0x3;
	v34 =	vmov s19;
	[sflag:s20] =	ssyncadd.s32 $0xFFFFFF00  }
0x27: {  	v33 =	vshll.u32 v33, v1;
	v38 =	vshrl.u32 v38, $0x3;
	v52 =	vshll.u32 v35, v1;
	[tilespmem:s6], [sflag:$0x2] =	stream.indirect.gather [hbm4b:s4+s5], $0x40, s5, s5, $0xb8;
	[tilespmem:$0xC400] =	vst v63  }
0x28: {  	v53 =	vshll.u32 v36, v1;
	v40 =	vshrl.u32 v40, $0x3;
	v38 =	vshll.u32 v38, v1;
	_ =	swait.ge [sflag:s24], $0x4000  }
0x29: {  	v34 =	vshrl.u32 v34, $0x3;
	v33 =	vbroadcast v33, $0x0;
	v38 =	vbroadcast v38, $0x0;
	[sflag:s24] =	ssyncset.done $0x0  }
0x2a: {  	s0 =	simm.s32 $0x300;
	v52 =	vbroadcast v52, $0x0;
	v35 =	vbroadcast v53, $0x0;
	v34 =	vshll.u32 v34, v1;
	s5 =	simm.s32 $0x4;
	[sflag:s24] =	ssyncadd.s32 $0xFFFFC000  }
0x2b: {  	s6 =	simm.s32 $0x5;
	v45 =	vbroadcast v34, $0x0;
	v37 =	vmov s5;
	v42 =	vadd.s32 v29, v38;
	v41 =	vld [tilespmem:s0+$0xC0]  }
0x2c: {  	v44 =	vadd.s32 v0, v33;
	v39 =	vmov s6;
	v37 =	vshrl.u32 v37, $0x3;
	v43 =	vld [tilespmem:s0+$0xFFFFFF00]  }
0x2d: {  	v47 =	vadd.s32 v5, v45;
	v55 =	vshrl.u32 v39, $0x3;
	v54 =	vshll.u32 v37, v1;
	v46 =	vld [tilespmem:s0+$0xFFFFFF40]  }
0x2e: {  	v49 =	vadd.s32 v9, v52;
	v36 =	vshll.u32 v55, v1;
	v48 =	vld [tilespmem:s0+$0xFFFFFF80];
	v34 =	vbroadcast v54, $0x0  }
0x2f: {  	v56 =	vshll.u32 v40, v1;
	v50 =	vadd.s32 v13, v35;
	v39 =	vld [tilespmem:s0+$0xFFFFFFC0];
	v37 =	vbroadcast v36, $0x0  }
0x30: {  	v51 =	vld [tilespmem:s0+$0x0];
	v36 =	vbroadcast v56, $0x0;
	v53 =	vadd.s32 v17, v34;
	[tilespmem:v42+s25+$0x0] =	vst.idx.msk $0xffff, v41  }
0x31: {  	v59 =	vld [tilespmem:s0+$0x40];
	v60 =	vadd.s32 v21, v37;
	[tilespmem:v44+s25+$0x0] =	vst.idx.msk $0xffff, v43  }
0x32: {  	v61 =	vld [tilespmem:s0+$0x80];
	v62 =	vadd.s32 v25, v36;
	[tilespmem:v47+s25+$0x0] =	vst.idx.msk $0xffff, v46  }
0x33: {  	v58 =	vadd.s32 v30, v38;
	[tilespmem:v49+s25+$0x0] =	vst.idx.msk $0xffff, v48;
	v57 =	vld [tilespmem:s0+$0xD0]  }
0x34: {  	v63 =	vadd.s32 v6, v45;
	[tilespmem:v50+s25+$0x0] =	vst.idx.msk $0xffff, v39;
	v47 =	vld [tilespmem:s0+$0xFFFFFF50]  }
0x35: {  	v55 =	vadd.s32 v10, v52;
	v54 =	vld [tilespmem:s0+$0xFFFFFF90];
	[tilespmem:v53+s25+$0x0] =	vst.idx.msk $0xffff, v51  }
0x36: {  	v56 =	vadd.s32 v14, v35;
	v50 =	vld [tilespmem:s0+$0xFFFFFFD0];
	[tilespmem:v60+s25+$0x0] =	vst.idx.msk $0xffff, v59  }
0x37: {  	[tilespmem:v62+s25+$0x0] =	vst.idx.msk $0xffff, v61;
	v61 =	vld [tilespmem:s0+$0xFFFFFF10];
	v62 =	vadd.s32 v2, v33  }
0x38: {  	v59 =	vadd.s32 v18, v34;
	[tilespmem:v58+s25+$0x0] =	vst.idx.msk $0xffff, v57;
	v58 =	vld [tilespmem:s0+$0x10]  }
0x39: {  	v57 =	vadd.s32 v31, v38;
	[tilespmem:v63+s25+$0x0] =	vst.idx.msk $0xffff, v47;
	v40 =	vld [tilespmem:s0+$0xE0]  }
0x3a: {  	v60 =	vadd.s32 v26, v36;
	[tilespmem:v55+s25+$0x0] =	vst.idx.msk $0xffff, v54;
	v63 =	vld [tilespmem:s0+$0x90]  }
0x3b: {  	v46 =	vadd.s32 v22, v37;
	v44 =	vld [tilespmem:s0+$0x50];
	[tilespmem:v56+s25+$0x0] =	vst.idx.msk $0xffff, v50  }
0x3c: {  	v51 =	vadd.s32 v7, v45;
	v50 =	vld [tilespmem:s0+$0xFFFFFF60];
	[tilespmem:v62+s25+$0x0] =	vst.idx.msk $0xffff, v61  }
0x3d: {  	v56 =	vadd.s32 v11, v52;
	v55 =	vld [tilespmem:s0+$0xFFFFFFA0];
	[tilespmem:v59+s25+$0x0] =	vst.idx.msk $0xffff, v58  }
0x3e: {  	v58 =	vadd.s32 v15, v35;
	[tilespmem:v57+s25+$0x0] =	vst.idx.msk $0xffff, v40;
	v57 =	vld [tilespmem:s0+$0xFFFFFFE0]  }
0x3f: {  	[tilespmem:v60+s25+$0x0] =	vst.idx.msk $0xffff, v63;
	v60 =	vadd.s32 v19, v34;
	v59 =	vld [tilespmem:s0+$0x20]  }
0x40: {  	v38 =	vadd.s32 v32, v38;
	[tilespmem:v46+s25+$0x0] =	vst.idx.msk $0xffff, v44;
	v54 =	vld [tilespmem:s0+$0xF0]  }
0x41: {  	s5 =	simm.s32 $0x8;
	s6 =	simm.s32 $0x9;
	v41 =	vadd.s32 v23, v37;
	v43 =	vadd.s32 v27, v36;
	[tilespmem:v51+s25+$0x0] =	vst.idx.msk $0xffff, v50;
	v40 =	vld [tilespmem:s0+$0x60]  }
0x42: {  	s23 =	simm.s32 $0xB;
	v48 =	vadd.s32 v3, v33;
	v53 =	vmov s6;
	v63 =	vmov s5;
	s5 =	simm.s32 $0xC;
	v42 =	vld [tilespmem:s0+$0xA0];
	[tilespmem:v56+s25+$0x0] =	vst.idx.msk $0xffff, v55  }
0x43: {  	v44 =	vmov s23;
	v46 =	vld [tilespmem:s0+$0xFFFFFF20];
	s23 =	simm.s32 $0xE;
	v39 =	vshrl.u32 v63, $0x3;
	v47 =	vmov s5;
	[tilespmem:v58+s25+$0x0] =	vst.idx.msk $0xffff, v57  }
0x44: {  	s22 =	simm.s32 $0xA;
	s6 =	simm.s32 $0xD;
	v51 =	vadd.s32 v8, v45;
	v49 =	vld [tilespmem:s0+$0xFFFFFF70];
	v45 =	vshll.u32 v39, v1;
	v39 =	vmov s23;
	[tilespmem:v60+s25+$0x0] =	vst.idx.msk $0xffff, v59  }
0x45: {  	s19 =	simm.s32 $0xF;
	v52 =	vadd.s32 v12, v52;
	v50 =	vld [tilespmem:s0+$0xFFFFFFB0];
	[tilespmem:v38+s25+$0x0] =	vst.idx.msk $0xffff, v54;
	v54 =	vmov s22;
	v38 =	vmov s6;
	s22 =	simm.s32 $0x10  }
.LBB2_3:
0x46: {  	p0 =	slt.u32 s22, $0xF8;
	v53 =	vshrl.u32 v53, $0x3;
	v55 =	vmov s19;
	v56 =	vld [tilespmem:s0+$0xFFFFFFF0];
	v35 =	vadd.s32 v16, v35;
	[tilespmem:v41+s25+$0x0] =	vst.idx.msk $0xffff, v40  }
0x47: {  	v40 =	vshrl.u32 v54, $0x3;
	v34 =	vadd.s32 v20, v34;
	v41 =	vshrl.u32 v55, $0x3;
	v54 =	vld [tilespmem:s0+$0x30];
	[tilespmem:v43+s25+$0x0] =	vst.idx.msk $0xffff, v42  }
0x48: {  	v37 =	vadd.s32 v24, v37;
	v42 =	vshrl.u32 v44, $0x3;
	v41 =	vshll.u32 v41, v1;
	[tilespmem:v48+s25+$0x0] =	vst.idx.msk $0xffff, v46;
	v43 =	vld [tilespmem:s0+$0x70]  }
0x49: {  	v36 =	vadd.s32 v28, v36;
	v44 =	vshrl.u32 v47, $0x3;
	v41 =	vbroadcast v41, $0x0;
	[tilespmem:v51+s25+$0x0] =	vst.idx.msk $0xffff, v49;
	v46 =	vld [tilespmem:s0+$0xB0]  }
0x4a: {  	v47 =	vshll.u32 v53, v1;
	v49 =	vadd.s32 v4, v33;
	v33 =	vbroadcast v45, $0x0;
	v48 =	vld [tilespmem:s0+$0xFFFFFF30];
	[tilespmem:v52+s25+$0x0] =	vst.idx.msk $0xffff, v50;
	s0 =	sadd.s32 $0x200, s0  }
0x4b: {  	v40 =	vshll.u32 v40, v1;
	v45 =	vbroadcast v47, $0x0;
	v47 =	vld [tilespmem:s0+$0xC0];
	v50 =	vadd.s32 v29, v41;
	[tilespmem:v35+s25+$0x0] =	vst.idx.msk $0xffff, v56  }
0x4c: {  	v55 =	vbroadcast v40, $0x0;
	v52 =	vadd.s32 v0, v33;
	v35 =	vshll.u32 v42, v1;
	v51 =	vld [tilespmem:s0+$0xFFFFFF00];
	[tilespmem:v34+s25+$0x0] =	vst.idx.msk $0xffff, v54  }
0x4d: {  	v42 =	vadd.s32 v5, v45;
	v35 =	vbroadcast v35, $0x0;
	v34 =	vshll.u32 v44, v1;
	v40 =	vld [tilespmem:s0+$0xFFFFFF40];
	[tilespmem:v37+s25+$0x0] =	vst.idx.msk $0xffff, v43  }
0x4e: {  	v44 =	vadd.s32 v9, v55;
	v34 =	vbroadcast v34, $0x0;
	v37 =	vshrl.u32 v38, $0x3;
	v43 =	vld [tilespmem:s0+$0xFFFFFF80];
	[tilespmem:v36+s25+$0x0] =	vst.idx.msk $0xffff, v46  }
0x4f: {  	v39 =	vshrl.u32 v39, $0x3;
	v46 =	vadd.s32 v13, v35;
	v36 =	vshll.u32 v37, v1;
	v38 =	vld [tilespmem:s0+$0xFFFFFFC0];
	[tilespmem:v49+s25+$0x0] =	vst.idx.msk $0xffff, v48  }
0x50: {  	v49 =	vadd.s32 v17, v34;
	v37 =	vbroadcast v36, $0x0;
	v36 =	vshll.u32 v39, v1;
	v48 =	vld [tilespmem:s0+$0x0];
	[tilespmem:v50+s25+$0x0] =	vst.idx.msk $0xffff, v47  }
0x51: {  	v36 =	vbroadcast v36, $0x0;
	v47 =	vadd.s32 v30, v41;
	[tilespmem:v52+s25+$0x0] =	vst.idx.msk $0xffff, v51;
	v39 =	vld [tilespmem:s0+$0xD0]  }
0x52: {  	[tilespmem:v42+s25+$0x0] =	vst.idx.msk $0xffff, v40;
	v40 =	vld [tilespmem:s0+$0x40];
	v42 =	vadd.s32 v21, v37  }
0x53: {  	[tilespmem:v44+s25+$0x0] =	vst.idx.msk $0xffff, v43;
	v43 =	vld [tilespmem:s0+$0x80];
	v44 =	vadd.s32 v25, v36  }
0x54: {  	v51 =	vadd.s32 v6, v45;
	v50 =	vld [tilespmem:s0+$0xFFFFFF50];
	[tilespmem:v46+s25+$0x0] =	vst.idx.msk $0xffff, v38  }
0x55: {  	v46 =	vadd.s32 v10, v55;
	v38 =	vld [tilespmem:s0+$0xFFFFFF90];
	[tilespmem:v49+s25+$0x0] =	vst.idx.msk $0xffff, v48  }
0x56: {  	v49 =	vadd.s32 v14, v35;
	v48 =	vld [tilespmem:s0+$0xFFFFFFD0];
	[tilespmem:v47+s25+$0x0] =	vst.idx.msk $0xffff, v39  }
0x57: {  	[tilespmem:v42+s25+$0x0] =	vst.idx.msk $0xffff, v40;
	v39 =	vld [tilespmem:s0+$0xE0];
	v40 =	vadd.s32 v31, v41  }
0x58: {  	v47 =	vadd.s32 v18, v34;
	v42 =	vld [tilespmem:s0+$0x10];
	[tilespmem:v44+s25+$0x0] =	vst.idx.msk $0xffff, v43  }
0x59: {  	v44 =	vadd.s32 v22, v37;
	[tilespmem:v51+s25+$0x0] =	vst.idx.msk $0xffff, v50;
	v43 =	vld [tilespmem:s0+$0x50]  }
0x5a: {  	[tilespmem:v46+s25+$0x0] =	vst.idx.msk $0xffff, v38;
	v38 =	vld [tilespmem:s0+$0x90];
	v46 =	vadd.s32 v26, v36  }
0x5b: {  	v51 =	vadd.s32 v2, v33;
	v50 =	vld [tilespmem:s0+$0xFFFFFF10];
	[tilespmem:v49+s25+$0x0] =	vst.idx.msk $0xffff, v48  }
0x5c: {  	v49 =	vadd.s32 v7, v45;
	v48 =	vld [tilespmem:s0+$0xFFFFFF60];
	[tilespmem:v40+s25+$0x0] =	vst.idx.msk $0xffff, v39  }
0x5d: {  	[tilespmem:v47+s25+$0x0] =	vst.idx.msk $0xffff, v42;
	v39 =	vld [tilespmem:s0+$0xF0];
	v47 =	vadd.s32 v32, v41  }
0x5e: {  	v56 =	vadd.s32 v11, v55;
	v52 =	vld [tilespmem:s0+$0xFFFFFFA0];
	[tilespmem:v44+s25+$0x0] =	vst.idx.msk $0xffff, v43  }
0x5f: {  	v58 =	vadd.s32 v15, v35;
	v57 =	vld [tilespmem:s0+$0xFFFFFFE0];
	[tilespmem:v46+s25+$0x0] =	vst.idx.msk $0xffff, v38  }
0x60: {  	v60 =	vadd.s32 v19, v34;
	[tilespmem:v51+s25+$0x0] =	vst.idx.msk $0xffff, v50;
	v59 =	vld [tilespmem:s0+$0x20]  }
.Ltmp0:
0x61: {  	s19 =	sadd.s32 $0x1, s22;
	v41 =	vadd.s32 v23, v37;
	v38 =	vmov s22;
	[tilespmem:v49+s25+$0x0] =	vst.idx.msk $0xffff, v48;
	v40 =	vld [tilespmem:s0+$0x60];
	(pc) =	sbr.rel @p0 .LBB2_3-.Ltmp0, $4  }
0x62: {  	s5 =	sadd.s32 $0x3, s22;
	v53 =	vmov s19;
	s19 =	sadd.s32 $0x2, s22;
	v43 =	vadd.s32 v27, v36;
	v50 =	vshrl.u32 v38, $0x3;
	v42 =	vld [tilespmem:s0+$0xA0];
	[tilespmem:v47+s25+$0x0] =	vst.idx.msk $0xffff, v39  }
0x63: {  	v54 =	vmov s19;
	s19 =	sadd.s32 $0x5, s22;
	v44 =	vmov s5;
	s5 =	sadd.s32 $0x4, s22;
	v48 =	vadd.s32 v3, v33;
	v46 =	vld [tilespmem:s0+$0xFFFFFF20];
	[tilespmem:v56+s25+$0x0] =	vst.idx.msk $0xffff, v52  }
0x64: {  	v38 =	vmov s19;
	v51 =	vadd.s32 v8, v45;
	v47 =	vmov s5;
	s5 =	sadd.s32 $0x6, s22;
	v49 =	vld [tilespmem:s0+$0xFFFFFF70];
	[tilespmem:v58+s25+$0x0] =	vst.idx.msk $0xffff, v57  }
0x65: {  	s19 =	sadd.s32 $0x7, s22;
	v45 =	vshll.u32 v50, v1;
	s22 =	sadd.s32 $0x8, s22;
	v39 =	vmov s5;
	v52 =	vadd.s32 v12, v55;
	v50 =	vld [tilespmem:s0+$0xFFFFFFB0];
	[tilespmem:v60+s25+$0x0] =	vst.idx.msk $0xffff, v59  }
0x66: {  	_ =	sdelay $0x2  }
0x67: {  	v53 =	vshrl.u32 v53, $0x3;
	v55 =	vmov s19  }
0x68: {  	v56 =	vld [tilespmem:s0+$0xFFFFFFF0];
	v35 =	vadd.s32 v16, v35;
	[tilespmem:v41+s25+$0x0] =	vst.idx.msk $0xffff, v40;
	v61 =	vshrl.u32 v54, $0x3;
	v34 =	vadd.s32 v20, v34  }
0x69: {  	v63 =	vld [tilespmem:s0+$0x30];
	v37 =	vadd.s32 v24, v37;
	v36 =	vadd.s32 v28, v36;
	v45 =	vbroadcast v45, $0x0;
	[tilespmem:v43+s25+$0x0] =	vst.idx.msk $0xffff, v42  }
0x6a: {  	v33 =	vadd.s32 v4, v33;
	v38 =	vshrl.u32 v38, $0x3;
	v39 =	vshrl.u32 v39, $0x3;
	v43 =	vld [tilespmem:s0+$0x70];
	[tilespmem:v48+s25+$0x0] =	vst.idx.msk $0xffff, v46  }
0x6b: {  	s5 =	sadd.s32 $0x200, s0;
	v62 =	vshrl.u32 v55, $0x3;
	v55 =	vshrl.u32 v44, $0x3;
	v40 =	vshll.u32 v61, v1;
	v46 =	vld [tilespmem:s0+$0xB0];
	[tilespmem:v51+s25+$0x0] =	vst.idx.msk $0xffff, v49  }
0x6c: {  	v60 =	vld [tilespmem:s5+$0xFFFFFF00];
	v41 =	vshll.u32 v62, v1;
	v61 =	vadd.s32 v0, v45;
	v40 =	vbroadcast v40, $0x0;
	[tilespmem:v52+s25+$0x0] =	vst.idx.msk $0xffff, v50  }
0x6d: {  	v44 =	vshrl.u32 v47, $0x3;
	v57 =	vshll.u32 v53, v1;
	v41 =	vbroadcast v41, $0x0;
	v48 =	vld [tilespmem:s0+$0xFFFFFF30];
	[tilespmem:v35+s25+$0x0] =	vst.idx.msk $0xffff, v56  }
0x6e: {  	v54 =	vld [tilespmem:s5+$0xFFFFFF80];
	v47 =	vbroadcast v57, $0x0;
	v42 =	vshll.u32 v55, v1;
	v55 =	vadd.s32 v9, v40;
	[tilespmem:v34+s25+$0x0] =	vst.idx.msk $0xffff, v63  }
0x6f: {  	v58 =	vld [tilespmem:s5+$0xC0];
	v39 =	vshll.u32 v39, v1;
	v42 =	vbroadcast v42, $0x0;
	v59 =	vadd.s32 v29, v41;
	[tilespmem:v37+s25+$0x0] =	vst.idx.msk $0xffff, v43  }
0x70: {  	v62 =	vld [tilespmem:s5+$0xFFFFFF40];
	v44 =	vshll.u32 v44, v1;
	v63 =	vadd.s32 v5, v47;
	v35 =	vbroadcast v39, $0x0;
	[tilespmem:v36+s25+$0x0] =	vst.idx.msk $0xffff, v46  }
0x71: {  	v38 =	vshll.u32 v38, v1;
	v44 =	vbroadcast v44, $0x0;
	v36 =	vld [tilespmem:s5+$0xFFFFFFC0];
	v46 =	vadd.s32 v13, v42;
	[tilespmem:v61+s25+$0x0] =	vst.idx.msk $0xffff, v60  }
0x72: {  	v38 =	vbroadcast v38, $0x0;
	v60 =	vld [tilespmem:s5+$0x80];
	v61 =	vadd.s32 v25, v35;
	[tilespmem:v33+s25+$0x0] =	vst.idx.msk $0xffff, v48  }
0x73: {  	v33 =	vld [tilespmem:s5+$0x0];
	v48 =	vadd.s32 v17, v44;
	[tilespmem:v55+s25+$0x0] =	vst.idx.msk $0xffff, v54  }
0x74: {  	[tilespmem:v59+s25+$0x0] =	vst.idx.msk $0xffff, v58;
	v58 =	vld [tilespmem:s5+$0x40];
	v59 =	vadd.s32 v21, v38  }
0x75: {  	v57 =	vadd.s32 v30, v41;
	[tilespmem:v63+s25+$0x0] =	vst.idx.msk $0xffff, v62;
	v56 =	vld [tilespmem:s5+$0xD0]  }
0x76: {  	v55 =	vadd.s32 v10, v40;
	v54 =	vld [tilespmem:s5+$0xFFFFFF90];
	[tilespmem:v46+s25+$0x0] =	vst.idx.msk $0xffff, v36  }
0x77: {  	v63 =	vadd.s32 v6, v47;
	v62 =	vld [tilespmem:s5+$0xFFFFFF50];
	[tilespmem:v61+s25+$0x0] =	vst.idx.msk $0xffff, v60  }
0x78: {  	[tilespmem:v48+s25+$0x0] =	vst.idx.msk $0xffff, v33;
	v33 =	vld [tilespmem:s5+$0xFFFFFFD0];
	v48 =	vadd.s32 v14, v42  }
0x79: {  	v61 =	vadd.s32 v26, v35;
	v60 =	vld [tilespmem:s5+$0x90];
	[tilespmem:v59+s25+$0x0] =	vst.idx.msk $0xffff, v58  }
0x7a: {  	[tilespmem:v57+s25+$0x0] =	vst.idx.msk $0xffff, v56;
	v56 =	vld [tilespmem:s5+$0x10];
	v57 =	vadd.s32 v18, v44  }
0x7b: {  	v59 =	vadd.s32 v22, v38;
	[tilespmem:v55+s25+$0x0] =	vst.idx.msk $0xffff, v54;
	v58 =	vld [tilespmem:s5+$0x50]  }
0x7c: {  	[tilespmem:v63+s25+$0x0] =	vst.idx.msk $0xffff, v62;
	v62 =	vld [tilespmem:s5+$0xFFFFFF10];
	v63 =	vadd.s32 v2, v45  }
0x7d: {  	v39 =	vadd.s32 v31, v41;
	v34 =	vld [tilespmem:s5+$0xE0];
	[tilespmem:v48+s25+$0x0] =	vst.idx.msk $0xffff, v33  }
0x7e: {  	v55 =	vadd.s32 v7, v47;
	v54 =	vld [tilespmem:s5+$0xFFFFFF60];
	[tilespmem:v61+s25+$0x0] =	vst.idx.msk $0xffff, v60  }
0x7f: {  	[tilespmem:v57+s25+$0x0] =	vst.idx.msk $0xffff, v56;
	v56 =	vadd.s32 v32, v41;
	v41 =	vld [tilespmem:s5+$0xFFFFFFA0];
	v57 =	vadd.s32 v11, v40  }
0x80: {  	v37 =	vld [tilespmem:s5+$0xFFFFFFE0];
	[tilespmem:v59+s25+$0x0] =	vst.idx.msk $0xffff, v58;
	v58 =	vadd.s32 v15, v42  }
0x81: {  	v60 =	vadd.s32 v19, v44;
	[tilespmem:v63+s25+$0x0] =	vst.idx.msk $0xffff, v62;
	v59 =	vld [tilespmem:s5+$0x20]  }
0x82: {  	v62 =	vadd.s32 v23, v38;
	[tilespmem:v39+s25+$0x0] =	vst.idx.msk $0xffff, v34;
	v61 =	vld [tilespmem:s5+$0x60]  }
0x83: {  	[tilespmem:v55+s25+$0x0] =	vst.idx.msk $0xffff, v54;
	v34 =	vld [tilespmem:s5+$0xF0]  }
0x84: {  	v63 =	vld [tilespmem:s5+$0xA0];
	v54 =	vadd.s32 v27, v35;
	[tilespmem:v57+s25+$0x0] =	vst.idx.msk $0xffff, v41  }
0x85: {  	v47 =	vadd.s32 v8, v47;
	v57 =	vld [tilespmem:s5+$0xFFFFFF70];
	[tilespmem:v58+s25+$0x0] =	vst.idx.msk $0xffff, v37  }
0x86: {  	v40 =	vadd.s32 v12, v40;
	v58 =	vld [tilespmem:s5+$0xFFFFFFB0];
	[tilespmem:v60+s25+$0x0] =	vst.idx.msk $0xffff, v59  }
0x87: {  	v42 =	vadd.s32 v16, v42;
	v59 =	vld [tilespmem:s5+$0xFFFFFFF0];
	[tilespmem:v62+s25+$0x0] =	vst.idx.msk $0xffff, v61  }
0x88: {  	v55 =	vld [tilespmem:s5+$0xFFFFFF20];
	[tilespmem:v56+s25+$0x0] =	vst.idx.msk $0xffff, v34;
	v56 =	vadd.s32 v3, v45  }
0x89: {  	v61 =	vadd.s32 v20, v44;
	[tilespmem:v54+s25+$0x0] =	vst.idx.msk $0xffff, v63;
	v60 =	vld [tilespmem:s5+$0x30]  }
0x8a: {  	v38 =	vadd.s32 v24, v38;
	v62 =	vld [tilespmem:s5+$0x70];
	[tilespmem:v47+s25+$0x0] =	vst.idx.msk $0xffff, v57  }
0x8b: {  	[tilespmem:v40+s25+$0x0] =	vst.idx.msk $0xffff, v58  }
0x8c: {  	[tilespmem:v42+s25+$0x0] =	vst.idx.msk $0xffff, v59  }
0x8d: {  	v35 =	vadd.s32 v28, v35;
	v63 =	vld [tilespmem:s5+$0xB0];
	[tilespmem:v56+s25+$0x0] =	vst.idx.msk $0xffff, v55  }
0x8e: {  	v49 =	vadd.s32 v4, v45;
	[tilespmem:v61+s25+$0x0] =	vst.idx.msk $0xffff, v60;
	v48 =	vld [tilespmem:s5+$0xFFFFFF30]  }
0x8f: {  	[tilespmem:v38+s25+$0x0] =	vst.idx.msk $0xffff, v62  }
0x90: {  	s0 =	sshll.u32 s31, $0x14;
	s5 =	rddreg [dreg:$0x5]  }
0x91: {  	s5 =	sor.u32 s5, s0  }
0x92: {  	[tilespmem:v35+s25+$0x0] =	vst.idx.msk $0xffff, v63;
	s22 =	sshrl.u32 s5, $0x3  }
0x93: {  	s5 =	sadd.s32 s1, s22;
	[tilespmem:v49+s25+$0x0] =	vst.idx.msk $0xffff, v48  }
0x94: {  	[hbm4b:s5+s3] =	stream.linear.scatter [tilespmem:s25], [sflag:$0x3], $0x80, $0x38;
	[tilespmem:$0xC400] =	vst v63  }
0x95: {  	s23 =	simm.s32 $0x8308;
	s6 =	sadd.s32 $0x10, s5  }
0x96: {  	[hbm4b:s6+s3] =	stream.linear.scatter [tilespmem:s23], [sflag:$0x3], $0x80, $0x38;
	[tilespmem:$0xC400] =	vst v63  }
0x97: {  	s6 =	sadd.s32 $0x20, s5;
	s23 =	simm.s32 $0x8410  }
0x98: {  	[hbm4b:s6+s3] =	stream.linear.scatter [tilespmem:s23], [sflag:$0x3], $0x80, $0x38;
	[tilespmem:$0xC400] =	vst v63  }
0x99: {  	s19 =	sadd.s32 $0x30, s5;
	s6 =	simm.s32 $0x8518  }
0x9a: {  	[hbm4b:s19+s3] =	stream.linear.scatter [tilespmem:s6], [sflag:$0x3], $0x80, $0x38;
	[tilespmem:$0xC400] =	vst v63  }
0x9b: {  	s19 =	sadd.s32 $0x40, s5;
	s6 =	simm.s32 $0x8620  }
0x9c: {  	[hbm4b:s19+s3] =	stream.linear.scatter [tilespmem:s6], [sflag:$0x3], $0x80, $0x38;
	[tilespmem:$0xC400] =	vst v63  }
0x9d: {  	s19 =	sadd.s32 $0x50, s5;
	s6 =	simm.s32 $0x8728  }
0x9e: {  	[hbm4b:s19+s3] =	stream.linear.scatter [tilespmem:s6], [sflag:$0x3], $0x80, $0x38;
	[tilespmem:$0xC400] =	vst v63  }
0x9f: {  	s19 =	sadd.s32 $0x60, s5;
	s6 =	simm.s32 $0x8830  }
0xa0: {  	[hbm4b:s19+s3] =	stream.linear.scatter [tilespmem:s6], [sflag:$0x3], $0x80, $0x38;
	[tilespmem:$0xC400] =	vst v63  }
0xa1: {  	s5 =	sadd.s32 $0x70, s5;
	s19 =	simm.s32 $0x8938  }
0xa2: {  	[hbm4b:s5+s3] =	stream.linear.scatter [tilespmem:s19], [sflag:$0x3], $0x80, $0x38;
	[tilespmem:$0xC400] =	vst v63  }
0xa3: {  	_ =	swait.ge [sflag:s20], $0x400  }
0xa4: {  	[sflag:s20] =	ssyncset.done $0x0;
	s6 =	rddreg [dreg:$0x6]  }
0xa5: {  	s19 =	simm.s32 $0x8A40;
	[sflag:s20] =	ssyncadd.s32 $0xFFFFFC00;
	s5 =	sadd.s32 s22, s6  }
0xa6: {  	[hbm4b:s5+s3] =	stream.linear.scatter [tilespmem:s19], [sflag:$0x3], $0x80, $0x38;
	[tilespmem:$0xC400] =	vst v63  }
0xa7: {  	s6 =	simm.s32 $0x8B48;
	s19 =	sadd.s32 $0x10, s5  }
0xa8: {  	[hbm4b:s19+s3] =	stream.linear.scatter [tilespmem:s6], [sflag:$0x3], $0x80, $0x38;
	[tilespmem:$0xC400] =	vst v63  }
0xa9: {  	s19 =	sadd.s32 $0x20, s5;
	s6 =	simm.s32 $0x8C50  }
0xaa: {  	[hbm4b:s19+s3] =	stream.linear.scatter [tilespmem:s6], [sflag:$0x3], $0x80, $0x38;
	[tilespmem:$0xC400] =	vst v63  }
0xab: {  	s19 =	sadd.s32 $0x30, s5;
	s6 =	simm.s32 $0x8D58  }
0xac: {  	[hbm4b:s19+s3] =	stream.linear.scatter [tilespmem:s6], [sflag:$0x3], $0x80, $0x38;
	[tilespmem:$0xC400] =	vst v63  }
0xad: {  	s19 =	sadd.s32 $0x40, s5;
	s6 =	simm.s32 $0x8E60  }
0xae: {  	[hbm4b:s19+s3] =	stream.linear.scatter [tilespmem:s6], [sflag:$0x3], $0x80, $0x38;
	[tilespmem:$0xC400] =	vst v63  }
0xaf: {  	s19 =	sadd.s32 $0x50, s5;
	s6 =	simm.s32 $0x8F68  }
0xb0: {  	[hbm4b:s19+s3] =	stream.linear.scatter [tilespmem:s6], [sflag:$0x3], $0x80, $0x38;
	[tilespmem:$0xC400] =	vst v63  }
0xb1: {  	s19 =	sadd.s32 $0x60, s5;
	s6 =	simm.s32 $0x9070  }
0xb2: {  	[hbm4b:s19+s3] =	stream.linear.scatter [tilespmem:s6], [sflag:$0x3], $0x80, $0x38;
	[tilespmem:$0xC400] =	vst v63  }
0xb3: {  	s5 =	sadd.s32 $0x70, s5;
	s19 =	simm.s32 $0x9178  }
0xb4: {  	[hbm4b:s5+s3] =	stream.linear.scatter [tilespmem:s19], [sflag:$0x3], $0x80, $0x38;
	[tilespmem:$0xC400] =	vst v63  }
0xb5: {  	_ =	swait.ge [sflag:s20], $0x400  }
0xb6: {  	[sflag:s20] =	ssyncset.done $0x0;
	s6 =	rddreg [dreg:$0x7]  }
0xb7: {  	s19 =	simm.s32 $0x9280;
	[sflag:s20] =	ssyncadd.s32 $0xFFFFFC00;
	s5 =	sadd.s32 s22, s6  }
0xb8: {  	[hbm4b:s5+s3] =	stream.linear.scatter [tilespmem:s19], [sflag:$0x3], $0x80, $0x38;
	[tilespmem:$0xC400] =	vst v63  }
0xb9: {  	s6 =	simm.s32 $0x9388;
	s19 =	sadd.s32 $0x10, s5  }
0xba: {  	[hbm4b:s19+s3] =	stream.linear.scatter [tilespmem:s6], [sflag:$0x3], $0x80, $0x38;
	[tilespmem:$0xC400] =	vst v63  }
0xbb: {  	s19 =	sadd.s32 $0x20, s5;
	s6 =	simm.s32 $0x9490  }
0xbc: {  	[hbm4b:s19+s3] =	stream.linear.scatter [tilespmem:s6], [sflag:$0x3], $0x80, $0x38;
	[tilespmem:$0xC400] =	vst v63  }
0xbd: {  	s19 =	sadd.s32 $0x30, s5;
	s6 =	simm.s32 $0x9598  }
0xbe: {  	[hbm4b:s19+s3] =	stream.linear.scatter [tilespmem:s6], [sflag:$0x3], $0x80, $0x38;
	[tilespmem:$0xC400] =	vst v63  }
0xbf: {  	s19 =	sadd.s32 $0x40, s5;
	s6 =	simm.s32 $0x96A0  }
0xc0: {  	[hbm4b:s19+s3] =	stream.linear.scatter [tilespmem:s6], [sflag:$0x3], $0x80, $0x38;
	[tilespmem:$0xC400] =	vst v63  }
0xc1: {  	s19 =	sadd.s32 $0x50, s5;
	s6 =	simm.s32 $0x97A8  }
0xc2: {  	[hbm4b:s19+s3] =	stream.linear.scatter [tilespmem:s6], [sflag:$0x3], $0x80, $0x38;
	[tilespmem:$0xC400] =	vst v63  }
0xc3: {  	s19 =	sadd.s32 $0x60, s5;
	s6 =	simm.s32 $0x98B0  }
0xc4: {  	[hbm4b:s19+s3] =	stream.linear.scatter [tilespmem:s6], [sflag:$0x3], $0x80, $0x38;
	[tilespmem:$0xC400] =	vst v63  }
0xc5: {  	s5 =	sadd.s32 $0x70, s5;
	s19 =	simm.s32 $0x99B8  }
0xc6: {  	[hbm4b:s5+s3] =	stream.linear.scatter [tilespmem:s19], [sflag:$0x3], $0x80, $0x38;
	[tilespmem:$0xC400] =	vst v63  }
0xc7: {  	_ =	swait.ge [sflag:s20], $0x400  }
0xc8: {  	[sflag:s20] =	ssyncset.done $0x0;
	s6 =	rddreg [dreg:$0x8]  }
0xc9: {  	s19 =	simm.s32 $0x9AC0;
	[sflag:s20] =	ssyncadd.s32 $0xFFFFFC00;
	s5 =	sadd.s32 s22, s6  }
0xca: {  	[hbm4b:s5+s3] =	stream.linear.scatter [tilespmem:s19], [sflag:$0x3], $0x80, $0x38;
	[tilespmem:$0xC400] =	vst v63  }
0xcb: {  	s6 =	simm.s32 $0x9BC8;
	s19 =	sadd.s32 $0x10, s5  }
0xcc: {  	[hbm4b:s19+s3] =	stream.linear.scatter [tilespmem:s6], [sflag:$0x3], $0x80, $0x38;
	[tilespmem:$0xC400] =	vst v63  }
0xcd: {  	s19 =	sadd.s32 $0x20, s5;
	s6 =	simm.s32 $0x9CD0  }
0xce: {  	[hbm4b:s19+s3] =	stream.linear.scatter [tilespmem:s6], [sflag:$0x3], $0x80, $0x38;
	[tilespmem:$0xC400] =	vst v63  }
0xcf: {  	s19 =	sadd.s32 $0x30, s5;
	s6 =	simm.s32 $0x9DD8  }
0xd0: {  	[hbm4b:s19+s3] =	stream.linear.scatter [tilespmem:s6], [sflag:$0x3], $0x80, $0x38;
	[tilespmem:$0xC400] =	vst v63  }
0xd1: {  	s19 =	sadd.s32 $0x40, s5;
	s6 =	simm.s32 $0x9EE0  }
0xd2: {  	[hbm4b:s19+s3] =	stream.linear.scatter [tilespmem:s6], [sflag:$0x3], $0x80, $0x38;
	[tilespmem:$0xC400] =	vst v63  }
0xd3: {  	s19 =	sadd.s32 $0x50, s5;
	s6 =	simm.s32 $0x9FE8  }
0xd4: {  	[hbm4b:s19+s3] =	stream.linear.scatter [tilespmem:s6], [sflag:$0x3], $0x80, $0x38;
	[tilespmem:$0xC400] =	vst v63  }
0xd5: {  	s19 =	sadd.s32 $0x60, s5;
	s6 =	simm.s32 $0xA0F0  }
0xd6: {  	[hbm4b:s19+s3] =	stream.linear.scatter [tilespmem:s6], [sflag:$0x3], $0x80, $0x38;
	[tilespmem:$0xC400] =	vst v63  }
0xd7: {  	s5 =	sadd.s32 $0x70, s5;
	s19 =	simm.s32 $0xA1F8  }
0xd8: {  	[hbm4b:s5+s3] =	stream.linear.scatter [tilespmem:s19], [sflag:$0x3], $0x80, $0x38;
	[tilespmem:$0xC400] =	vst v63  }
0xd9: {  	_ =	swait.ge [sflag:s20], $0x400  }
0xda: {  	[sflag:s20] =	ssyncset.done $0x0;
	s6 =	rddreg [dreg:$0x9]  }
0xdb: {  	s19 =	simm.s32 $0xA300;
	[sflag:s20] =	ssyncadd.s32 $0xFFFFFC00;
	s5 =	sadd.s32 s22, s6  }
0xdc: {  	[hbm4b:s5+s3] =	stream.linear.scatter [tilespmem:s19], [sflag:$0x3], $0x80, $0x38;
	[tilespmem:$0xC400] =	vst v63  }
0xdd: {  	s6 =	simm.s32 $0xA408;
	s19 =	sadd.s32 $0x10, s5  }
0xde: {  	[hbm4b:s19+s3] =	stream.linear.scatter [tilespmem:s6], [sflag:$0x3], $0x80, $0x38;
	[tilespmem:$0xC400] =	vst v63  }
0xdf: {  	s19 =	sadd.s32 $0x20, s5;
	s6 =	simm.s32 $0xA510  }
0xe0: {  	[hbm4b:s19+s3] =	stream.linear.scatter [tilespmem:s6], [sflag:$0x3], $0x80, $0x38;
	[tilespmem:$0xC400] =	vst v63  }
0xe1: {  	s19 =	sadd.s32 $0x30, s5;
	s6 =	simm.s32 $0xA618  }
0xe2: {  	[hbm4b:s19+s3] =	stream.linear.scatter [tilespmem:s6], [sflag:$0x3], $0x80, $0x38;
	[tilespmem:$0xC400] =	vst v63  }
0xe3: {  	s19 =	sadd.s32 $0x40, s5;
	s6 =	simm.s32 $0xA720  }
0xe4: {  	[hbm4b:s19+s3] =	stream.linear.scatter [tilespmem:s6], [sflag:$0x3], $0x80, $0x38;
	[tilespmem:$0xC400] =	vst v63  }
0xe5: {  	s19 =	sadd.s32 $0x50, s5;
	s6 =	simm.s32 $0xA828  }
0xe6: {  	[hbm4b:s19+s3] =	stream.linear.scatter [tilespmem:s6], [sflag:$0x3], $0x80, $0x38;
	[tilespmem:$0xC400] =	vst v63  }
0xe7: {  	s19 =	sadd.s32 $0x60, s5;
	s6 =	simm.s32 $0xA930  }
0xe8: {  	[hbm4b:s19+s3] =	stream.linear.scatter [tilespmem:s6], [sflag:$0x3], $0x80, $0x38;
	[tilespmem:$0xC400] =	vst v63  }
0xe9: {  	s5 =	sadd.s32 $0x70, s5;
	s19 =	simm.s32 $0xAA38  }
0xea: {  	[hbm4b:s5+s3] =	stream.linear.scatter [tilespmem:s19], [sflag:$0x3], $0x80, $0x38;
	[tilespmem:$0xC400] =	vst v63  }
0xeb: {  	_ =	swait.ge [sflag:s20], $0x400  }
0xec: {  	[sflag:s20] =	ssyncset.done $0x0;
	s6 =	rddreg [dreg:$0xa]  }
0xed: {  	s19 =	simm.s32 $0xAB40;
	[sflag:s20] =	ssyncadd.s32 $0xFFFFFC00;
	s5 =	sadd.s32 s22, s6  }
0xee: {  	[hbm4b:s5+s3] =	stream.linear.scatter [tilespmem:s19], [sflag:$0x3], $0x80, $0x38;
	[tilespmem:$0xC400] =	vst v63  }
0xef: {  	s6 =	simm.s32 $0xAC48;
	s19 =	sadd.s32 $0x10, s5  }
0xf0: {  	[hbm4b:s19+s3] =	stream.linear.scatter [tilespmem:s6], [sflag:$0x3], $0x80, $0x38;
	[tilespmem:$0xC400] =	vst v63  }
0xf1: {  	s19 =	sadd.s32 $0x20, s5;
	s6 =	simm.s32 $0xAD50  }
0xf2: {  	[hbm4b:s19+s3] =	stream.linear.scatter [tilespmem:s6], [sflag:$0x3], $0x80, $0x38;
	[tilespmem:$0xC400] =	vst v63  }
0xf3: {  	s19 =	sadd.s32 $0x30, s5;
	s6 =	simm.s32 $0xAE58  }
0xf4: {  	[hbm4b:s19+s3] =	stream.linear.scatter [tilespmem:s6], [sflag:$0x3], $0x80, $0x38;
	[tilespmem:$0xC400] =	vst v63  }
0xf5: {  	s19 =	sadd.s32 $0x40, s5;
	s6 =	simm.s32 $0xAF60  }
0xf6: {  	[hbm4b:s19+s3] =	stream.linear.scatter [tilespmem:s6], [sflag:$0x3], $0x80, $0x38;
	[tilespmem:$0xC400] =	vst v63  }
0xf7: {  	s19 =	sadd.s32 $0x50, s5;
	s6 =	simm.s32 $0xB068  }
0xf8: {  	[hbm4b:s19+s3] =	stream.linear.scatter [tilespmem:s6], [sflag:$0x3], $0x80, $0x38;
	[tilespmem:$0xC400] =	vst v63  }
0xf9: {  	s19 =	sadd.s32 $0x60, s5;
	s6 =	simm.s32 $0xB170  }
0xfa: {  	[hbm4b:s19+s3] =	stream.linear.scatter [tilespmem:s6], [sflag:$0x3], $0x80, $0x38;
	[tilespmem:$0xC400] =	vst v63  }
0xfb: {  	s5 =	sadd.s32 $0x70, s5;
	s19 =	simm.s32 $0xB278  }
0xfc: {  	[hbm4b:s5+s3] =	stream.linear.scatter [tilespmem:s19], [sflag:$0x3], $0x80, $0x38;
	[tilespmem:$0xC400] =	vst v63  }
0xfd: {  	_ =	swait.ge [sflag:s20], $0x400  }
0xfe: {  	[sflag:s20] =	ssyncset.done $0x0;
	s6 =	rddreg [dreg:$0xb]  }
0xff: {  	s19 =	simm.s32 $0xB380;
	[sflag:s20] =	ssyncadd.s32 $0xFFFFFC00;
	s5 =	sadd.s32 s22, s6  }
0x100: {  	[hbm4b:s5+s3] =	stream.linear.scatter [tilespmem:s19], [sflag:$0x3], $0x80, $0x38;
	[tilespmem:$0xC400] =	vst v63  }
0x101: {  	s6 =	simm.s32 $0xB488;
	s19 =	sadd.s32 $0x10, s5  }
0x102: {  	[hbm4b:s19+s3] =	stream.linear.scatter [tilespmem:s6], [sflag:$0x3], $0x80, $0x38;
	[tilespmem:$0xC400] =	vst v63  }
0x103: {  	s19 =	sadd.s32 $0x20, s5;
	s6 =	simm.s32 $0xB590  }
0x104: {  	[hbm4b:s19+s3] =	stream.linear.scatter [tilespmem:s6], [sflag:$0x3], $0x80, $0x38;
	[tilespmem:$0xC400] =	vst v63  }
0x105: {  	s19 =	sadd.s32 $0x30, s5;
	s6 =	simm.s32 $0xB698  }
0x106: {  	[hbm4b:s19+s3] =	stream.linear.scatter [tilespmem:s6], [sflag:$0x3], $0x80, $0x38;
	[tilespmem:$0xC400] =	vst v63  }
0x107: {  	s19 =	sadd.s32 $0x40, s5;
	s6 =	simm.s32 $0xB7A0  }
0x108: {  	[hbm4b:s19+s3] =	stream.linear.scatter [tilespmem:s6], [sflag:$0x3], $0x80, $0x38;
	[tilespmem:$0xC400] =	vst v63  }
0x109: {  	s19 =	sadd.s32 $0x50, s5;
	s6 =	simm.s32 $0xB8A8  }
0x10a: {  	[hbm4b:s19+s3] =	stream.linear.scatter [tilespmem:s6], [sflag:$0x3], $0x80, $0x38;
	[tilespmem:$0xC400] =	vst v63  }
0x10b: {  	s19 =	sadd.s32 $0x60, s5;
	s6 =	simm.s32 $0xB9B0  }
0x10c: {  	[hbm4b:s19+s3] =	stream.linear.scatter [tilespmem:s6], [sflag:$0x3], $0x80, $0x38;
	[tilespmem:$0xC400] =	vst v63  }
0x10d: {  	s5 =	sadd.s32 $0x70, s5;
	s19 =	simm.s32 $0xBAB8  }
0x10e: {  	[hbm4b:s5+s3] =	stream.linear.scatter [tilespmem:s19], [sflag:$0x3], $0x80, $0x38;
	[tilespmem:$0xC400] =	vst v63  }
0x10f: {  	_ =	swait.ge [sflag:s20], $0x400  }
0x110: {  	[sflag:s20] =	ssyncset.done $0x0;
	s19 =	rddreg [dreg:$0xc]  }
0x111: {  	[sflag:s20] =	ssyncadd.s32 $0xFFFFFC00;
	s5 =	sadd.s32 s22, s19;
	s22 =	simm.s32 $0xBBC0  }
0x112: {  	[hbm4b:s5+s3] =	stream.linear.scatter [tilespmem:s22], [sflag:$0x3], $0x80, $0x38;
	[tilespmem:$0xC400] =	vst v63  }
0x113: {  	s6 =	sadd.s32 $0x10, s5;
	s22 =	simm.s32 $0xBCC8  }
0x114: {  	[hbm4b:s6+s3] =	stream.linear.scatter [tilespmem:s22], [sflag:$0x3], $0x80, $0x38;
	[tilespmem:$0xC400] =	vst v63  }
0x115: {  	s6 =	sadd.s32 $0x20, s5;
	s22 =	simm.s32 $0xBDD0  }
0x116: {  	[hbm4b:s6+s3] =	stream.linear.scatter [tilespmem:s22], [sflag:$0x3], $0x80, $0x38;
	[tilespmem:$0xC400] =	vst v63  }
0x117: {  	s6 =	sadd.s32 $0x30, s5;
	s22 =	simm.s32 $0xBED8  }
0x118: {  	[hbm4b:s6+s3] =	stream.linear.scatter [tilespmem:s22], [sflag:$0x3], $0x80, $0x38;
	[tilespmem:$0xC400] =	vst v63  }
0x119: {  	s6 =	sadd.s32 $0x40, s5;
	s22 =	simm.s32 $0xBFE0  }
0x11a: {  	[hbm4b:s6+s3] =	stream.linear.scatter [tilespmem:s22], [sflag:$0x3], $0x80, $0x38;
	[tilespmem:$0xC400] =	vst v63  }
0x11b: {  	s6 =	sadd.s32 $0x50, s5;
	s22 =	simm.s32 $0xC0E8  }
0x11c: {  	[hbm4b:s6+s3] =	stream.linear.scatter [tilespmem:s22], [sflag:$0x3], $0x80, $0x38;
	[tilespmem:$0xC400] =	vst v63  }
0x11d: {  	s6 =	sadd.s32 $0x60, s5;
	s22 =	simm.s32 $0xC1F0  }
0x11e: {  	[hbm4b:s6+s3] =	stream.linear.scatter [tilespmem:s22], [sflag:$0x3], $0x80, $0x38;
	[tilespmem:$0xC400] =	vst v63  }
0x11f: {  	s5 =	sadd.s32 $0x70, s5;
	s22 =	simm.s32 $0xC2F8  }
0x120: {  	[hbm4b:s5+s3] =	stream.linear.scatter [tilespmem:s22], [sflag:$0x3], $0x80, $0x38;
	[tilespmem:$0xC400] =	vst v63  }
0x121: {  	_ =	swait.ge [sflag:s20], $0x400  }
0x122: {  	s6 =	rddreg [dreg:$0xd]  }
0x123: {  	s5 =	sor.u32 s6, s0  }
0x124: {  	[sflag:s20] =	ssyncset.done $0x0;
	s5 =	sshrl.u32 s5, $0x3  }
0x125: {  	s19 =	simm.s32 $0x8280;
	[sflag:s20] =	ssyncadd.s32 $0xFFFFFC00;
	s22 =	sadd.s32 s1, s5  }
0x126: {  	[hbm4b:s22+s3] =	stream.linear.scatter [tilespmem:s19], [sflag:$0x3], $0x80, $0x38;
	[tilespmem:$0xC400] =	vst v63  }
0x127: {  	s6 =	sadd.s32 $0x10, s22;
	s19 =	simm.s32 $0x8388  }
0x128: {  	[hbm4b:s6+s3] =	stream.linear.scatter [tilespmem:s19], [sflag:$0x3], $0x80, $0x38;
	[tilespmem:$0xC400] =	vst v63  }
0x129: {  	s6 =	sadd.s32 $0x20, s22;
	s19 =	simm.s32 $0x8490  }
0x12a: {  	[hbm4b:s6+s3] =	stream.linear.scatter [tilespmem:s19], [sflag:$0x3], $0x80, $0x38;
	[tilespmem:$0xC400] =	vst v63  }
0x12b: {  	s6 =	sadd.s32 $0x30, s22;
	s19 =	simm.s32 $0x8598  }
0x12c: {  	[hbm4b:s6+s3] =	stream.linear.scatter [tilespmem:s19], [sflag:$0x3], $0x80, $0x38;
	[tilespmem:$0xC400] =	vst v63  }
0x12d: {  	s6 =	sadd.s32 $0x40, s22;
	s19 =	simm.s32 $0x86A0  }
0x12e: {  	[hbm4b:s6+s3] =	stream.linear.scatter [tilespmem:s19], [sflag:$0x3], $0x80, $0x38;
	[tilespmem:$0xC400] =	vst v63  }
0x12f: {  	s6 =	sadd.s32 $0x50, s22;
	s19 =	simm.s32 $0x87A8  }
0x130: {  	[hbm4b:s6+s3] =	stream.linear.scatter [tilespmem:s19], [sflag:$0x3], $0x80, $0x38;
	[tilespmem:$0xC400] =	vst v63  }
0x131: {  	s6 =	sadd.s32 $0x60, s22;
	s19 =	simm.s32 $0x88B0  }
0x132: {  	[hbm4b:s6+s3] =	stream.linear.scatter [tilespmem:s19], [sflag:$0x3], $0x80, $0x38;
	[tilespmem:$0xC400] =	vst v63  }
0x133: {  	s6 =	sadd.s32 $0x70, s22;
	s19 =	simm.s32 $0x89B8  }
0x134: {  	[hbm4b:s6+s3] =	stream.linear.scatter [tilespmem:s19], [sflag:$0x3], $0x80, $0x38;
	[tilespmem:$0xC400] =	vst v63  }
0x135: {  	_ =	swait.ge [sflag:s20], $0x400  }
0x136: {  	[sflag:s20] =	ssyncset.done $0x0  }
0x137: {  	s6 =	sadd.s32 $0x4000, s22;
	s19 =	simm.s32 $0x8AC0;
	[sflag:s20] =	ssyncadd.s32 $0xFFFFFC00  }
0x138: {  	[hbm4b:s6+s3] =	stream.linear.scatter [tilespmem:s19], [sflag:$0x3], $0x80, $0x38;
	[tilespmem:$0xC400] =	vst v63  }
0x139: {  	s6 =	sadd.s32 $0x4010, s22;
	s19 =	simm.s32 $0x8BC8  }
0x13a: {  	[hbm4b:s6+s3] =	stream.linear.scatter [tilespmem:s19], [sflag:$0x3], $0x80, $0x38;
	[tilespmem:$0xC400] =	vst v63  }
0x13b: {  	s6 =	sadd.s32 $0x4020, s22;
	s19 =	simm.s32 $0x8CD0  }
0x13c: {  	[hbm4b:s6+s3] =	stream.linear.scatter [tilespmem:s19], [sflag:$0x3], $0x80, $0x38;
	[tilespmem:$0xC400] =	vst v63  }
0x13d: {  	s6 =	sadd.s32 $0x4030, s22;
	s19 =	simm.s32 $0x8DD8  }
0x13e: {  	[hbm4b:s6+s3] =	stream.linear.scatter [tilespmem:s19], [sflag:$0x3], $0x80, $0x38;
	[tilespmem:$0xC400] =	vst v63  }
0x13f: {  	s6 =	sadd.s32 $0x4040, s22;
	s19 =	simm.s32 $0x8EE0  }
0x140: {  	[hbm4b:s6+s3] =	stream.linear.scatter [tilespmem:s19], [sflag:$0x3], $0x80, $0x38;
	[tilespmem:$0xC400] =	vst v63  }
0x141: {  	s6 =	sadd.s32 $0x4050, s22;
	s19 =	simm.s32 $0x8FE8  }
0x142: {  	[hbm4b:s6+s3] =	stream.linear.scatter [tilespmem:s19], [sflag:$0x3], $0x80, $0x38;
	[tilespmem:$0xC400] =	vst v63  }
0x143: {  	s6 =	sadd.s32 $0x4060, s22;
	s19 =	simm.s32 $0x90F0  }
0x144: {  	[hbm4b:s6+s3] =	stream.linear.scatter [tilespmem:s19], [sflag:$0x3], $0x80, $0x38;
	[tilespmem:$0xC400] =	vst v63  }
0x145: {  	s6 =	sadd.s32 $0x4070, s22;
	s19 =	simm.s32 $0x91F8  }
0x146: {  	[hbm4b:s6+s3] =	stream.linear.scatter [tilespmem:s19], [sflag:$0x3], $0x80, $0x38;
	[tilespmem:$0xC400] =	vst v63  }
0x147: {  	_ =	swait.ge [sflag:s20], $0x400  }
0x148: {  	[sflag:s20] =	ssyncset.done $0x0  }
0x149: {  	s6 =	sadd.s32 $0x8000, s22;
	s19 =	simm.s32 $0x9300;
	[sflag:s20] =	ssyncadd.s32 $0xFFFFFC00  }
0x14a: {  	[hbm4b:s6+s3] =	stream.linear.scatter [tilespmem:s19], [sflag:$0x3], $0x80, $0x38;
	[tilespmem:$0xC400] =	vst v63  }
0x14b: {  	s6 =	sadd.s32 $0x8010, s22;
	s19 =	simm.s32 $0x9408  }
0x14c: {  	[hbm4b:s6+s3] =	stream.linear.scatter [tilespmem:s19], [sflag:$0x3], $0x80, $0x38;
	[tilespmem:$0xC400] =	vst v63  }
0x14d: {  	s6 =	sadd.s32 $0x8020, s22;
	s19 =	simm.s32 $0x9510  }
0x14e: {  	[hbm4b:s6+s3] =	stream.linear.scatter [tilespmem:s19], [sflag:$0x3], $0x80, $0x38;
	[tilespmem:$0xC400] =	vst v63  }
0x14f: {  	s6 =	sadd.s32 $0x8030, s22;
	s19 =	simm.s32 $0x9618  }
0x150: {  	[hbm4b:s6+s3] =	stream.linear.scatter [tilespmem:s19], [sflag:$0x3], $0x80, $0x38;
	[tilespmem:$0xC400] =	vst v63  }
0x151: {  	s6 =	sadd.s32 $0x8040, s22;
	s19 =	simm.s32 $0x9720  }
0x152: {  	[hbm4b:s6+s3] =	stream.linear.scatter [tilespmem:s19], [sflag:$0x3], $0x80, $0x38;
	[tilespmem:$0xC400] =	vst v63  }
0x153: {  	s6 =	sadd.s32 $0x8050, s22;
	s19 =	simm.s32 $0x9828  }
0x154: {  	[hbm4b:s6+s3] =	stream.linear.scatter [tilespmem:s19], [sflag:$0x3], $0x80, $0x38;
	[tilespmem:$0xC400] =	vst v63  }
0x155: {  	s6 =	sadd.s32 $0x8060, s22;
	s19 =	simm.s32 $0x9930  }
0x156: {  	[hbm4b:s6+s3] =	stream.linear.scatter [tilespmem:s19], [sflag:$0x3], $0x80, $0x38;
	[tilespmem:$0xC400] =	vst v63  }
0x157: {  	s6 =	sadd.s32 $0x8070, s22;
	s19 =	simm.s32 $0x9A38  }
0x158: {  	[hbm4b:s6+s3] =	stream.linear.scatter [tilespmem:s19], [sflag:$0x3], $0x80, $0x38;
	[tilespmem:$0xC400] =	vst v63  }
0x159: {  	_ =	swait.ge [sflag:s20], $0x400  }
0x15a: {  	[sflag:s20] =	ssyncset.done $0x0  }
0x15b: {  	s6 =	sadd.s32 $0xC000, s22;
	s19 =	simm.s32 $0x9B40;
	[sflag:s20] =	ssyncadd.s32 $0xFFFFFC00  }
0x15c: {  	[hbm4b:s6+s3] =	stream.linear.scatter [tilespmem:s19], [sflag:$0x3], $0x80, $0x38;
	[tilespmem:$0xC400] =	vst v63  }
0x15d: {  	s6 =	sadd.s32 $0xC010, s22;
	s19 =	simm.s32 $0x9C48  }
0x15e: {  	[hbm4b:s6+s3] =	stream.linear.scatter [tilespmem:s19], [sflag:$0x3], $0x80, $0x38;
	[tilespmem:$0xC400] =	vst v63  }
0x15f: {  	s6 =	sadd.s32 $0xC020, s22;
	s19 =	simm.s32 $0x9D50  }
0x160: {  	[hbm4b:s6+s3] =	stream.linear.scatter [tilespmem:s19], [sflag:$0x3], $0x80, $0x38;
	[tilespmem:$0xC400] =	vst v63  }
0x161: {  	s6 =	sadd.s32 $0xC030, s22;
	s19 =	simm.s32 $0x9E58  }
0x162: {  	[hbm4b:s6+s3] =	stream.linear.scatter [tilespmem:s19], [sflag:$0x3], $0x80, $0x38;
	[tilespmem:$0xC400] =	vst v63  }
0x163: {  	s6 =	sadd.s32 $0xC040, s22;
	s19 =	simm.s32 $0x9F60  }
0x164: {  	[hbm4b:s6+s3] =	stream.linear.scatter [tilespmem:s19], [sflag:$0x3], $0x80, $0x38;
	[tilespmem:$0xC400] =	vst v63  }
0x165: {  	s6 =	sadd.s32 $0xC050, s22;
	s19 =	simm.s32 $0xA068  }
0x166: {  	[hbm4b:s6+s3] =	stream.linear.scatter [tilespmem:s19], [sflag:$0x3], $0x80, $0x38;
	[tilespmem:$0xC400] =	vst v63  }
0x167: {  	s6 =	sadd.s32 $0xC060, s22;
	s19 =	simm.s32 $0xA170  }
0x168: {  	[hbm4b:s6+s3] =	stream.linear.scatter [tilespmem:s19], [sflag:$0x3], $0x80, $0x38;
	[tilespmem:$0xC400] =	vst v63  }
0x169: {  	s6 =	sadd.s32 $0xC070, s22;
	s19 =	simm.s32 $0xA278  }
0x16a: {  	[hbm4b:s6+s3] =	stream.linear.scatter [tilespmem:s19], [sflag:$0x3], $0x80, $0x38;
	[tilespmem:$0xC400] =	vst v63  }
0x16b: {  	_ =	swait.ge [sflag:s20], $0x400  }
0x16c: {  	[sflag:s20] =	ssyncset.done $0x0  }
0x16d: {  	s5 =	sadd.s32 $0x10000, s22;
	s19 =	simm.s32 $0xA380;
	[sflag:s20] =	ssyncadd.s32 $0xFFFFFC00  }
0x16e: {  	[hbm4b:s5+s3] =	stream.linear.scatter [tilespmem:s19], [sflag:$0x3], $0x80, $0x38;
	[tilespmem:$0xC400] =	vst v63  }
0x16f: {  	s6 =	simm.s32 $0xA488;
	s19 =	sadd.s32 $0x10, s5  }
0x170: {  	[hbm4b:s19+s3] =	stream.linear.scatter [tilespmem:s6], [sflag:$0x3], $0x80, $0x38;
	[tilespmem:$0xC400] =	vst v63  }
0x171: {  	s19 =	sadd.s32 $0x20, s5;
	s6 =	simm.s32 $0xA590  }
0x172: {  	[hbm4b:s19+s3] =	stream.linear.scatter [tilespmem:s6], [sflag:$0x3], $0x80, $0x38;
	[tilespmem:$0xC400] =	vst v63  }
0x173: {  	s19 =	sadd.s32 $0x30, s5;
	s6 =	simm.s32 $0xA698  }
0x174: {  	[hbm4b:s19+s3] =	stream.linear.scatter [tilespmem:s6], [sflag:$0x3], $0x80, $0x38;
	[tilespmem:$0xC400] =	vst v63  }
0x175: {  	s19 =	sadd.s32 $0x40, s5;
	s6 =	simm.s32 $0xA7A0  }
0x176: {  	[hbm4b:s19+s3] =	stream.linear.scatter [tilespmem:s6], [sflag:$0x3], $0x80, $0x38;
	[tilespmem:$0xC400] =	vst v63  }
0x177: {  	s19 =	sadd.s32 $0x50, s5;
	s6 =	simm.s32 $0xA8A8  }
0x178: {  	[hbm4b:s19+s3] =	stream.linear.scatter [tilespmem:s6], [sflag:$0x3], $0x80, $0x38;
	[tilespmem:$0xC400] =	vst v63  }
0x179: {  	s19 =	sadd.s32 $0x60, s5;
	s6 =	simm.s32 $0xA9B0  }
0x17a: {  	[hbm4b:s19+s3] =	stream.linear.scatter [tilespmem:s6], [sflag:$0x3], $0x80, $0x38;
	[tilespmem:$0xC400] =	vst v63  }
0x17b: {  	s5 =	sadd.s32 $0x70, s5;
	s19 =	simm.s32 $0xAAB8  }
0x17c: {  	[hbm4b:s5+s3] =	stream.linear.scatter [tilespmem:s19], [sflag:$0x3], $0x80, $0x38;
	[tilespmem:$0xC400] =	vst v63  }
0x17d: {  	_ =	swait.ge [sflag:s20], $0x400  }
0x17e: {  	[sflag:s20] =	ssyncset.done $0x0  }
0x17f: {  	s5 =	sadd.s32 $0x14000, s22;
	s19 =	simm.s32 $0xABC0;
	[sflag:s20] =	ssyncadd.s32 $0xFFFFFC00  }
0x180: {  	[hbm4b:s5+s3] =	stream.linear.scatter [tilespmem:s19], [sflag:$0x3], $0x80, $0x38;
	[tilespmem:$0xC400] =	vst v63  }
0x181: {  	s6 =	simm.s32 $0xACC8;
	s19 =	sadd.s32 $0x10, s5  }
0x182: {  	[hbm4b:s19+s3] =	stream.linear.scatter [tilespmem:s6], [sflag:$0x3], $0x80, $0x38;
	[tilespmem:$0xC400] =	vst v63  }
0x183: {  	s19 =	sadd.s32 $0x20, s5;
	s6 =	simm.s32 $0xADD0  }
0x184: {  	[hbm4b:s19+s3] =	stream.linear.scatter [tilespmem:s6], [sflag:$0x3], $0x80, $0x38;
	[tilespmem:$0xC400] =	vst v63  }
0x185: {  	s19 =	sadd.s32 $0x30, s5;
	s6 =	simm.s32 $0xAED8  }
0x186: {  	[hbm4b:s19+s3] =	stream.linear.scatter [tilespmem:s6], [sflag:$0x3], $0x80, $0x38;
	[tilespmem:$0xC400] =	vst v63  }
0x187: {  	s19 =	sadd.s32 $0x40, s5;
	s6 =	simm.s32 $0xAFE0  }
0x188: {  	[hbm4b:s19+s3] =	stream.linear.scatter [tilespmem:s6], [sflag:$0x3], $0x80, $0x38;
	[tilespmem:$0xC400] =	vst v63  }
0x189: {  	s19 =	sadd.s32 $0x50, s5;
	s6 =	simm.s32 $0xB0E8  }
0x18a: {  	[hbm4b:s19+s3] =	stream.linear.scatter [tilespmem:s6], [sflag:$0x3], $0x80, $0x38;
	[tilespmem:$0xC400] =	vst v63  }
0x18b: {  	s19 =	sadd.s32 $0x60, s5;
	s6 =	simm.s32 $0xB1F0  }
0x18c: {  	[hbm4b:s19+s3] =	stream.linear.scatter [tilespmem:s6], [sflag:$0x3], $0x80, $0x38;
	[tilespmem:$0xC400] =	vst v63  }
0x18d: {  	s5 =	sadd.s32 $0x70, s5;
	s19 =	simm.s32 $0xB2F8  }
0x18e: {  	[hbm4b:s5+s3] =	stream.linear.scatter [tilespmem:s19], [sflag:$0x3], $0x80, $0x38;
	[tilespmem:$0xC400] =	vst v63  }
0x18f: {  	_ =	swait.ge [sflag:s20], $0x400  }
0x190: {  	[sflag:s20] =	ssyncset.done $0x0  }
0x191: {  	s5 =	sadd.s32 $0x18000, s22;
	[sflag:s20] =	ssyncadd.s32 $0xFFFFFC00  }
0x192: {  	[hbm4b:s5+s3] =	stream.linear.scatter [tilespmem:s8], [sflag:$0x3], $0x80, $0x38;
	[tilespmem:$0xC400] =	vst v63  }
0x193: {  	s6 =	sadd.s32 $0x10, s5  }
0x194: {  	[hbm4b:s6+s3] =	stream.linear.scatter [tilespmem:s7], [sflag:$0x3], $0x80, $0x38;
	[tilespmem:$0xC400] =	vst v63  }
0x195: {  	s6 =	sadd.s32 $0x20, s5  }
0x196: {  	[hbm4b:s6+s3] =	stream.linear.scatter [tilespmem:s9], [sflag:$0x3], $0x80, $0x38;
	[tilespmem:$0xC400] =	vst v63  }
0x197: {  	s6 =	sadd.s32 $0x30, s5  }
0x198: {  	[hbm4b:s6+s3] =	stream.linear.scatter [tilespmem:s10], [sflag:$0x3], $0x80, $0x38;
	[tilespmem:$0xC400] =	vst v63  }
0x199: {  	s6 =	sadd.s32 $0x40, s5  }
0x19a: {  	[hbm4b:s6+s3] =	stream.linear.scatter [tilespmem:s11], [sflag:$0x3], $0x80, $0x38;
	[tilespmem:$0xC400] =	vst v63  }
0x19b: {  	s6 =	sadd.s32 $0x50, s5  }
0x19c: {  	[hbm4b:s6+s3] =	stream.linear.scatter [tilespmem:s12], [sflag:$0x3], $0x80, $0x38;
	[tilespmem:$0xC400] =	vst v63  }
0x19d: {  	s6 =	sadd.s32 $0x60, s5  }
0x19e: {  	[hbm4b:s6+s3] =	stream.linear.scatter [tilespmem:s13], [sflag:$0x3], $0x80, $0x38;
	[tilespmem:$0xC400] =	vst v63  }
0x19f: {  	s5 =	sadd.s32 $0x70, s5  }
0x1a0: {  	[hbm4b:s5+s3] =	stream.linear.scatter [tilespmem:s14], [sflag:$0x3], $0x80, $0x38;
	[tilespmem:$0xC400] =	vst v63  }
0x1a1: {  	_ =	swait.ge [sflag:s20], $0x400  }
0x1a2: {  	[sflag:s20] =	ssyncset.done $0x0  }
0x1a3: {  	s5 =	sadd.s32 $0x1C000, s22;
	[sflag:s20] =	ssyncadd.s32 $0xFFFFFC00  }
0x1a4: {  	[hbm4b:s5+s3] =	stream.linear.scatter [tilespmem:s15], [sflag:$0x3], $0x80, $0x38;
	[tilespmem:$0xC400] =	vst v63  }
0x1a5: {  	s6 =	sadd.s32 $0x10, s5  }
0x1a6: {  	[hbm4b:s6+s3] =	stream.linear.scatter [tilespmem:s17], [sflag:$0x3], $0x80, $0x38;
	[tilespmem:$0xC400] =	vst v63  }
0x1a7: {  	s22 =	sadd.s32 $0x20, s5  }
0x1a8: {  	[hbm4b:s22+s3] =	stream.linear.scatter [tilespmem:s21], [sflag:$0x3], $0x80, $0x38;
	[tilespmem:$0xC400] =	vst v63  }
0x1a9: {  	s6 =	sadd.s32 $0x30, s5  }
0x1aa: {  	[hbm4b:s6+s3] =	stream.linear.scatter [tilespmem:s16], [sflag:$0x3], $0x80, $0x38;
	[tilespmem:$0xC400] =	vst v63  }
0x1ab: {  	s22 =	sadd.s32 $0x40, s5  }
0x1ac: {  	[hbm4b:s22+s3] =	stream.linear.scatter [tilespmem:s18], [sflag:$0x3], $0x80, $0x38;
	[tilespmem:$0xC400] =	vst v63  }
0x1ad: {  	s6 =	sadd.s32 $0x50, s5  }
0x1ae: {  	[hbm4b:s6+s3] =	stream.linear.scatter [tilespmem:s26], [sflag:$0x3], $0x80, $0x38;
	[tilespmem:$0xC400] =	vst v63  }
0x1af: {  	s22 =	sadd.s32 $0x60, s5  }
0x1b0: {  	[hbm4b:s22+s3] =	stream.linear.scatter [tilespmem:s28], [sflag:$0x3], $0x80, $0x38;
	[tilespmem:$0xC400] =	vst v63  }
0x1b1: {  	s5 =	sadd.s32 $0x70, s5  }
0x1b2: {  	[hbm4b:s5+s3] =	stream.linear.scatter [tilespmem:s29], [sflag:$0x3], $0x80, $0x38;
	[tilespmem:$0xC400] =	vst v63  }
0x1b3: {  	_ =	swait.ge [sflag:s20], $0x400  }
0x1b4: {  	p0 =	seq.s32 s31, $0x31;
	[sflag:s20] =	ssyncset.done $0x0;
	s5 =	rddreg [dreg:$0xf]  }
0x1b5: {  	[sflag:s20] =	ssyncadd.s32 $0xFFFFFC00;
	s2 =	sadd.s32 @!p0 s2, s5;
	s5 =	simm.s32 @!p0 $0x0  }
0x1b6: {  	[tilespmem:s5], [sflag:$0x3] =	stream.linear.gather @!p0 [hbm4b:s2+s5], $0x100, $0x38;
	[tilespmem:$0xC400] =	vst v63  }
0x1b7: {  	s6 =	simm.s32 $0x1;
	s2 =	simm.s32 @!p0 $0x3  }
0x1b8: {  	v51 =	vmov s6;
	s6 =	simm.s32 $0x7;
	_ =	swait.ge @!p0 [sflag:s2], $0x100  }
0x1b9: {  	s19 =	simm.s32 @!p0 $0x200;
	s22 =	simm.s32 $0x3;
	v55 =	vmov s6;
	[sflag:s2] =	ssyncset.done @!p0 $0x0  }
0x1ba: {  	v34 =	vshrl.u32 v51, $0x3;
	v53 =	vmov s22;
	s22 =	simm.s32 $0x5;
	v38 =	vshrl.u32 v55, $0x3;
	[sflag:s2] =	ssyncadd.s32 @!p0 $0xFFFFFF00;
	s2 =	simm.s32 @!p0 $0x100  }
0x1bb: {  	v34 =	vshll.u32 v34, v1;
	v39 =	vmov s22;
	v38 =	vshll.u32 v38, v1;
	[tilespmem:s19], [sflag:$0x1] =	stream.indirect.gather @!p0 [hbm4b:s4+s2], $0x40, s5, s2, $0xb8;
	[tilespmem:$0xC400] =	vst v63  }
0x1bc: {  	v36 =	vshrl.u32 v53, $0x3;
	v45 =	vbroadcast v34, $0x0;
	v38 =	vbroadcast v38, $0x0;
	s5 =	simm.s32 $0x0  }
0x1bd: {  	v58 =	vshll.u32 v36, v1;
	v55 =	vshrl.u32 v39, $0x3;
	s19 =	simm.s32 $0x2;
	v50 =	vmov s5;
	_ =	swait.ge [sflag:s30], $0x4000  }
0x1be: {  	v60 =	vadd.s32 v5, v45;
	v52 =	vmov s19;
	v33 =	vshrl.u32 v50, $0x3;
	[sflag:s30] =	ssyncset.done $0x0  }
0x1bf: {  	v42 =	vadd.s32 v29, v38;
	s2 =	simm.s32 $0x4300;
	s19 =	simm.s32 $0x4;
	v35 =	vshrl.u32 v52, $0x3;
	v33 =	vshll.u32 v33, v1;
	[sflag:s30] =	ssyncadd.s32 $0xFFFFC000  }
0x1c0: {  	v54 =	vmov s19;
	v56 =	vshll.u32 v35, v1;
	v33 =	vbroadcast v33, $0x0;
	v41 =	vld [tilespmem:s2+$0xC0]  }
0x1c1: {  	v36 =	vshll.u32 v55, v1;
	v37 =	vshrl.u32 v54, $0x3;
	v52 =	vbroadcast v56, $0x0;
	v59 =	vld [tilespmem:s2+$0xFFFFFF40]  }
0x1c2: {  	s5 =	simm.s32 $0x6;
	v35 =	vbroadcast v58, $0x0;
	v43 =	vld [tilespmem:s2+$0xFFFFFF00];
	v61 =	vshll.u32 v37, v1;
	v57 =	vadd.s32 v0, v33  }
0x1c3: {  	v40 =	vmov s5;
	v62 =	vld [tilespmem:s2+$0xFFFFFF80];
	v34 =	vbroadcast v61, $0x0;
	v63 =	vadd.s32 v9, v52  }
0x1c4: {  	v40 =	vshrl.u32 v40, $0x3;
	v39 =	vld [tilespmem:s2+$0xFFFFFFC0];
	v37 =	vbroadcast v36, $0x0;
	v50 =	vadd.s32 v13, v35  }
0x1c5: {  	v51 =	vld [tilespmem:s2+$0x0];
	v56 =	vshll.u32 v40, v1;
	v53 =	vadd.s32 v17, v34;
	[tilespmem:v42+s25+$0x0] =	vst.idx.msk $0xffff, v41  }
0x1c6: {  	v36 =	vbroadcast v56, $0x0;
	[tilespmem:v60+s25+$0x0] =	vst.idx.msk $0xffff, v59;
	v59 =	vld [tilespmem:s2+$0x40];
	v60 =	vadd.s32 v21, v37  }
0x1c7: {  	v58 =	vadd.s32 v30, v38;
	[tilespmem:v57+s25+$0x0] =	vst.idx.msk $0xffff, v43;
	v57 =	vld [tilespmem:s2+$0xD0]  }
0x1c8: {  	v61 =	vld [tilespmem:s2+$0x80];
	[tilespmem:v63+s25+$0x0] =	vst.idx.msk $0xffff, v62;
	v62 =	vadd.s32 v25, v36  }
0x1c9: {  	v47 =	vld [tilespmem:s2+$0xFFFFFF50];
	[tilespmem:v50+s25+$0x0] =	vst.idx.msk $0xffff, v39;
	v63 =	vadd.s32 v6, v45  }
0x1ca: {  	v56 =	vadd.s32 v14, v35;
	v50 =	vld [tilespmem:s2+$0xFFFFFFD0];
	[tilespmem:v53+s25+$0x0] =	vst.idx.msk $0xffff, v51  }
0x1cb: {  	v55 =	vadd.s32 v10, v52;
	v54 =	vld [tilespmem:s2+$0xFFFFFF90];
	[tilespmem:v60+s25+$0x0] =	vst.idx.msk $0xffff, v59  }
0x1cc: {  	v46 =	vadd.s32 v22, v37;
	v44 =	vld [tilespmem:s2+$0x50];
	[tilespmem:v58+s25+$0x0] =	vst.idx.msk $0xffff, v57  }
0x1cd: {  	v57 =	vadd.s32 v31, v38;
	[tilespmem:v62+s25+$0x0] =	vst.idx.msk $0xffff, v61;
	v40 =	vld [tilespmem:s2+$0xE0]  }
0x1ce: {  	v59 =	vadd.s32 v18, v34;
	v58 =	vld [tilespmem:s2+$0x10];
	[tilespmem:v63+s25+$0x0] =	vst.idx.msk $0xffff, v47  }
0x1cf: {  	v61 =	vld [tilespmem:s2+$0xFFFFFF10];
	v62 =	vadd.s32 v2, v33;
	[tilespmem:v56+s25+$0x0] =	vst.idx.msk $0xffff, v50  }
0x1d0: {  	v60 =	vadd.s32 v26, v36;
	[tilespmem:v55+s25+$0x0] =	vst.idx.msk $0xffff, v54;
	v63 =	vld [tilespmem:s2+$0x90]  }
0x1d1: {  	v51 =	vadd.s32 v7, v45;
	v50 =	vld [tilespmem:s2+$0xFFFFFF60];
	[tilespmem:v46+s25+$0x0] =	vst.idx.msk $0xffff, v44  }
0x1d2: {  	v56 =	vadd.s32 v11, v52;
	v55 =	vld [tilespmem:s2+$0xFFFFFFA0];
	[tilespmem:v57+s25+$0x0] =	vst.idx.msk $0xffff, v40  }
0x1d3: {  	v38 =	vadd.s32 v32, v38;
	[tilespmem:v59+s25+$0x0] =	vst.idx.msk $0xffff, v58;
	v54 =	vld [tilespmem:s2+$0xF0]  }
0x1d4: {  	v58 =	vadd.s32 v15, v35;
	[tilespmem:v62+s25+$0x0] =	vst.idx.msk $0xffff, v61;
	v57 =	vld [tilespmem:s2+$0xFFFFFFE0]  }
0x1d5: {  	[tilespmem:v60+s25+$0x0] =	vst.idx.msk $0xffff, v63;
	v59 =	vld [tilespmem:s2+$0x20];
	v60 =	vadd.s32 v19, v34  }
0x1d6: {  	s19 =	simm.s32 $0x9;
	v48 =	vadd.s32 v3, v33;
	v41 =	vadd.s32 v23, v37;
	[tilespmem:v51+s25+$0x0] =	vst.idx.msk $0xffff, v50;
	v40 =	vld [tilespmem:s2+$0x60]  }
0x1d7: {  	s6 =	simm.s32 $0x8;
	s22 =	simm.s32 $0xA;
	v43 =	vadd.s32 v27, v36;
	v53 =	vmov s19;
	v52 =	vadd.s32 v12, v52;
	v42 =	vld [tilespmem:s2+$0xA0];
	[tilespmem:v56+s25+$0x0] =	vst.idx.msk $0xffff, v55  }
0x1d8: {  	v63 =	vmov s6;
	s6 =	simm.s32 $0xB;
	v46 =	vld [tilespmem:s2+$0xFFFFFF20];
	v51 =	vadd.s32 v8, v45;
	[tilespmem:v38+s25+$0x0] =	vst.idx.msk $0xffff, v54;
	v54 =	vmov s22;
	s22 =	simm.s32 $0xC  }
0x1d9: {  	v39 =	vshrl.u32 v63, $0x3;
	v44 =	vmov s6;
	s6 =	simm.s32 $0xD;
	v49 =	vld [tilespmem:s2+$0xFFFFFF70];
	[tilespmem:v58+s25+$0x0] =	vst.idx.msk $0xffff, v57;
	v47 =	vmov s22;
	s22 =	simm.s32 $0xE  }
0x1da: {  	s19 =	simm.s32 $0xF;
	v45 =	vshll.u32 v39, v1;
	v50 =	vld [tilespmem:s2+$0xFFFFFFB0];
	[tilespmem:v60+s25+$0x0] =	vst.idx.msk $0xffff, v59;
	v38 =	vmov s6;
	v39 =	vmov s22;
	s22 =	simm.s32 $0x10  }
.LBB2_5:
0x1db: {  	p0 =	slt.u32 s22, $0xF8;
	v53 =	vshrl.u32 v53, $0x3;
	v55 =	vmov s19;
	v56 =	vld [tilespmem:s2+$0xFFFFFFF0];
	v35 =	vadd.s32 v16, v35;
	[tilespmem:v41+s25+$0x0] =	vst.idx.msk $0xffff, v40  }
0x1dc: {  	v40 =	vshrl.u32 v54, $0x3;
	v34 =	vadd.s32 v20, v34;
	v41 =	vshrl.u32 v55, $0x3;
	v54 =	vld [tilespmem:s2+$0x30];
	[tilespmem:v43+s25+$0x0] =	vst.idx.msk $0xffff, v42  }
0x1dd: {  	v37 =	vadd.s32 v24, v37;
	v42 =	vshrl.u32 v44, $0x3;
	v41 =	vshll.u32 v41, v1;
	[tilespmem:v48+s25+$0x0] =	vst.idx.msk $0xffff, v46;
	v43 =	vld [tilespmem:s2+$0x70]  }
0x1de: {  	v36 =	vadd.s32 v28, v36;
	v44 =	vshrl.u32 v47, $0x3;
	v41 =	vbroadcast v41, $0x0;
	[tilespmem:v51+s25+$0x0] =	vst.idx.msk $0xffff, v49;
	v46 =	vld [tilespmem:s2+$0xB0]  }
0x1df: {  	v47 =	vshll.u32 v53, v1;
	v49 =	vadd.s32 v4, v33;
	v33 =	vbroadcast v45, $0x0;
	v48 =	vld [tilespmem:s2+$0xFFFFFF30];
	[tilespmem:v52+s25+$0x0] =	vst.idx.msk $0xffff, v50;
	s2 =	sadd.s32 $0x200, s2  }
0x1e0: {  	v40 =	vshll.u32 v40, v1;
	v45 =	vbroadcast v47, $0x0;
	v47 =	vld [tilespmem:s2+$0xC0];
	v50 =	vadd.s32 v29, v41;
	[tilespmem:v35+s25+$0x0] =	vst.idx.msk $0xffff, v56  }
0x1e1: {  	v55 =	vbroadcast v40, $0x0;
	v52 =	vadd.s32 v0, v33;
	v35 =	vshll.u32 v42, v1;
	v51 =	vld [tilespmem:s2+$0xFFFFFF00];
	[tilespmem:v34+s25+$0x0] =	vst.idx.msk $0xffff, v54  }
0x1e2: {  	v42 =	vadd.s32 v5, v45;
	v35 =	vbroadcast v35, $0x0;
	v34 =	vshll.u32 v44, v1;
	v40 =	vld [tilespmem:s2+$0xFFFFFF40];
	[tilespmem:v37+s25+$0x0] =	vst.idx.msk $0xffff, v43  }
0x1e3: {  	v44 =	vadd.s32 v9, v55;
	v34 =	vbroadcast v34, $0x0;
	v37 =	vshrl.u32 v38, $0x3;
	v43 =	vld [tilespmem:s2+$0xFFFFFF80];
	[tilespmem:v36+s25+$0x0] =	vst.idx.msk $0xffff, v46  }
0x1e4: {  	v39 =	vshrl.u32 v39, $0x3;
	v46 =	vadd.s32 v13, v35;
	v36 =	vshll.u32 v37, v1;
	v38 =	vld [tilespmem:s2+$0xFFFFFFC0];
	[tilespmem:v49+s25+$0x0] =	vst.idx.msk $0xffff, v48  }
0x1e5: {  	v49 =	vadd.s32 v17, v34;
	v37 =	vbroadcast v36, $0x0;
	v36 =	vshll.u32 v39, v1;
	v48 =	vld [tilespmem:s2+$0x0];
	[tilespmem:v50+s25+$0x0] =	vst.idx.msk $0xffff, v47  }
0x1e6: {  	v36 =	vbroadcast v36, $0x0;
	v47 =	vadd.s32 v30, v41;
	[tilespmem:v52+s25+$0x0] =	vst.idx.msk $0xffff, v51;
	v39 =	vld [tilespmem:s2+$0xD0]  }
0x1e7: {  	[tilespmem:v42+s25+$0x0] =	vst.idx.msk $0xffff, v40;
	v40 =	vld [tilespmem:s2+$0x40];
	v42 =	vadd.s32 v21, v37  }
0x1e8: {  	[tilespmem:v44+s25+$0x0] =	vst.idx.msk $0xffff, v43;
	v43 =	vld [tilespmem:s2+$0x80];
	v44 =	vadd.s32 v25, v36  }
0x1e9: {  	v51 =	vadd.s32 v6, v45;
	v50 =	vld [tilespmem:s2+$0xFFFFFF50];
	[tilespmem:v46+s25+$0x0] =	vst.idx.msk $0xffff, v38  }
0x1ea: {  	v46 =	vadd.s32 v10, v55;
	v38 =	vld [tilespmem:s2+$0xFFFFFF90];
	[tilespmem:v49+s25+$0x0] =	vst.idx.msk $0xffff, v48  }
0x1eb: {  	v49 =	vadd.s32 v14, v35;
	v48 =	vld [tilespmem:s2+$0xFFFFFFD0];
	[tilespmem:v47+s25+$0x0] =	vst.idx.msk $0xffff, v39  }
0x1ec: {  	[tilespmem:v42+s25+$0x0] =	vst.idx.msk $0xffff, v40;
	v39 =	vld [tilespmem:s2+$0xE0];
	v40 =	vadd.s32 v31, v41  }
0x1ed: {  	v47 =	vadd.s32 v18, v34;
	v42 =	vld [tilespmem:s2+$0x10];
	[tilespmem:v44+s25+$0x0] =	vst.idx.msk $0xffff, v43  }
0x1ee: {  	v44 =	vadd.s32 v22, v37;
	[tilespmem:v51+s25+$0x0] =	vst.idx.msk $0xffff, v50;
	v43 =	vld [tilespmem:s2+$0x50]  }
0x1ef: {  	[tilespmem:v46+s25+$0x0] =	vst.idx.msk $0xffff, v38;
	v38 =	vld [tilespmem:s2+$0x90];
	v46 =	vadd.s32 v26, v36  }
0x1f0: {  	v51 =	vadd.s32 v2, v33;
	v50 =	vld [tilespmem:s2+$0xFFFFFF10];
	[tilespmem:v49+s25+$0x0] =	vst.idx.msk $0xffff, v48  }
0x1f1: {  	v49 =	vadd.s32 v7, v45;
	v48 =	vld [tilespmem:s2+$0xFFFFFF60];
	[tilespmem:v40+s25+$0x0] =	vst.idx.msk $0xffff, v39  }
0x1f2: {  	[tilespmem:v47+s25+$0x0] =	vst.idx.msk $0xffff, v42;
	v39 =	vld [tilespmem:s2+$0xF0];
	v47 =	vadd.s32 v32, v41  }
0x1f3: {  	v56 =	vadd.s32 v11, v55;
	v52 =	vld [tilespmem:s2+$0xFFFFFFA0];
	[tilespmem:v44+s25+$0x0] =	vst.idx.msk $0xffff, v43  }
0x1f4: {  	v58 =	vadd.s32 v15, v35;
	v57 =	vld [tilespmem:s2+$0xFFFFFFE0];
	[tilespmem:v46+s25+$0x0] =	vst.idx.msk $0xffff, v38  }
0x1f5: {  	v60 =	vadd.s32 v19, v34;
	[tilespmem:v51+s25+$0x0] =	vst.idx.msk $0xffff, v50;
	v59 =	vld [tilespmem:s2+$0x20]  }
.Ltmp1:
0x1f6: {  	s5 =	sadd.s32 $0x1, s22;
	v41 =	vadd.s32 v23, v37;
	v38 =	vmov s22;
	[tilespmem:v49+s25+$0x0] =	vst.idx.msk $0xffff, v48;
	v40 =	vld [tilespmem:s2+$0x60];
	(pc) =	sbr.rel @p0 .LBB2_5-.Ltmp1, $4  }
0x1f7: {  	s19 =	sadd.s32 $0x3, s22;
	v53 =	vmov s5;
	s5 =	sadd.s32 $0x2, s22;
	v43 =	vadd.s32 v27, v36;
	v50 =	vshrl.u32 v38, $0x3;
	v42 =	vld [tilespmem:s2+$0xA0];
	[tilespmem:v47+s25+$0x0] =	vst.idx.msk $0xffff, v39  }
0x1f8: {  	v54 =	vmov s5;
	s5 =	sadd.s32 $0x4, s22;
	v44 =	vmov s19;
	s19 =	sadd.s32 $0x5, s22;
	v48 =	vadd.s32 v3, v33;
	v46 =	vld [tilespmem:s2+$0xFFFFFF20];
	[tilespmem:v56+s25+$0x0] =	vst.idx.msk $0xffff, v52  }
0x1f9: {  	v38 =	vmov s19;
	v51 =	vadd.s32 v8, v45;
	v47 =	vmov s5;
	s5 =	sadd.s32 $0x6, s22;
	v49 =	vld [tilespmem:s2+$0xFFFFFF70];
	[tilespmem:v58+s25+$0x0] =	vst.idx.msk $0xffff, v57  }
0x1fa: {  	s19 =	sadd.s32 $0x7, s22;
	v45 =	vshll.u32 v50, v1;
	s22 =	sadd.s32 $0x8, s22;
	v39 =	vmov s5;
	v52 =	vadd.s32 v12, v55;
	v50 =	vld [tilespmem:s2+$0xFFFFFFB0];
	[tilespmem:v60+s25+$0x0] =	vst.idx.msk $0xffff, v59  }
0x1fb: {  	_ =	sdelay $0x2  }
0x1fc: {  	v53 =	vshrl.u32 v53, $0x3  }
0x1fd: {  	v55 =	vmov s19;
	v56 =	vld [tilespmem:s2+$0xFFFFFFF0];
	v35 =	vadd.s32 v16, v35;
	[tilespmem:v41+s25+$0x0] =	vst.idx.msk $0xffff, v40;
	v57 =	vshrl.u32 v54, $0x3  }
0x1fe: {  	v59 =	vld [tilespmem:s2+$0x30];
	v34 =	vadd.s32 v20, v34;
	v60 =	vshrl.u32 v44, $0x3;
	v58 =	vshrl.u32 v55, $0x3;
	[tilespmem:v43+s25+$0x0] =	vst.idx.msk $0xffff, v42  }
0x1ff: {  	v37 =	vadd.s32 v24, v37;
	v62 =	vshrl.u32 v47, $0x3;
	v61 =	vld [tilespmem:s2+$0x70];
	v41 =	vshll.u32 v58, v1;
	[tilespmem:v48+s25+$0x0] =	vst.idx.msk $0xffff, v46  }
0x200: {  	v36 =	vadd.s32 v28, v36;
	v45 =	vbroadcast v45, $0x0;
	v63 =	vld [tilespmem:s2+$0xB0];
	v41 =	vbroadcast v41, $0x0;
	[tilespmem:v51+s25+$0x0] =	vst.idx.msk $0xffff, v49  }
0x201: {  	v33 =	vadd.s32 v4, v33;
	s22 =	sadd.s32 $0x200, s2;
	v38 =	vshrl.u32 v38, $0x3;
	v55 =	vshll.u32 v53, v1;
	v48 =	vld [tilespmem:s2+$0xFFFFFF30];
	[tilespmem:v52+s25+$0x0] =	vst.idx.msk $0xffff, v50  }
0x202: {  	v40 =	vshll.u32 v57, v1;
	v47 =	vbroadcast v55, $0x0;
	v49 =	vld [tilespmem:s22+$0xC0];
	v50 =	vadd.s32 v29, v41;
	[tilespmem:v35+s25+$0x0] =	vst.idx.msk $0xffff, v56  }
0x203: {  	v42 =	vshll.u32 v60, v1;
	v40 =	vbroadcast v40, $0x0;
	v35 =	vld [tilespmem:s22+$0xFFFFFF00];
	v56 =	vadd.s32 v0, v45;
	[tilespmem:v34+s25+$0x0] =	vst.idx.msk $0xffff, v59  }
0x204: {  	v57 =	vld [tilespmem:s22+$0xFFFFFF40];
	v44 =	vshll.u32 v62, v1;
	v42 =	vbroadcast v42, $0x0;
	v58 =	vadd.s32 v5, v47;
	[tilespmem:v37+s25+$0x0] =	vst.idx.msk $0xffff, v61  }
0x205: {  	v38 =	vshll.u32 v38, v1;
	v44 =	vbroadcast v44, $0x0;
	v60 =	vadd.s32 v9, v40;
	v59 =	vld [tilespmem:s22+$0xFFFFFF80];
	[tilespmem:v36+s25+$0x0] =	vst.idx.msk $0xffff, v63  }
0x206: {  	v38 =	vbroadcast v38, $0x0;
	v62 =	vadd.s32 v13, v42;
	v61 =	vld [tilespmem:s22+$0xFFFFFFC0];
	[tilespmem:v33+s25+$0x0] =	vst.idx.msk $0xffff, v48  }
0x207: {  	v39 =	vshrl.u32 v39, $0x3;
	v63 =	vadd.s32 v17, v44;
	v33 =	vld [tilespmem:s22+$0x0];
	[tilespmem:v50+s25+$0x0] =	vst.idx.msk $0xffff, v49  }
0x208: {  	v39 =	vshll.u32 v39, v1;
	v34 =	vld [tilespmem:s22+$0x40];
	[tilespmem:v56+s25+$0x0] =	vst.idx.msk $0xffff, v35;
	v56 =	vadd.s32 v21, v38  }
0x209: {  	[tilespmem:v58+s25+$0x0] =	vst.idx.msk $0xffff, v57;
	v35 =	vbroadcast v39, $0x0;
	v49 =	vadd.s32 v30, v41;
	v39 =	vld [tilespmem:s22+$0xD0]  }
0x20a: {  	[tilespmem:v60+s25+$0x0] =	vst.idx.msk $0xffff, v59;
	v59 =	vld [tilespmem:s22+$0xFFFFFF50];
	v60 =	vadd.s32 v6, v47  }
0x20b: {  	v57 =	vld [tilespmem:s22+$0x80];
	[tilespmem:v62+s25+$0x0] =	vst.idx.msk $0xffff, v61;
	v58 =	vadd.s32 v25, v35  }
0x20c: {  	v61 =	vld [tilespmem:s22+$0xFFFFFF90];
	v62 =	vadd.s32 v10, v40;
	[tilespmem:v63+s25+$0x0] =	vst.idx.msk $0xffff, v33  }
0x20d: {  	v33 =	vld [tilespmem:s22+$0xFFFFFFD0];
	v63 =	vadd.s32 v14, v42;
	[tilespmem:v56+s25+$0x0] =	vst.idx.msk $0xffff, v34  }
0x20e: {  	v56 =	vadd.s32 v18, v44;
	[tilespmem:v49+s25+$0x0] =	vst.idx.msk $0xffff, v39;
	v49 =	vld [tilespmem:s22+$0x10]  }
0x20f: {  	[tilespmem:v60+s25+$0x0] =	vst.idx.msk $0xffff, v59;
	v39 =	vadd.s32 v31, v41;
	v34 =	vld [tilespmem:s22+$0xE0]  }
0x210: {  	[tilespmem:v58+s25+$0x0] =	vst.idx.msk $0xffff, v57;
	v57 =	vld [tilespmem:s22+$0x50];
	v58 =	vadd.s32 v22, v38  }
0x211: {  	[tilespmem:v62+s25+$0x0] =	vst.idx.msk $0xffff, v61;
	v61 =	vld [tilespmem:s22+$0xFFFFFF10];
	v62 =	vadd.s32 v2, v45  }
0x212: {  	v60 =	vadd.s32 v26, v35;
	v59 =	vld [tilespmem:s22+$0x90];
	[tilespmem:v63+s25+$0x0] =	vst.idx.msk $0xffff, v33  }
0x213: {  	v55 =	vadd.s32 v11, v40;
	v54 =	vadd.s32 v32, v41;
	v41 =	vld [tilespmem:s22+$0xFFFFFFA0];
	[tilespmem:v56+s25+$0x0] =	vst.idx.msk $0xffff, v49  }
0x214: {  	v53 =	vadd.s32 v7, v47;
	v63 =	vld [tilespmem:s22+$0xFFFFFF60];
	[tilespmem:v39+s25+$0x0] =	vst.idx.msk $0xffff, v34  }
0x215: {  	v56 =	vld [tilespmem:s22+$0xFFFFFFE0];
	[tilespmem:v58+s25+$0x0] =	vst.idx.msk $0xffff, v57;
	v57 =	vadd.s32 v15, v42  }
0x216: {  	[tilespmem:v62+s25+$0x0] =	vst.idx.msk $0xffff, v61;
	v34 =	vld [tilespmem:s22+$0xF0]  }
0x217: {  	v58 =	vld [tilespmem:s22+$0x20];
	[tilespmem:v60+s25+$0x0] =	vst.idx.msk $0xffff, v59;
	v59 =	vadd.s32 v19, v44  }
0x218: {  	v61 =	vadd.s32 v23, v38;
	[tilespmem:v55+s25+$0x0] =	vst.idx.msk $0xffff, v41;
	v60 =	vld [tilespmem:s22+$0x60]  }
0x219: {  	[tilespmem:v53+s25+$0x0] =	vst.idx.msk $0xffff, v63;
	v63 =	vadd.s32 v27, v35;
	v62 =	vld [tilespmem:s22+$0xA0]  }
0x21a: {  	v47 =	vadd.s32 v8, v47;
	v55 =	vld [tilespmem:s22+$0xFFFFFF70];
	[tilespmem:v57+s25+$0x0] =	vst.idx.msk $0xffff, v56  }
0x21b: {  	v40 =	vadd.s32 v12, v40;
	v56 =	vld [tilespmem:s22+$0xFFFFFFB0];
	[tilespmem:v54+s25+$0x0] =	vst.idx.msk $0xffff, v34  }
0x21c: {  	v53 =	vld [tilespmem:s22+$0xFFFFFF20];
	v54 =	vadd.s32 v3, v45;
	[tilespmem:v59+s25+$0x0] =	vst.idx.msk $0xffff, v58  }
0x21d: {  	v42 =	vadd.s32 v16, v42;
	v57 =	vld [tilespmem:s22+$0xFFFFFFF0];
	[tilespmem:v61+s25+$0x0] =	vst.idx.msk $0xffff, v60  }
0x21e: {  	v59 =	vadd.s32 v20, v44;
	v58 =	vld [tilespmem:s22+$0x30];
	[tilespmem:v63+s25+$0x0] =	vst.idx.msk $0xffff, v62  }
0x21f: {  	v38 =	vadd.s32 v24, v38;
	v60 =	vld [tilespmem:s22+$0x70];
	[tilespmem:v47+s25+$0x0] =	vst.idx.msk $0xffff, v55  }
0x220: {  	[tilespmem:v40+s25+$0x0] =	vst.idx.msk $0xffff, v56  }
0x221: {  	[tilespmem:v54+s25+$0x0] =	vst.idx.msk $0xffff, v53  }
0x222: {  	v35 =	vadd.s32 v28, v35;
	v61 =	vld [tilespmem:s22+$0xB0];
	[tilespmem:v42+s25+$0x0] =	vst.idx.msk $0xffff, v57  }
0x223: {  	v63 =	vadd.s32 v4, v45;
	v62 =	vld [tilespmem:s22+$0xFFFFFF30];
	[tilespmem:v59+s25+$0x0] =	vst.idx.msk $0xffff, v58  }
0x224: {  	[tilespmem:v38+s25+$0x0] =	vst.idx.msk $0xffff, v60  }
0x225: {  	s5 =	rddreg [dreg:$0xe]  }
0x226: {  	s2 =	sor.u32 s5, s0  }
0x227: {  	[tilespmem:v35+s25+$0x0] =	vst.idx.msk $0xffff, v61;
	s2 =	sshrl.u32 s2, $0x3  }
0x228: {  	s2 =	sadd.s32 s1, s2;
	[tilespmem:v63+s25+$0x0] =	vst.idx.msk $0xffff, v62  }
0x229: {  	[hbm4b:s2+s3] =	stream.linear.scatter [tilespmem:s25], [sflag:$0x3], $0x80, $0x38;
	[tilespmem:$0xC400] =	vst v63  }
0x22a: {  	s6 =	simm.s32 $0x8308;
	s5 =	sadd.s32 $0x10, s2  }
0x22b: {  	[hbm4b:s5+s3] =	stream.linear.scatter [tilespmem:s6], [sflag:$0x3], $0x80, $0x38;
	[tilespmem:$0xC400] =	vst v63  }
0x22c: {  	s22 =	sadd.s32 $0x20, s2  }
0x22d: {  	[hbm4b:s22+s3] =	stream.linear.scatter [tilespmem:s23], [sflag:$0x3], $0x80, $0x38;
	[tilespmem:$0xC400] =	vst v63  }
0x22e: {  	s6 =	simm.s32 $0x8518;
	s23 =	sadd.s32 $0x30, s2  }
0x22f: {  	[hbm4b:s23+s3] =	stream.linear.scatter [tilespmem:s6], [sflag:$0x3], $0x80, $0x38;
	[tilespmem:$0xC400] =	vst v63  }
0x230: {  	s19 =	simm.s32 $0x8620;
	s6 =	sadd.s32 $0x40, s2  }
0x231: {  	[hbm4b:s6+s3] =	stream.linear.scatter [tilespmem:s19], [sflag:$0x3], $0x80, $0x38;
	[tilespmem:$0xC400] =	vst v63  }
0x232: {  	s22 =	sadd.s32 $0x50, s2;
	s23 =	simm.s32 $0x8728  }
0x233: {  	[hbm4b:s22+s3] =	stream.linear.scatter [tilespmem:s23], [sflag:$0x3], $0x80, $0x38;
	[tilespmem:$0xC400] =	vst v63  }
0x234: {  	s6 =	sadd.s32 $0x60, s2;
	s19 =	simm.s32 $0x8830  }
0x235: {  	[hbm4b:s6+s3] =	stream.linear.scatter [tilespmem:s19], [sflag:$0x3], $0x80, $0x38;
	[tilespmem:$0xC400] =	vst v63  }
0x236: {  	s22 =	sadd.s32 $0x70, s2;
	s23 =	simm.s32 $0x8938  }
0x237: {  	[hbm4b:s22+s3] =	stream.linear.scatter [tilespmem:s23], [sflag:$0x3], $0x80, $0x38;
	[tilespmem:$0xC400] =	vst v63  }
0x238: {  	_ =	swait.ge [sflag:s20], $0x400  }
0x239: {  	[sflag:s20] =	ssyncset.done $0x0  }
0x23a: {  	s6 =	sadd.s32 $0x4000, s2;
	s19 =	simm.s32 $0x8A40;
	[sflag:s20] =	ssyncadd.s32 $0xFFFFFC00  }
0x23b: {  	[hbm4b:s6+s3] =	stream.linear.scatter [tilespmem:s19], [sflag:$0x3], $0x80, $0x38;
	[tilespmem:$0xC400] =	vst v63  }
0x23c: {  	s22 =	sadd.s32 $0x4010, s2;
	s23 =	simm.s32 $0x8B48  }
0x23d: {  	[hbm4b:s22+s3] =	stream.linear.scatter [tilespmem:s23], [sflag:$0x3], $0x80, $0x38;
	[tilespmem:$0xC400] =	vst v63  }
0x23e: {  	s6 =	sadd.s32 $0x4020, s2;
	s19 =	simm.s32 $0x8C50  }
0x23f: {  	[hbm4b:s6+s3] =	stream.linear.scatter [tilespmem:s19], [sflag:$0x3], $0x80, $0x38;
	[tilespmem:$0xC400] =	vst v63  }
0x240: {  	s22 =	sadd.s32 $0x4030, s2;
	s23 =	simm.s32 $0x8D58  }
0x241: {  	[hbm4b:s22+s3] =	stream.linear.scatter [tilespmem:s23], [sflag:$0x3], $0x80, $0x38;
	[tilespmem:$0xC400] =	vst v63  }
0x242: {  	s6 =	sadd.s32 $0x4040, s2;
	s19 =	simm.s32 $0x8E60  }
0x243: {  	[hbm4b:s6+s3] =	stream.linear.scatter [tilespmem:s19], [sflag:$0x3], $0x80, $0x38;
	[tilespmem:$0xC400] =	vst v63  }
0x244: {  	s22 =	sadd.s32 $0x4050, s2;
	s23 =	simm.s32 $0x8F68  }
0x245: {  	[hbm4b:s22+s3] =	stream.linear.scatter [tilespmem:s23], [sflag:$0x3], $0x80, $0x38;
	[tilespmem:$0xC400] =	vst v63  }
0x246: {  	s6 =	sadd.s32 $0x4060, s2;
	s19 =	simm.s32 $0x9070  }
0x247: {  	[hbm4b:s6+s3] =	stream.linear.scatter [tilespmem:s19], [sflag:$0x3], $0x80, $0x38;
	[tilespmem:$0xC400] =	vst v63  }
0x248: {  	s22 =	sadd.s32 $0x4070, s2;
	s23 =	simm.s32 $0x9178  }
0x249: {  	[hbm4b:s22+s3] =	stream.linear.scatter [tilespmem:s23], [sflag:$0x3], $0x80, $0x38;
	[tilespmem:$0xC400] =	vst v63  }
0x24a: {  	_ =	swait.ge [sflag:s20], $0x400  }
0x24b: {  	[sflag:s20] =	ssyncset.done $0x0  }
0x24c: {  	s6 =	sadd.s32 $0x8000, s2;
	s19 =	simm.s32 $0x9280;
	[sflag:s20] =	ssyncadd.s32 $0xFFFFFC00  }
0x24d: {  	[hbm4b:s6+s3] =	stream.linear.scatter [tilespmem:s19], [sflag:$0x3], $0x80, $0x38;
	[tilespmem:$0xC400] =	vst v63  }
0x24e: {  	s22 =	sadd.s32 $0x8010, s2;
	s23 =	simm.s32 $0x9388  }
0x24f: {  	[hbm4b:s22+s3] =	stream.linear.scatter [tilespmem:s23], [sflag:$0x3], $0x80, $0x38;
	[tilespmem:$0xC400] =	vst v63  }
0x250: {  	s6 =	sadd.s32 $0x8020, s2;
	s19 =	simm.s32 $0x9490  }
0x251: {  	[hbm4b:s6+s3] =	stream.linear.scatter [tilespmem:s19], [sflag:$0x3], $0x80, $0x38;
	[tilespmem:$0xC400] =	vst v63  }
0x252: {  	s22 =	sadd.s32 $0x8030, s2;
	s23 =	simm.s32 $0x9598  }
0x253: {  	[hbm4b:s22+s3] =	stream.linear.scatter [tilespmem:s23], [sflag:$0x3], $0x80, $0x38;
	[tilespmem:$0xC400] =	vst v63  }
0x254: {  	s6 =	sadd.s32 $0x8040, s2;
	s19 =	simm.s32 $0x96A0  }
0x255: {  	[hbm4b:s6+s3] =	stream.linear.scatter [tilespmem:s19], [sflag:$0x3], $0x80, $0x38;
	[tilespmem:$0xC400] =	vst v63  }
0x256: {  	s22 =	sadd.s32 $0x8050, s2;
	s23 =	simm.s32 $0x97A8  }
0x257: {  	[hbm4b:s22+s3] =	stream.linear.scatter [tilespmem:s23], [sflag:$0x3], $0x80, $0x38;
	[tilespmem:$0xC400] =	vst v63  }
0x258: {  	s6 =	sadd.s32 $0x8060, s2;
	s19 =	simm.s32 $0x98B0  }
0x259: {  	[hbm4b:s6+s3] =	stream.linear.scatter [tilespmem:s19], [sflag:$0x3], $0x80, $0x38;
	[tilespmem:$0xC400] =	vst v63  }
0x25a: {  	s22 =	sadd.s32 $0x8070, s2;
	s23 =	simm.s32 $0x99B8  }
0x25b: {  	[hbm4b:s22+s3] =	stream.linear.scatter [tilespmem:s23], [sflag:$0x3], $0x80, $0x38;
	[tilespmem:$0xC400] =	vst v63  }
0x25c: {  	_ =	swait.ge [sflag:s20], $0x400  }
0x25d: {  	[sflag:s20] =	ssyncset.done $0x0  }
0x25e: {  	s6 =	sadd.s32 $0xC000, s2;
	s19 =	simm.s32 $0x9AC0;
	[sflag:s20] =	ssyncadd.s32 $0xFFFFFC00  }
0x25f: {  	[hbm4b:s6+s3] =	stream.linear.scatter [tilespmem:s19], [sflag:$0x3], $0x80, $0x38;
	[tilespmem:$0xC400] =	vst v63  }
0x260: {  	s22 =	sadd.s32 $0xC010, s2;
	s23 =	simm.s32 $0x9BC8  }
0x261: {  	[hbm4b:s22+s3] =	stream.linear.scatter [tilespmem:s23], [sflag:$0x3], $0x80, $0x38;
	[tilespmem:$0xC400] =	vst v63  }
0x262: {  	s6 =	sadd.s32 $0xC020, s2;
	s19 =	simm.s32 $0x9CD0  }
0x263: {  	[hbm4b:s6+s3] =	stream.linear.scatter [tilespmem:s19], [sflag:$0x3], $0x80, $0x38;
	[tilespmem:$0xC400] =	vst v63  }
0x264: {  	s22 =	sadd.s32 $0xC030, s2;
	s23 =	simm.s32 $0x9DD8  }
0x265: {  	[hbm4b:s22+s3] =	stream.linear.scatter [tilespmem:s23], [sflag:$0x3], $0x80, $0x38;
	[tilespmem:$0xC400] =	vst v63  }
0x266: {  	s6 =	sadd.s32 $0xC040, s2;
	s19 =	simm.s32 $0x9EE0  }
0x267: {  	[hbm4b:s6+s3] =	stream.linear.scatter [tilespmem:s19], [sflag:$0x3], $0x80, $0x38;
	[tilespmem:$0xC400] =	vst v63  }
0x268: {  	s22 =	sadd.s32 $0xC050, s2;
	s23 =	simm.s32 $0x9FE8  }
0x269: {  	[hbm4b:s22+s3] =	stream.linear.scatter [tilespmem:s23], [sflag:$0x3], $0x80, $0x38;
	[tilespmem:$0xC400] =	vst v63  }
0x26a: {  	s6 =	sadd.s32 $0xC060, s2;
	s19 =	simm.s32 $0xA0F0  }
0x26b: {  	[hbm4b:s6+s3] =	stream.linear.scatter [tilespmem:s19], [sflag:$0x3], $0x80, $0x38;
	[tilespmem:$0xC400] =	vst v63  }
0x26c: {  	s22 =	sadd.s32 $0xC070, s2;
	s23 =	simm.s32 $0xA1F8  }
0x26d: {  	[hbm4b:s22+s3] =	stream.linear.scatter [tilespmem:s23], [sflag:$0x3], $0x80, $0x38;
	[tilespmem:$0xC400] =	vst v63  }
0x26e: {  	_ =	swait.ge [sflag:s20], $0x400  }
0x26f: {  	[sflag:s20] =	ssyncset.done $0x0  }
0x270: {  	s5 =	sadd.s32 $0x10000, s2;
	s19 =	simm.s32 $0xA300;
	[sflag:s20] =	ssyncadd.s32 $0xFFFFFC00  }
0x271: {  	[hbm4b:s5+s3] =	stream.linear.scatter [tilespmem:s19], [sflag:$0x3], $0x80, $0x38;
	[tilespmem:$0xC400] =	vst v63  }
0x272: {  	s22 =	sadd.s32 $0x10, s5;
	s23 =	simm.s32 $0xA408  }
0x273: {  	[hbm4b:s22+s3] =	stream.linear.scatter [tilespmem:s23], [sflag:$0x3], $0x80, $0x38;
	[tilespmem:$0xC400] =	vst v63  }
0x274: {  	s22 =	sadd.s32 $0x20, s5;
	s23 =	simm.s32 $0xA510  }
0x275: {  	[hbm4b:s22+s3] =	stream.linear.scatter [tilespmem:s23], [sflag:$0x3], $0x80, $0x38;
	[tilespmem:$0xC400] =	vst v63  }
0x276: {  	s22 =	sadd.s32 $0x30, s5;
	s23 =	simm.s32 $0xA618  }
0x277: {  	[hbm4b:s22+s3] =	stream.linear.scatter [tilespmem:s23], [sflag:$0x3], $0x80, $0x38;
	[tilespmem:$0xC400] =	vst v63  }
0x278: {  	s22 =	sadd.s32 $0x40, s5;
	s23 =	simm.s32 $0xA720  }
0x279: {  	[hbm4b:s22+s3] =	stream.linear.scatter [tilespmem:s23], [sflag:$0x3], $0x80, $0x38;
	[tilespmem:$0xC400] =	vst v63  }
0x27a: {  	s22 =	sadd.s32 $0x50, s5;
	s23 =	simm.s32 $0xA828  }
0x27b: {  	[hbm4b:s22+s3] =	stream.linear.scatter [tilespmem:s23], [sflag:$0x3], $0x80, $0x38;
	[tilespmem:$0xC400] =	vst v63  }
0x27c: {  	s6 =	sadd.s32 $0x60, s5;
	s22 =	simm.s32 $0xA930  }
0x27d: {  	[hbm4b:s6+s3] =	stream.linear.scatter [tilespmem:s22], [sflag:$0x3], $0x80, $0x38;
	[tilespmem:$0xC400] =	vst v63  }
0x27e: {  	s5 =	sadd.s32 $0x70, s5;
	s23 =	simm.s32 $0xAA38  }
0x27f: {  	[hbm4b:s5+s3] =	stream.linear.scatter [tilespmem:s23], [sflag:$0x3], $0x80, $0x38;
	[tilespmem:$0xC400] =	vst v63  }
0x280: {  	_ =	swait.ge [sflag:s20], $0x400  }
0x281: {  	[sflag:s20] =	ssyncset.done $0x0  }
0x282: {  	s19 =	simm.s32 $0xAB40;
	s5 =	sadd.s32 $0x14000, s2;
	[sflag:s20] =	ssyncadd.s32 $0xFFFFFC00  }
0x283: {  	[hbm4b:s5+s3] =	stream.linear.scatter [tilespmem:s19], [sflag:$0x3], $0x80, $0x38;
	[tilespmem:$0xC400] =	vst v63  }
0x284: {  	s23 =	simm.s32 $0xAC48;
	s22 =	sadd.s32 $0x10, s5  }
0x285: {  	[hbm4b:s22+s3] =	stream.linear.scatter [tilespmem:s23], [sflag:$0x3], $0x80, $0x38;
	[tilespmem:$0xC400] =	vst v63  }
0x286: {  	s22 =	sadd.s32 $0x20, s5;
	s23 =	simm.s32 $0xAD50  }
0x287: {  	[hbm4b:s22+s3] =	stream.linear.scatter [tilespmem:s23], [sflag:$0x3], $0x80, $0x38;
	[tilespmem:$0xC400] =	vst v63  }
0x288: {  	s22 =	sadd.s32 $0x30, s5;
	s23 =	simm.s32 $0xAE58  }
0x289: {  	[hbm4b:s22+s3] =	stream.linear.scatter [tilespmem:s23], [sflag:$0x3], $0x80, $0x38;
	[tilespmem:$0xC400] =	vst v63  }
0x28a: {  	s22 =	sadd.s32 $0x40, s5;
	s23 =	simm.s32 $0xAF60  }
0x28b: {  	[hbm4b:s22+s3] =	stream.linear.scatter [tilespmem:s23], [sflag:$0x3], $0x80, $0x38;
	[tilespmem:$0xC400] =	vst v63  }
0x28c: {  	s22 =	sadd.s32 $0x50, s5;
	s23 =	simm.s32 $0xB068  }
0x28d: {  	[hbm4b:s22+s3] =	stream.linear.scatter [tilespmem:s23], [sflag:$0x3], $0x80, $0x38;
	[tilespmem:$0xC400] =	vst v63  }
0x28e: {  	s6 =	sadd.s32 $0x60, s5;
	s22 =	simm.s32 $0xB170  }
0x28f: {  	[hbm4b:s6+s3] =	stream.linear.scatter [tilespmem:s22], [sflag:$0x3], $0x80, $0x38;
	[tilespmem:$0xC400] =	vst v63  }
0x290: {  	s5 =	sadd.s32 $0x70, s5;
	s23 =	simm.s32 $0xB278  }
0x291: {  	[hbm4b:s5+s3] =	stream.linear.scatter [tilespmem:s23], [sflag:$0x3], $0x80, $0x38;
	[tilespmem:$0xC400] =	vst v63  }
0x292: {  	_ =	swait.ge [sflag:s20], $0x400  }
0x293: {  	[sflag:s20] =	ssyncset.done $0x0  }
0x294: {  	s19 =	simm.s32 $0xB380;
	s5 =	sadd.s32 $0x18000, s2;
	[sflag:s20] =	ssyncadd.s32 $0xFFFFFC00  }
0x295: {  	[hbm4b:s5+s3] =	stream.linear.scatter [tilespmem:s19], [sflag:$0x3], $0x80, $0x38;
	[tilespmem:$0xC400] =	vst v63  }
0x296: {  	s23 =	simm.s32 $0xB488;
	s22 =	sadd.s32 $0x10, s5  }
0x297: {  	[hbm4b:s22+s3] =	stream.linear.scatter [tilespmem:s23], [sflag:$0x3], $0x80, $0x38;
	[tilespmem:$0xC400] =	vst v63  }
0x298: {  	s22 =	sadd.s32 $0x20, s5;
	s23 =	simm.s32 $0xB590  }
0x299: {  	[hbm4b:s22+s3] =	stream.linear.scatter [tilespmem:s23], [sflag:$0x3], $0x80, $0x38;
	[tilespmem:$0xC400] =	vst v63  }
0x29a: {  	s22 =	sadd.s32 $0x30, s5;
	s23 =	simm.s32 $0xB698  }
0x29b: {  	[hbm4b:s22+s3] =	stream.linear.scatter [tilespmem:s23], [sflag:$0x3], $0x80, $0x38;
	[tilespmem:$0xC400] =	vst v63  }
0x29c: {  	s22 =	sadd.s32 $0x40, s5;
	s23 =	simm.s32 $0xB7A0  }
0x29d: {  	[hbm4b:s22+s3] =	stream.linear.scatter [tilespmem:s23], [sflag:$0x3], $0x80, $0x38;
	[tilespmem:$0xC400] =	vst v63  }
0x29e: {  	s22 =	sadd.s32 $0x50, s5;
	s23 =	simm.s32 $0xB8A8  }
0x29f: {  	[hbm4b:s22+s3] =	stream.linear.scatter [tilespmem:s23], [sflag:$0x3], $0x80, $0x38;
	[tilespmem:$0xC400] =	vst v63  }
0x2a0: {  	s6 =	sadd.s32 $0x60, s5;
	s22 =	simm.s32 $0xB9B0  }
0x2a1: {  	[hbm4b:s6+s3] =	stream.linear.scatter [tilespmem:s22], [sflag:$0x3], $0x80, $0x38;
	[tilespmem:$0xC400] =	vst v63  }
0x2a2: {  	s5 =	sadd.s32 $0x70, s5;
	s23 =	simm.s32 $0xBAB8  }
0x2a3: {  	[hbm4b:s5+s3] =	stream.linear.scatter [tilespmem:s23], [sflag:$0x3], $0x80, $0x38;
	[tilespmem:$0xC400] =	vst v63  }
0x2a4: {  	_ =	swait.ge [sflag:s20], $0x400  }
0x2a5: {  	[sflag:s20] =	ssyncset.done $0x0  }
0x2a6: {  	s2 =	sadd.s32 $0x1C000, s2;
	s19 =	simm.s32 $0xBBC0;
	[sflag:s20] =	ssyncadd.s32 $0xFFFFFC00  }
0x2a7: {  	[hbm4b:s2+s3] =	stream.linear.scatter [tilespmem:s19], [sflag:$0x3], $0x80, $0x38;
	[tilespmem:$0xC400] =	vst v63  }
0x2a8: {  	s22 =	sadd.s32 $0x10, s2;
	s23 =	simm.s32 $0xBCC8  }
0x2a9: {  	[hbm4b:s22+s3] =	stream.linear.scatter [tilespmem:s23], [sflag:$0x3], $0x80, $0x38;
	[tilespmem:$0xC400] =	vst v63  }
0x2aa: {  	s6 =	sadd.s32 $0x20, s2;
	s19 =	simm.s32 $0xBDD0  }
0x2ab: {  	[hbm4b:s6+s3] =	stream.linear.scatter [tilespmem:s19], [sflag:$0x3], $0x80, $0x38;
	[tilespmem:$0xC400] =	vst v63  }
0x2ac: {  	s22 =	sadd.s32 $0x30, s2;
	s23 =	simm.s32 $0xBED8  }
0x2ad: {  	[hbm4b:s22+s3] =	stream.linear.scatter [tilespmem:s23], [sflag:$0x3], $0x80, $0x38;
	[tilespmem:$0xC400] =	vst v63  }
0x2ae: {  	s6 =	sadd.s32 $0x40, s2;
	s19 =	simm.s32 $0xBFE0  }
0x2af: {  	[hbm4b:s6+s3] =	stream.linear.scatter [tilespmem:s19], [sflag:$0x3], $0x80, $0x38;
	[tilespmem:$0xC400] =	vst v63  }
0x2b0: {  	s22 =	sadd.s32 $0x50, s2;
	s23 =	simm.s32 $0xC0E8  }
0x2b1: {  	[hbm4b:s22+s3] =	stream.linear.scatter [tilespmem:s23], [sflag:$0x3], $0x80, $0x38;
	[tilespmem:$0xC400] =	vst v63  }
0x2b2: {  	s6 =	sadd.s32 $0x60, s2;
	s19 =	simm.s32 $0xC1F0  }
0x2b3: {  	[hbm4b:s6+s3] =	stream.linear.scatter [tilespmem:s19], [sflag:$0x3], $0x80, $0x38;
	[tilespmem:$0xC400] =	vst v63  }
0x2b4: {  	s2 =	sadd.s32 $0x70, s2;
	s22 =	simm.s32 $0xC2F8  }
0x2b5: {  	[hbm4b:s2+s3] =	stream.linear.scatter [tilespmem:s22], [sflag:$0x3], $0x80, $0x38;
	[tilespmem:$0xC400] =	vst v63  }
0x2b6: {  	_ =	swait.ge [sflag:s20], $0x400  }
0x2b7: {  	s23 =	rddreg [dreg:$0x10]  }
0x2b8: {  	s2 =	sadd.s32 s23, s0  }
0x2b9: {  	[sflag:s20] =	ssyncset.done $0x0;
	s0 =	sshrl.u32 s2, $0x3  }
0x2ba: {  	s5 =	simm.s32 $0x8280;
	[sflag:s20] =	ssyncadd.s32 $0xFFFFFC00;
	s0 =	sadd.s32 s1, s0  }
0x2bb: {  	[hbm4b:s0+s3] =	stream.linear.scatter [tilespmem:s5], [sflag:$0x3], $0x80, $0x38;
	[tilespmem:$0xC400] =	vst v63  }
0x2bc: {  	s19 =	simm.s32 $0x8388;
	s6 =	sadd.s32 $0x10, s0  }
0x2bd: {  	[hbm4b:s6+s3] =	stream.linear.scatter [tilespmem:s19], [sflag:$0x3], $0x80, $0x38;
	[tilespmem:$0xC400] =	vst v63  }
0x2be: {  	s23 =	simm.s32 $0x8490;
	s22 =	sadd.s32 $0x20, s0  }
0x2bf: {  	[hbm4b:s22+s3] =	stream.linear.scatter [tilespmem:s23], [sflag:$0x3], $0x80, $0x38;
	[tilespmem:$0xC400] =	vst v63  }
0x2c0: {  	s6 =	sadd.s32 $0x30, s0;
	s19 =	simm.s32 $0x8598  }
0x2c1: {  	[hbm4b:s6+s3] =	stream.linear.scatter [tilespmem:s19], [sflag:$0x3], $0x80, $0x38;
	[tilespmem:$0xC400] =	vst v63  }
0x2c2: {  	s22 =	sadd.s32 $0x40, s0;
	s23 =	simm.s32 $0x86A0  }
0x2c3: {  	[hbm4b:s22+s3] =	stream.linear.scatter [tilespmem:s23], [sflag:$0x3], $0x80, $0x38;
	[tilespmem:$0xC400] =	vst v63  }
0x2c4: {  	s6 =	sadd.s32 $0x50, s0;
	s19 =	simm.s32 $0x87A8  }
0x2c5: {  	[hbm4b:s6+s3] =	stream.linear.scatter [tilespmem:s19], [sflag:$0x3], $0x80, $0x38;
	[tilespmem:$0xC400] =	vst v63  }
0x2c6: {  	s22 =	sadd.s32 $0x60, s0;
	s23 =	simm.s32 $0x88B0  }
0x2c7: {  	[hbm4b:s22+s3] =	stream.linear.scatter [tilespmem:s23], [sflag:$0x3], $0x80, $0x38;
	[tilespmem:$0xC400] =	vst v63  }
0x2c8: {  	s6 =	sadd.s32 $0x70, s0;
	s19 =	simm.s32 $0x89B8  }
0x2c9: {  	[hbm4b:s6+s3] =	stream.linear.scatter [tilespmem:s19], [sflag:$0x3], $0x80, $0x38;
	[tilespmem:$0xC400] =	vst v63  }
0x2ca: {  	_ =	swait.ge [sflag:s20], $0x400  }
0x2cb: {  	[sflag:s20] =	ssyncset.done $0x0  }
0x2cc: {  	s22 =	sadd.s32 $0x4000, s0;
	s23 =	simm.s32 $0x8AC0;
	[sflag:s20] =	ssyncadd.s32 $0xFFFFFC00  }
0x2cd: {  	[hbm4b:s22+s3] =	stream.linear.scatter [tilespmem:s23], [sflag:$0x3], $0x80, $0x38;
	[tilespmem:$0xC400] =	vst v63  }
0x2ce: {  	s6 =	sadd.s32 $0x4010, s0;
	s19 =	simm.s32 $0x8BC8  }
0x2cf: {  	[hbm4b:s6+s3] =	stream.linear.scatter [tilespmem:s19], [sflag:$0x3], $0x80, $0x38;
	[tilespmem:$0xC400] =	vst v63  }
0x2d0: {  	s22 =	sadd.s32 $0x4020, s0;
	s23 =	simm.s32 $0x8CD0  }
0x2d1: {  	[hbm4b:s22+s3] =	stream.linear.scatter [tilespmem:s23], [sflag:$0x3], $0x80, $0x38;
	[tilespmem:$0xC400] =	vst v63  }
0x2d2: {  	s6 =	sadd.s32 $0x4030, s0;
	s19 =	simm.s32 $0x8DD8  }
0x2d3: {  	[hbm4b:s6+s3] =	stream.linear.scatter [tilespmem:s19], [sflag:$0x3], $0x80, $0x38;
	[tilespmem:$0xC400] =	vst v63  }
0x2d4: {  	s22 =	sadd.s32 $0x4040, s0;
	s23 =	simm.s32 $0x8EE0  }
0x2d5: {  	[hbm4b:s22+s3] =	stream.linear.scatter [tilespmem:s23], [sflag:$0x3], $0x80, $0x38;
	[tilespmem:$0xC400] =	vst v63  }
0x2d6: {  	s6 =	sadd.s32 $0x4050, s0;
	s19 =	simm.s32 $0x8FE8  }
0x2d7: {  	[hbm4b:s6+s3] =	stream.linear.scatter [tilespmem:s19], [sflag:$0x3], $0x80, $0x38;
	[tilespmem:$0xC400] =	vst v63  }
0x2d8: {  	s22 =	sadd.s32 $0x4060, s0;
	s23 =	simm.s32 $0x90F0  }
0x2d9: {  	[hbm4b:s22+s3] =	stream.linear.scatter [tilespmem:s23], [sflag:$0x3], $0x80, $0x38;
	[tilespmem:$0xC400] =	vst v63  }
0x2da: {  	s6 =	sadd.s32 $0x4070, s0;
	s19 =	simm.s32 $0x91F8  }
0x2db: {  	[hbm4b:s6+s3] =	stream.linear.scatter [tilespmem:s19], [sflag:$0x3], $0x80, $0x38;
	[tilespmem:$0xC400] =	vst v63  }
0x2dc: {  	_ =	swait.ge [sflag:s20], $0x400  }
0x2dd: {  	[sflag:s20] =	ssyncset.done $0x0  }
0x2de: {  	s22 =	sadd.s32 $0x8000, s0;
	s23 =	simm.s32 $0x9300;
	[sflag:s20] =	ssyncadd.s32 $0xFFFFFC00  }
0x2df: {  	[hbm4b:s22+s3] =	stream.linear.scatter [tilespmem:s23], [sflag:$0x3], $0x80, $0x38;
	[tilespmem:$0xC400] =	vst v63  }
0x2e0: {  	s6 =	sadd.s32 $0x8010, s0;
	s19 =	simm.s32 $0x9408  }
0x2e1: {  	[hbm4b:s6+s3] =	stream.linear.scatter [tilespmem:s19], [sflag:$0x3], $0x80, $0x38;
	[tilespmem:$0xC400] =	vst v63  }
0x2e2: {  	s22 =	sadd.s32 $0x8020, s0;
	s23 =	simm.s32 $0x9510  }
0x2e3: {  	[hbm4b:s22+s3] =	stream.linear.scatter [tilespmem:s23], [sflag:$0x3], $0x80, $0x38;
	[tilespmem:$0xC400] =	vst v63  }
0x2e4: {  	s6 =	sadd.s32 $0x8030, s0;
	s19 =	simm.s32 $0x9618  }
0x2e5: {  	[hbm4b:s6+s3] =	stream.linear.scatter [tilespmem:s19], [sflag:$0x3], $0x80, $0x38;
	[tilespmem:$0xC400] =	vst v63  }
0x2e6: {  	s22 =	sadd.s32 $0x8040, s0;
	s23 =	simm.s32 $0x9720  }
0x2e7: {  	[hbm4b:s22+s3] =	stream.linear.scatter [tilespmem:s23], [sflag:$0x3], $0x80, $0x38;
	[tilespmem:$0xC400] =	vst v63  }
0x2e8: {  	s6 =	sadd.s32 $0x8050, s0;
	s19 =	simm.s32 $0x9828  }
0x2e9: {  	[hbm4b:s6+s3] =	stream.linear.scatter [tilespmem:s19], [sflag:$0x3], $0x80, $0x38;
	[tilespmem:$0xC400] =	vst v63  }
0x2ea: {  	s22 =	sadd.s32 $0x8060, s0;
	s23 =	simm.s32 $0x9930  }
0x2eb: {  	[hbm4b:s22+s3] =	stream.linear.scatter [tilespmem:s23], [sflag:$0x3], $0x80, $0x38;
	[tilespmem:$0xC400] =	vst v63  }
0x2ec: {  	s6 =	sadd.s32 $0x8070, s0;
	s19 =	simm.s32 $0x9A38  }
0x2ed: {  	[hbm4b:s6+s3] =	stream.linear.scatter [tilespmem:s19], [sflag:$0x3], $0x80, $0x38;
	[tilespmem:$0xC400] =	vst v63  }
0x2ee: {  	_ =	swait.ge [sflag:s20], $0x400  }
0x2ef: {  	[sflag:s20] =	ssyncset.done $0x0  }
0x2f0: {  	s22 =	sadd.s32 $0xC000, s0;
	s23 =	simm.s32 $0x9B40;
	[sflag:s20] =	ssyncadd.s32 $0xFFFFFC00  }
0x2f1: {  	[hbm4b:s22+s3] =	stream.linear.scatter [tilespmem:s23], [sflag:$0x3], $0x80, $0x38;
	[tilespmem:$0xC400] =	vst v63  }
0x2f2: {  	s6 =	sadd.s32 $0xC010, s0;
	s19 =	simm.s32 $0x9C48  }
0x2f3: {  	[hbm4b:s6+s3] =	stream.linear.scatter [tilespmem:s19], [sflag:$0x3], $0x80, $0x38;
	[tilespmem:$0xC400] =	vst v63  }
0x2f4: {  	s22 =	sadd.s32 $0xC020, s0;
	s23 =	simm.s32 $0x9D50  }
0x2f5: {  	[hbm4b:s22+s3] =	stream.linear.scatter [tilespmem:s23], [sflag:$0x3], $0x80, $0x38;
	[tilespmem:$0xC400] =	vst v63  }
0x2f6: {  	s6 =	sadd.s32 $0xC030, s0;
	s19 =	simm.s32 $0x9E58  }
0x2f7: {  	[hbm4b:s6+s3] =	stream.linear.scatter [tilespmem:s19], [sflag:$0x3], $0x80, $0x38;
	[tilespmem:$0xC400] =	vst v63  }
0x2f8: {  	s22 =	sadd.s32 $0xC040, s0;
	s23 =	simm.s32 $0x9F60  }
0x2f9: {  	[hbm4b:s22+s3] =	stream.linear.scatter [tilespmem:s23], [sflag:$0x3], $0x80, $0x38;
	[tilespmem:$0xC400] =	vst v63  }
0x2fa: {  	s6 =	sadd.s32 $0xC050, s0;
	s19 =	simm.s32 $0xA068  }
0x2fb: {  	[hbm4b:s6+s3] =	stream.linear.scatter [tilespmem:s19], [sflag:$0x3], $0x80, $0x38;
	[tilespmem:$0xC400] =	vst v63  }
0x2fc: {  	s22 =	sadd.s32 $0xC060, s0;
	s23 =	simm.s32 $0xA170  }
0x2fd: {  	[hbm4b:s22+s3] =	stream.linear.scatter [tilespmem:s23], [sflag:$0x3], $0x80, $0x38;
	[tilespmem:$0xC400] =	vst v63  }
0x2fe: {  	s5 =	sadd.s32 $0xC070, s0;
	s6 =	simm.s32 $0xA278  }
0x2ff: {  	[hbm4b:s5+s3] =	stream.linear.scatter [tilespmem:s6], [sflag:$0x3], $0x80, $0x38;
	[tilespmem:$0xC400] =	vst v63  }
0x300: {  	_ =	swait.ge [sflag:s20], $0x400  }
0x301: {  	[sflag:s20] =	ssyncset.done $0x0  }
0x302: {  	s2 =	sadd.s32 $0x10000, s0;
	s19 =	simm.s32 $0xA380;
	[sflag:s20] =	ssyncadd.s32 $0xFFFFFC00  }
0x303: {  	[hbm4b:s2+s3] =	stream.linear.scatter [tilespmem:s19], [sflag:$0x3], $0x80, $0x38;
	[tilespmem:$0xC400] =	vst v63  }
0x304: {  	s22 =	sadd.s32 $0x10, s2;
	s23 =	simm.s32 $0xA488  }
0x305: {  	[hbm4b:s22+s3] =	stream.linear.scatter [tilespmem:s23], [sflag:$0x3], $0x80, $0x38;
	[tilespmem:$0xC400] =	vst v63  }
0x306: {  	s6 =	sadd.s32 $0x20, s2;
	s19 =	simm.s32 $0xA590  }
0x307: {  	[hbm4b:s6+s3] =	stream.linear.scatter [tilespmem:s19], [sflag:$0x3], $0x80, $0x38;
	[tilespmem:$0xC400] =	vst v63  }
0x308: {  	s22 =	sadd.s32 $0x30, s2;
	s23 =	simm.s32 $0xA698  }
0x309: {  	[hbm4b:s22+s3] =	stream.linear.scatter [tilespmem:s23], [sflag:$0x3], $0x80, $0x38;
	[tilespmem:$0xC400] =	vst v63  }
0x30a: {  	s6 =	sadd.s32 $0x40, s2;
	s19 =	simm.s32 $0xA7A0  }
0x30b: {  	[hbm4b:s6+s3] =	stream.linear.scatter [tilespmem:s19], [sflag:$0x3], $0x80, $0x38;
	[tilespmem:$0xC400] =	vst v63  }
0x30c: {  	s22 =	sadd.s32 $0x50, s2;
	s23 =	simm.s32 $0xA8A8  }
0x30d: {  	[hbm4b:s22+s3] =	stream.linear.scatter [tilespmem:s23], [sflag:$0x3], $0x80, $0x38;
	[tilespmem:$0xC400] =	vst v63  }
0x30e: {  	s6 =	sadd.s32 $0x60, s2;
	s19 =	simm.s32 $0xA9B0  }
0x30f: {  	[hbm4b:s6+s3] =	stream.linear.scatter [tilespmem:s19], [sflag:$0x3], $0x80, $0x38;
	[tilespmem:$0xC400] =	vst v63  }
0x310: {  	s2 =	sadd.s32 $0x70, s2;
	s22 =	simm.s32 $0xAAB8  }
0x311: {  	[hbm4b:s2+s3] =	stream.linear.scatter [tilespmem:s22], [sflag:$0x3], $0x80, $0x38;
	[tilespmem:$0xC400] =	vst v63  }
0x312: {  	_ =	swait.ge [sflag:s20], $0x400  }
0x313: {  	[sflag:s20] =	ssyncset.done $0x0  }
0x314: {  	s23 =	simm.s32 $0xABC0;
	s2 =	sadd.s32 $0x14000, s0;
	[sflag:s20] =	ssyncadd.s32 $0xFFFFFC00  }
0x315: {  	[hbm4b:s2+s3] =	stream.linear.scatter [tilespmem:s23], [sflag:$0x3], $0x80, $0x38;
	[tilespmem:$0xC400] =	vst v63  }
0x316: {  	s19 =	simm.s32 $0xACC8;
	s6 =	sadd.s32 $0x10, s2  }
0x317: {  	[hbm4b:s6+s3] =	stream.linear.scatter [tilespmem:s19], [sflag:$0x3], $0x80, $0x38;
	[tilespmem:$0xC400] =	vst v63  }
0x318: {  	s22 =	sadd.s32 $0x20, s2;
	s23 =	simm.s32 $0xADD0  }
0x319: {  	[hbm4b:s22+s3] =	stream.linear.scatter [tilespmem:s23], [sflag:$0x3], $0x80, $0x38;
	[tilespmem:$0xC400] =	vst v63  }
0x31a: {  	s6 =	sadd.s32 $0x30, s2;
	s19 =	simm.s32 $0xAED8  }
0x31b: {  	[hbm4b:s6+s3] =	stream.linear.scatter [tilespmem:s19], [sflag:$0x3], $0x80, $0x38;
	[tilespmem:$0xC400] =	vst v63  }
0x31c: {  	s22 =	sadd.s32 $0x40, s2;
	s23 =	simm.s32 $0xAFE0  }
0x31d: {  	[hbm4b:s22+s3] =	stream.linear.scatter [tilespmem:s23], [sflag:$0x3], $0x80, $0x38;
	[tilespmem:$0xC400] =	vst v63  }
0x31e: {  	s6 =	sadd.s32 $0x50, s2;
	s19 =	simm.s32 $0xB0E8  }
0x31f: {  	[hbm4b:s6+s3] =	stream.linear.scatter [tilespmem:s19], [sflag:$0x3], $0x80, $0x38;
	[tilespmem:$0xC400] =	vst v63  }
0x320: {  	s22 =	sadd.s32 $0x60, s2;
	s23 =	simm.s32 $0xB1F0  }
0x321: {  	[hbm4b:s22+s3] =	stream.linear.scatter [tilespmem:s23], [sflag:$0x3], $0x80, $0x38;
	[tilespmem:$0xC400] =	vst v63  }
0x322: {  	s2 =	sadd.s32 $0x70, s2;
	s6 =	simm.s32 $0xB2F8  }
0x323: {  	[hbm4b:s2+s3] =	stream.linear.scatter [tilespmem:s6], [sflag:$0x3], $0x80, $0x38;
	[tilespmem:$0xC400] =	vst v63  }
0x324: {  	_ =	swait.ge [sflag:s20], $0x400  }
0x325: {  	[sflag:s20] =	ssyncset.done $0x0  }
0x326: {  	s2 =	sadd.s32 $0x18000, s0;
	[sflag:s20] =	ssyncadd.s32 $0xFFFFFC00  }
0x327: {  	[hbm4b:s2+s3] =	stream.linear.scatter [tilespmem:s8], [sflag:$0x3], $0x80, $0x38;
	[tilespmem:$0xC400] =	vst v63  }
0x328: {  	s19 =	sadd.s32 $0x10, s2  }
0x329: {  	[hbm4b:s19+s3] =	stream.linear.scatter [tilespmem:s7], [sflag:$0x3], $0x80, $0x38;
	[tilespmem:$0xC400] =	vst v63  }
0x32a: {  	s22 =	sadd.s32 $0x20, s2  }
0x32b: {  	[hbm4b:s22+s3] =	stream.linear.scatter [tilespmem:s9], [sflag:$0x3], $0x80, $0x38;
	[tilespmem:$0xC400] =	vst v63  }
0x32c: {  	s23 =	sadd.s32 $0x30, s2  }
0x32d: {  	[hbm4b:s23+s3] =	stream.linear.scatter [tilespmem:s10], [sflag:$0x3], $0x80, $0x38;
	[tilespmem:$0xC400] =	vst v63  }
0x32e: {  	s6 =	sadd.s32 $0x40, s2  }
0x32f: {  	[hbm4b:s6+s3] =	stream.linear.scatter [tilespmem:s11], [sflag:$0x3], $0x80, $0x38;
	[tilespmem:$0xC400] =	vst v63  }
0x330: {  	s19 =	sadd.s32 $0x50, s2  }
0x331: {  	[hbm4b:s19+s3] =	stream.linear.scatter [tilespmem:s12], [sflag:$0x3], $0x80, $0x38;
	[tilespmem:$0xC400] =	vst v63  }
0x332: {  	s22 =	sadd.s32 $0x60, s2  }
0x333: {  	[hbm4b:s22+s3] =	stream.linear.scatter [tilespmem:s13], [sflag:$0x3], $0x80, $0x38;
	[tilespmem:$0xC400] =	vst v63  }
0x334: {  	s2 =	sadd.s32 $0x70, s2  }
0x335: {  	[hbm4b:s2+s3] =	stream.linear.scatter [tilespmem:s14], [sflag:$0x3], $0x80, $0x38;
	[tilespmem:$0xC400] =	vst v63  }
0x336: {  	_ =	swait.ge [sflag:s20], $0x400  }
0x337: {  	[sflag:s20] =	ssyncset.done $0x0  }
0x338: {  	s0 =	sadd.s32 $0x1C000, s0;
	[sflag:s20] =	ssyncadd.s32 $0xFFFFFC00  }
0x339: {  	[hbm4b:s0+s3] =	stream.linear.scatter [tilespmem:s15], [sflag:$0x3], $0x80, $0x38;
	[tilespmem:$0xC400] =	vst v63  }
0x33a: {  	s23 =	sadd.s32 $0x10, s0  }
0x33b: {  	[hbm4b:s23+s3] =	stream.linear.scatter [tilespmem:s17], [sflag:$0x3], $0x80, $0x38;
	[tilespmem:$0xC400] =	vst v63  }
0x33c: {  	s5 =	sadd.s32 $0x20, s0  }
0x33d: {  	[hbm4b:s5+s3] =	stream.linear.scatter [tilespmem:s21], [sflag:$0x3], $0x80, $0x38;
	[tilespmem:$0xC400] =	vst v63  }
0x33e: {  	s6 =	sadd.s32 $0x30, s0  }
0x33f: {  	[hbm4b:s6+s3] =	stream.linear.scatter [tilespmem:s16], [sflag:$0x3], $0x80, $0x38;
	[tilespmem:$0xC400] =	vst v63  }
0x340: {  	s19 =	sadd.s32 $0x40, s0  }
0x341: {  	[hbm4b:s19+s3] =	stream.linear.scatter [tilespmem:s18], [sflag:$0x3], $0x80, $0x38;
	[tilespmem:$0xC400] =	vst v63  }
0x342: {  	s31 =	sadd.s32 $0x1, s31;
	s22 =	sadd.s32 $0x50, s0  }
0x343: {  	[hbm4b:s22+s3] =	stream.linear.scatter [tilespmem:s26], [sflag:$0x3], $0x80, $0x38;
	[tilespmem:$0xC400] =	vst v63  }
0x344: {  	p0 =	sne.s32 s31, $0x32;
	s23 =	sadd.s32 $0x60, s0  }
0x345: {  	[hbm4b:s23+s3] =	stream.linear.scatter [tilespmem:s28], [sflag:$0x3], $0x80, $0x38;
	[tilespmem:$0xC400] =	vst v63  }
.Ltmp2:
0x346: {  	s0 =	sadd.s32 $0x70, s0;
	(pc) =	sbr.rel @p0 .LBB2_2-.Ltmp2, $4  }
0x347: {  	[hbm4b:s0+s3] =	stream.linear.scatter [tilespmem:s29], [sflag:$0x3], $0x80, $0x38;
	[tilespmem:$0xC400] =	vst v63  }
0x348: {  	_ =	swait.ge [sflag:s20], $0x400  }
0x349: {  	[sflag:s20] =	ssyncset.done $0x0  }
0x34a: {  	[sflag:s20] =	ssyncadd.s32 $0xFFFFFC00  }
0x34b: {  	s2 =	rddreg [dreg:$0x12]  }
0x34c: {  	s0 =	rddreg [dreg:$0x11];
	s2 =	sadd.s32 $0x1, s2  }
0x34d: {  	p0 =	sne.s32 s2, s0  }
.Ltmp3:
0x34e: {  	_ = 	snop;
	(pc) =	sbr.rel @p0 .LBB2_1-.Ltmp3, $1  }
0x34f: {  	_ =	sdelay $0x3  }
0x350: {  	_ =	sfence.sel $0x180000  }
0x351: {  	[bflag:$0x0] =	sbarrier.arrive $0xFFFF  }
0x352: {  	_ =	strace $0x90000047  }
0x353: {  	s0 =	stileid.u32;
	[bflag:$0x2] =	sbarrier.arrive $0xFFFF  }
0x354: {  	p0 =	sne.s32 s0, $0x0;
	s0 =	rddreg [dreg:$0x2]  }
0x355: {  	s0 =	sadd.s32 @!p0 $0x100000, s0  }
0x356: {  	[sflag:s0] =	ssyncadd.tile.s32 @!p0 $0x1;
	_ =	shalt  }
.Lfunc_end2:
_tile_overlayer_lowered:
.L_overlay_start_2:
0x357: {  	(tag) =	ssettag $0x2  }
0x358: {  	s0 =	rddreg [dreg:$0x0];
	s2 =	stileid.u32  }
0x359: {  	s1 =	rddreg [dreg:$0x1];
	p0 =	sne.s32 s2, $0x0  }
0x35a: {  	s3 =	rddreg [dreg:$0x2];
	[bflag:$0x3] =	sbarrier.arrive $0xFFFF;
	s2 =	simm.s32 @!p0 $0x1C03  }
0x35b: {  	[timem:s3], [sflag:s2] =	dma.local @!p0 [hbm:s0], s1  }
0x35c: {  	s0 =	simm.s32 @!p0 $0x3  }
0x35d: {  	_ =	swait.ge @!p0 [sflag:s0], s1  }
0x35e: {  	s1 =	ssub.s32 @!p0 $0x0, s1;
	[sflag:s0] =	ssyncset.done @!p0 $0x0  }
0x35f: {  	[sflag:s0] =	ssyncadd.s32 @!p0 s1  }
0x360: {  	[bflag:$0x3] =	sbarrier.arrive $0xFFFF  }
0x361: {  	_ =	shalt  }

</sc_bundles>
